<compile_context>
chip_gen: v7x
topology: tpu7x:2x2x1
jax: 0.10.2.dev20260603
libtpu: 0.0.44.dev20260713+nightly
codegen_flags: <defaults>
</compile_context>

<pallas_src>
import functools

import jax
import jax.numpy as jnp
from jax import lax
from jax.experimental import pallas as pl
from jax.experimental.pallas import tpu as pltpu
from jax.experimental.pallas import tpu_sc as plsc

N_NODES = 10000
DIM = 128
N_EDGES = 320000
NUM_LAYERS = 3

NC = 2
NS = 16
NW = NC * NS
LANES = 16
CHUNK = 128
CPT = 80
EPT = CHUNK * CPT
E_PAD = NW * EPT
N_ACC = 10240
RPT = N_ACC // NS


def _sc_mesh():
    return plsc.VectorSubcoreMesh(
        core_axis_name="c", subcore_axis_name="s", num_cores=NC, num_subcores=NS
    )


_SC_PARAMS = pltpu.CompilerParams(needs_layout_passes=False)


def _hist_body(to_h, deg_out, deg_sh, ones_v, idx_v, z_v):
    cc = lax.axis_index("c")
    s = lax.axis_index("s")
    wid = cc * NS + s
    zero16 = jnp.zeros((LANES,), jnp.float32)
    one16 = jnp.ones((LANES,), jnp.float32)

    for q in range(CHUNK // LANES):
        ones_v[pl.ds(LANES * q, LANES)] = one16
        z_v[pl.ds(LANES * q, LANES)] = zero16

    base = pl.multiple_of(s * RPT, RPT)
    for b in range(RPT // CHUNK):
        pltpu.sync_copy(z_v, deg_sh.at[pl.ds(base + b * CHUNK, CHUNK)])
    plsc.subcore_barrier()

    pltpu.sync_copy(to_h.at[wid], idx_v)

    def hrow(j, _):
        pltpu.sync_copy(ones_v, deg_sh.at[idx_v.at[j]], add=True)
        return 0

    lax.fori_loop(0, CPT, hrow, 0)
    plsc.subcore_barrier()
    pltpu.sync_copy(deg_sh.at[pl.ds(base, RPT)], deg_out.at[cc, pl.ds(base, RPT)])


def _hist_call(to_p):
    return pl.kernel(
        _hist_body,
        out_type=jax.ShapeDtypeStruct((NC, N_ACC), jnp.float32),
        mesh=_sc_mesh(),
        compiler_params=_SC_PARAMS,
        scratch_types=[
            pltpu.VMEM_SHARED((N_ACC,), jnp.float32),
            pltpu.VMEM((CHUNK,), jnp.float32),
            pltpu.VMEM((CPT, CHUNK), jnp.int32),
            pltpu.VMEM((CHUNK,), jnp.float32),
        ],
    )(to_p)


def _dis_body(deg_ref, dis_ref):
    deg = deg_ref[0] + deg_ref[1]
    pos = deg > 0.0
    dis_ref[...] = jnp.where(pos, lax.rsqrt(jnp.where(pos, deg, 1.0)), 0.0)


def _dis_call(deg_partials):
    d3 = deg_partials.reshape(NC, N_ACC // DIM, DIM)
    return pl.pallas_call(
        _dis_body,
        out_shape=jax.ShapeDtypeStruct((N_ACC // DIM, DIM), jnp.float32),
    )(d3)


def _coeff_body(from_h, to_h, attr_h, dis_h, c_h, from_v, to_v, attr_v, dis_v,
                c_v):
    cc = lax.axis_index("c")
    s = lax.axis_index("s")
    wid = cc * NS + s

    pltpu.sync_copy(dis_h, dis_v)
    pltpu.sync_copy(from_h.at[wid], from_v)
    pltpu.sync_copy(to_h.at[wid], to_v)
    pltpu.sync_copy(attr_h.at[wid], attr_v)

    def crow(j, _):
        for q in range(CHUNK // LANES):
            sl = pl.ds(LANES * q, LANES)
            f16 = from_v[j, sl]
            t16 = to_v[j, sl]
            df = plsc.load_gather(
                dis_v, [lax.shift_right_logical(f16, 7), f16 & 127])
            dt = plsc.load_gather(
                dis_v, [lax.shift_right_logical(t16, 7), t16 & 127])
            a16 = attr_v[j, sl]
            c_v[j, sl] = df * dt * (1.0 + jnp.exp(-a16))
        return 0

    lax.fori_loop(0, CPT, crow, 0)
    pltpu.sync_copy(c_v, c_h.at[wid])


def _coeff_call(from_p, to_p, attr_p, dis):
    return pl.kernel(
        _coeff_body,
        out_type=jax.ShapeDtypeStruct((NW, CPT, CHUNK), jnp.float32),
        mesh=_sc_mesh(),
        compiler_params=_SC_PARAMS,
        scratch_types=[
            pltpu.VMEM((CPT, CHUNK), jnp.int32),
            pltpu.VMEM((CPT, CHUNK), jnp.int32),
            pltpu.VMEM((CPT, CHUNK), jnp.float32),
            pltpu.VMEM((N_ACC // DIM, DIM), jnp.float32),
            pltpu.VMEM((CPT, CHUNK), jnp.float32),
        ],
    )(from_p, to_p, attr_p, dis)


def _layer_body(from_h, to_h, c_h, emb_h, p_h, acc_sh, from_v, to_v, c_v, gbuf,
                gsem):
    cc = lax.axis_index("c")
    s = lax.axis_index("s")
    wid = cc * NS + s
    zero16 = jnp.zeros((LANES,), jnp.float32)

    def zrow(r, _):
        for q in range(DIM // LANES):
            gbuf[r, pl.ds(LANES * q, LANES)] = zero16
        return 0

    lax.fori_loop(0, CHUNK, zrow, 0)
    base = pl.multiple_of(s * RPT, RPT)
    for b in range(RPT // CHUNK):
        pltpu.sync_copy(gbuf, acc_sh.at[pl.ds(base + b * CHUNK, CHUNK)])

    pltpu.sync_copy(from_h.at[wid], from_v)
    pltpu.sync_copy(to_h.at[wid], to_v)
    pltpu.sync_copy(c_h.at[wid], c_v)
    plsc.subcore_barrier()

    def step(j, _):
        pltpu.async_copy(emb_h.at[from_v.at[j]], gbuf, gsem).wait()
        jidx = jnp.full((LANES,), j, jnp.int32)

        def srow(e, _):
            cb = plsc.load_gather(c_v, [jidx, jnp.full((LANES,), e, jnp.int32)])
            for q in range(DIM // LANES):
                sl = pl.ds(LANES * q, LANES)
                gbuf[e, sl] = gbuf[e, sl] * cb
            return 0

        lax.fori_loop(0, CHUNK, srow, 0)
        pltpu.sync_copy(gbuf, acc_sh.at[to_v.at[j]], add=True)
        return 0

    lax.fori_loop(0, CPT, step, 0)
    plsc.subcore_barrier()
    pltpu.sync_copy(acc_sh.at[pl.ds(base, RPT)], p_h.at[cc, pl.ds(base, RPT)])


def _layer_call(from_p, to_p, c, emb):
    return pl.kernel(
        _layer_body,
        out_type=jax.ShapeDtypeStruct((NC, N_ACC, DIM), jnp.float32),
        mesh=_sc_mesh(),
        compiler_params=_SC_PARAMS,
        scratch_types=[
            pltpu.VMEM_SHARED((N_ACC, DIM), jnp.float32),
            pltpu.VMEM((CPT, CHUNK), jnp.int32),
            pltpu.VMEM((CPT, CHUNK), jnp.int32),
            pltpu.VMEM((CPT, CHUNK), jnp.float32),
            pltpu.VMEM((CHUNK, DIM), jnp.float32),
            pltpu.SemaphoreType.DMA,
        ],
    )(from_p, to_p, c, emb)


def _combine_body(p_ref, acc_ref, emb_ref, accout_ref, *, scale):
    p = p_ref[...]
    e = p[0] + p[1]
    emb_ref[...] = e
    accout_ref[...] = (acc_ref[...] + e) * scale


_COMBINE_ROWS = 1000


def _combine_call(p, acc, scale):
    grid = N_NODES // _COMBINE_ROWS
    return pl.pallas_call(
        functools.partial(_combine_body, scale=scale),
        grid=(grid,),
        in_specs=[
            pl.BlockSpec((2, _COMBINE_ROWS, DIM), lambda i: (0, i, 0)),
            pl.BlockSpec((_COMBINE_ROWS, DIM), lambda i: (i, 0)),
        ],
        out_specs=[
            pl.BlockSpec((_COMBINE_ROWS, DIM), lambda i: (i, 0)),
            pl.BlockSpec((_COMBINE_ROWS, DIM), lambda i: (i, 0)),
        ],
        out_shape=[
            jax.ShapeDtypeStruct((N_NODES, DIM), jnp.float32),
            jax.ShapeDtypeStruct((N_NODES, DIM), jnp.float32),
        ],
    )(p, acc)


def kernel(edge_index, edge_attrs, emb_weight):
    from_ = edge_index[0].astype(jnp.int32)
    to_ = edge_index[1].astype(jnp.int32)
    attr = edge_attrs.astype(jnp.float32)

    pad = E_PAD - N_EDGES
    dummy = N_NODES + (jnp.arange(pad, dtype=jnp.int32) % (N_ACC - N_NODES))
    from_p = jnp.concatenate([from_, jnp.zeros((pad,), jnp.int32)]).reshape(
        NW, CPT, CHUNK)
    to_p = jnp.concatenate([to_, dummy]).reshape(NW, CPT, CHUNK)
    attr_p = jnp.concatenate([attr, jnp.zeros((pad,), jnp.float32)]).reshape(
        NW, CPT, CHUNK)

    deg_partials = _hist_call(to_p)
    dis = _dis_call(deg_partials)
    c = _coeff_call(from_p, to_p, attr_p, dis)

    emb = emb_weight
    acc = emb_weight
    for layer in range(NUM_LAYERS):
        partials = _layer_call(from_p, to_p, c, emb)
        scale = 1.0 / (NUM_LAYERS + 1) if layer == NUM_LAYERS - 1 else 1.0
        emb, acc = _combine_call(partials, acc, scale)

    return (emb_weight, acc)

# --- scband reference (transcript-rebuilt; emitter-appended) ---
"""Pipeline reference for scband-rec-sys-gnn2-47467978556190 (READ-ONLY COPY).

The authoritative reference and input builder live on the scoring server;
editing this copy changes nothing except your own understanding.
"""

import jax, jax.numpy as jnp
import numpy as np

NUM_USERS = 3000
NUM_ITEMS = 7000
LATENT_DIM = 128
NUM_LAYERS = 3
N_EDGES = 320000


def setup_inputs(seed: int = 0) -> dict:
    key = jax.random.key(seed)
    k1, k2, k3 = jax.random.split(key, 3)
    N = NUM_USERS + NUM_ITEMS
    edge_index = jax.random.randint(k1, (2, N_EDGES), 0, N)
    edge_attrs = jax.random.normal(k2, (N_EDGES,), dtype=jnp.float32)
    # nn.Embedding weight initialized with normal(std=0.1) for LightGCN
    emb_weight = jax.random.normal(k3, (N, LATENT_DIM), dtype=jnp.float32) * 0.1
    return {"edge_index": edge_index, "edge_attrs": edge_attrs, "emb_weight": emb_weight}


def reference(edge_index, edge_attrs, emb_weight):
    from_ = edge_index[0]
    to_ = edge_index[1]
    N = emb_weight.shape[0]
    # degree of destination nodes
    deg = jax.ops.segment_sum(jnp.ones(from_.shape, dtype=emb_weight.dtype), to_, num_segments=N)
    # deg^{-1/2} with inf -> 0
    safe_deg = jnp.where(deg > 0, deg, 1.0)
    deg_inv_sqrt = jnp.where(deg > 0, jax.lax.rsqrt(safe_deg), 0.0)
    norm = deg_inv_sqrt[from_] * deg_inv_sqrt[to_]
    sig = jax.nn.sigmoid(edge_attrs)
    emb0 = emb_weight
    embs = [emb0]
    emb = emb0
    for _ in range(NUM_LAYERS):
        # LightGCNConv message: norm * (x_j / sigmoid(attr)); aggr='add' over dst
        msg = norm[:, None] * (emb[from_] / sig[:, None])
        emb = jax.ops.segment_sum(msg, to_, num_segments=N)
        embs.append(emb)
    out = jnp.mean(jnp.stack(embs, axis=0), axis=0)
    return (emb0, out)

if __name__ == "__main__":
    import jax
    _d = setup_inputs()
    print(jax.jit(kernel)(*tuple(_d.values())))

</pallas_src>

<mosaic_0001>
#map = affine_map<(d0, d1) -> (0, 0, 0)>
#map1 = affine_map<(d0, d1) -> (0, 0)>
module attributes {stable_mosaic.version = 14 : i64} {
  func.func @_layer_body(%arg0: i32, %arg1: i32, %arg2: memref<32x80x128xi32, #tpu.memory_space<hbm>>, %arg3: memref<32x80x128xi32, #tpu.memory_space<hbm>>, %arg4: memref<32x80x128xf32, #tpu.memory_space<hbm>>, %arg5: memref<10000x128xf32, #tpu.memory_space<hbm>>, %arg6: memref<2x10240x128xf32, #tpu.memory_space<hbm>>, %arg7: memref<10240x128xf32, #tpu.memory_space<vmem_shared>>, %arg8: memref<80x128xi32, #tpu.memory_space<vmem>>, %arg9: memref<80x128xi32, #tpu.memory_space<vmem>>, %arg10: memref<80x128xf32, #tpu.memory_space<vmem>>, %arg11: memref<128x128xf32, #tpu.memory_space<vmem>>, %arg12: memref<!tpu.dma_semaphore, #tpu.memory_space<semaphore_mem>>) attributes {dimension_semantics = [#tpu.dimension_semantics<core_parallel>, #tpu.dimension_semantics<subcore_parallel>], iteration_bounds = array<i64: 2, 16>, scalar_prefetch = 0 : i64, scratch_operands = 6 : i64, tpu.core_type = #tpu.core_type<sc_vector_subcore>, window_params = [{transform_indices = #map}, {transform_indices = #map}, {transform_indices = #map}, {transform_indices = #map1}, {transform_indices = #map}]} {
    %mul3A = arith.constant 16 : i32
    %mul3A_0 = arith.muli %arg0, %mul3A : i32
    %add3A = arith.addi %mul3A_0, %arg1 : i32
    %broadcast_in_dim3A = arith.constant 0.000000e+00 : f32
    %broadcast_in_dim3A_1 = vector.broadcast %broadcast_in_dim3A : f32 to vector<16xf32>
    %scan3A = arith.constant 0 : i32
    %scan3A_2 = arith.constant 0 : i32
    %scan3A_3 = arith.constant 128 : i32
    %scan3A_4 = arith.addi %scan3A_2, %scan3A_3 : i32
    %scan3A_5 = arith.constant 1 : i32
    %scan3A_6 = scf.for %scan3A_28 = %scan3A_2 to %scan3A_4 step %scan3A_5 iter_args(%scan3A_29 = %scan3A) -> (i32)  : i32 {
      %swap3A = arith.index_cast %scan3A_28 : i32 to index
      %swap3A_30 = arith.constant 0 : index
      %swap3A_31 = tpu.vector_load %arg11[%swap3A, %swap3A_30] {strides = array<i32>} : memref<128x128xf32, #tpu.memory_space<vmem>>, vector<16xf32>,
      tpu.vector_store %arg11[%swap3A, %swap3A_30], %broadcast_in_dim3A_1 {strides = array<i32>} : memref<128x128xf32, #tpu.memory_space<vmem>>, vector<16xf32>,
      %swap3A_32 = arith.index_cast %scan3A_28 : i32 to index
      %swap3A_33 = arith.constant 16 : index
      %swap3A_34 = tpu.vector_load %arg11[%swap3A_32, %swap3A_33] {strides = array<i32>} : memref<128x128xf32, #tpu.memory_space<vmem>>, vector<16xf32>,
      tpu.vector_store %arg11[%swap3A_32, %swap3A_33], %broadcast_in_dim3A_1 {strides = array<i32>} : memref<128x128xf32, #tpu.memory_space<vmem>>, vector<16xf32>,
      %swap3A_35 = arith.index_cast %scan3A_28 : i32 to index
      %swap3A_36 = arith.constant 32 : index
      %swap3A_37 = tpu.vector_load %arg11[%swap3A_35, %swap3A_36] {strides = array<i32>} : memref<128x128xf32, #tpu.memory_space<vmem>>, vector<16xf32>,
      tpu.vector_store %arg11[%swap3A_35, %swap3A_36], %broadcast_in_dim3A_1 {strides = array<i32>} : memref<128x128xf32, #tpu.memory_space<vmem>>, vector<16xf32>,
      %swap3A_38 = arith.index_cast %scan3A_28 : i32 to index
      %swap3A_39 = arith.constant 48 : index
      %swap3A_40 = tpu.vector_load %arg11[%swap3A_38, %swap3A_39] {strides = array<i32>} : memref<128x128xf32, #tpu.memory_space<vmem>>, vector<16xf32>,
      tpu.vector_store %arg11[%swap3A_38, %swap3A_39], %broadcast_in_dim3A_1 {strides = array<i32>} : memref<128x128xf32, #tpu.memory_space<vmem>>, vector<16xf32>,
      %swap3A_41 = arith.index_cast %scan3A_28 : i32 to index
      %swap3A_42 = arith.constant 64 : index
      %swap3A_43 = tpu.vector_load %arg11[%swap3A_41, %swap3A_42] {strides = array<i32>} : memref<128x128xf32, #tpu.memory_space<vmem>>, vector<16xf32>,
      tpu.vector_store %arg11[%swap3A_41, %swap3A_42], %broadcast_in_dim3A_1 {strides = array<i32>} : memref<128x128xf32, #tpu.memory_space<vmem>>, vector<16xf32>,
      %swap3A_44 = arith.index_cast %scan3A_28 : i32 to index
      %swap3A_45 = arith.constant 80 : index
      %swap3A_46 = tpu.vector_load %arg11[%swap3A_44, %swap3A_45] {strides = array<i32>} : memref<128x128xf32, #tpu.memory_space<vmem>>, vector<16xf32>,
      tpu.vector_store %arg11[%swap3A_44, %swap3A_45], %broadcast_in_dim3A_1 {strides = array<i32>} : memref<128x128xf32, #tpu.memory_space<vmem>>, vector<16xf32>,
      %swap3A_47 = arith.index_cast %scan3A_28 : i32 to index
      %swap3A_48 = arith.constant 96 : index
      %swap3A_49 = tpu.vector_load %arg11[%swap3A_47, %swap3A_48] {strides = array<i32>} : memref<128x128xf32, #tpu.memory_space<vmem>>, vector<16xf32>,
      tpu.vector_store %arg11[%swap3A_47, %swap3A_48], %broadcast_in_dim3A_1 {strides = array<i32>} : memref<128x128xf32, #tpu.memory_space<vmem>>, vector<16xf32>,
      %swap3A_50 = arith.index_cast %scan3A_28 : i32 to index
      %swap3A_51 = arith.constant 112 : index
      %swap3A_52 = tpu.vector_load %arg11[%swap3A_50, %swap3A_51] {strides = array<i32>} : memref<128x128xf32, #tpu.memory_space<vmem>>, vector<16xf32>,
      tpu.vector_store %arg11[%swap3A_50, %swap3A_51], %broadcast_in_dim3A_1 {strides = array<i32>} : memref<128x128xf32, #tpu.memory_space<vmem>>, vector<16xf32>,
      %scan3A_53 = arith.constant 0 : i32
      scf.yield %scan3A_53 : i32
    }
    %scan3A_7 = arith.constant 128 : i32
    %mul3A_8 = arith.constant 640 : i32
    %mul3A_9 = arith.muli %arg1, %mul3A_8 : i32
    %multiple_of3A = tpu.assume_multiple %mul3A_9, 640 : i32
    %add3A_10 = arith.constant 0 : i32
    %add3A_11 = arith.addi %multiple_of3A, %add3A_10 : i32
    "tpu.region"() ({
      %run_scoped3A = tpu.sem_alloc : memref<!tpu.dma_semaphore, #tpu.memory_space<semaphore_mem>>
      %dma_start3A = arith.constant 0 : i32
      %dma_start3A_28 = tpu.memref_slice %arg7[%add3A_11, %dma_start3A] : memref<10240x128xf32, #tpu.memory_space<vmem_shared>> -> memref<128x128xf32, #tpu.memory_space<vmem_shared>>
      %dma_start3A_29 = arith.constant 0 : i32
      %dma_start3A_30 = tpu.memref_slice %arg7[%add3A_11, %dma_start3A_29] : memref<10240x128xf32, #tpu.memory_space<vmem_shared>> -> memref<128x128xf32, #tpu.memory_space<vmem_shared>>
      tpu.enqueue_dma source(%arg11 : memref<128x128xf32, #tpu.memory_space<vmem>>) target(%dma_start3A_30 : memref<128x128xf32, #tpu.memory_space<vmem_shared>>) target_semaphore(%run_scoped3A : memref<!tpu.dma_semaphore, #tpu.memory_space<semaphore_mem>>)
      %dma_wait3A = arith.constant 0 : i32
      %dma_wait3A_31 = tpu.memref_slice %arg7[%add3A_11, %dma_wait3A] : memref<10240x128xf32, #tpu.memory_space<vmem_shared>> -> memref<128x128xf32, #tpu.memory_space<vmem_shared>>
      %dma_wait3A_32 = arith.constant 0 : i32
      %dma_wait3A_33 = tpu.memref_slice %arg7[%add3A_11, %dma_wait3A_32] : memref<10240x128xf32, #tpu.memory_space<vmem_shared>> -> memref<128x128xf32, #tpu.memory_space<vmem_shared>>
      tpu.wait_dma2 semaphore(%run_scoped3A : memref<!tpu.dma_semaphore, #tpu.memory_space<semaphore_mem>>) src(%arg11 : memref<128x128xf32, #tpu.memory_space<vmem>>) dst(%dma_wait3A_33 : memref<128x128xf32, #tpu.memory_space<vmem_shared>>)
      tpu.yield
    }) : () -> ()
    %add3A_12 = arith.constant 128 : i32
    %add3A_13 = arith.addi %multiple_of3A, %add3A_12 : i32
    "tpu.region"() ({
      %run_scoped3A = tpu.sem_alloc : memref<!tpu.dma_semaphore, #tpu.memory_space<semaphore_mem>>
      %dma_start3A = arith.constant 0 : i32
      %dma_start3A_28 = tpu.memref_slice %arg7[%add3A_13, %dma_start3A] : memref<10240x128xf32, #tpu.memory_space<vmem_shared>> -> memref<128x128xf32, #tpu.memory_space<vmem_shared>>
      %dma_start3A_29 = arith.constant 0 : i32
      %dma_start3A_30 = tpu.memref_slice %arg7[%add3A_13, %dma_start3A_29] : memref<10240x128xf32, #tpu.memory_space<vmem_shared>> -> memref<128x128xf32, #tpu.memory_space<vmem_shared>>
      tpu.enqueue_dma source(%arg11 : memref<128x128xf32, #tpu.memory_space<vmem>>) target(%dma_start3A_30 : memref<128x128xf32, #tpu.memory_space<vmem_shared>>) target_semaphore(%run_scoped3A : memref<!tpu.dma_semaphore, #tpu.memory_space<semaphore_mem>>)
      %dma_wait3A = arith.constant 0 : i32
      %dma_wait3A_31 = tpu.memref_slice %arg7[%add3A_13, %dma_wait3A] : memref<10240x128xf32, #tpu.memory_space<vmem_shared>> -> memref<128x128xf32, #tpu.memory_space<vmem_shared>>
      %dma_wait3A_32 = arith.constant 0 : i32
      %dma_wait3A_33 = tpu.memref_slice %arg7[%add3A_13, %dma_wait3A_32] : memref<10240x128xf32, #tpu.memory_space<vmem_shared>> -> memref<128x128xf32, #tpu.memory_space<vmem_shared>>
      tpu.wait_dma2 semaphore(%run_scoped3A : memref<!tpu.dma_semaphore, #tpu.memory_space<semaphore_mem>>) src(%arg11 : memref<128x128xf32, #tpu.memory_space<vmem>>) dst(%dma_wait3A_33 : memref<128x128xf32, #tpu.memory_space<vmem_shared>>)
      tpu.yield
    }) : () -> ()
    %add3A_14 = arith.constant 256 : i32
    %add3A_15 = arith.addi %multiple_of3A, %add3A_14 : i32
    "tpu.region"() ({
      %run_scoped3A = tpu.sem_alloc : memref<!tpu.dma_semaphore, #tpu.memory_space<semaphore_mem>>
      %dma_start3A = arith.constant 0 : i32
      %dma_start3A_28 = tpu.memref_slice %arg7[%add3A_15, %dma_start3A] : memref<10240x128xf32, #tpu.memory_space<vmem_shared>> -> memref<128x128xf32, #tpu.memory_space<vmem_shared>>
      %dma_start3A_29 = arith.constant 0 : i32
      %dma_start3A_30 = tpu.memref_slice %arg7[%add3A_15, %dma_start3A_29] : memref<10240x128xf32, #tpu.memory_space<vmem_shared>> -> memref<128x128xf32, #tpu.memory_space<vmem_shared>>
      tpu.enqueue_dma source(%arg11 : memref<128x128xf32, #tpu.memory_space<vmem>>) target(%dma_start3A_30 : memref<128x128xf32, #tpu.memory_space<vmem_shared>>) target_semaphore(%run_scoped3A : memref<!tpu.dma_semaphore, #tpu.memory_space<semaphore_mem>>)
      %dma_wait3A = arith.constant 0 : i32
      %dma_wait3A_31 = tpu.memref_slice %arg7[%add3A_15, %dma_wait3A] : memref<10240x128xf32, #tpu.memory_space<vmem_shared>> -> memref<128x128xf32, #tpu.memory_space<vmem_shared>>
      %dma_wait3A_32 = arith.constant 0 : i32
      %dma_wait3A_33 = tpu.memref_slice %arg7[%add3A_15, %dma_wait3A_32] : memref<10240x128xf32, #tpu.memory_space<vmem_shared>> -> memref<128x128xf32, #tpu.memory_space<vmem_shared>>
      tpu.wait_dma2 semaphore(%run_scoped3A : memref<!tpu.dma_semaphore, #tpu.memory_space<semaphore_mem>>) src(%arg11 : memref<128x128xf32, #tpu.memory_space<vmem>>) dst(%dma_wait3A_33 : memref<128x128xf32, #tpu.memory_space<vmem_shared>>)
      tpu.yield
    }) : () -> ()
    %add3A_16 = arith.constant 384 : i32
    %add3A_17 = arith.addi %multiple_of3A, %add3A_16 : i32
    "tpu.region"() ({
      %run_scoped3A = tpu.sem_alloc : memref<!tpu.dma_semaphore, #tpu.memory_space<semaphore_mem>>
      %dma_start3A = arith.constant 0 : i32
      %dma_start3A_28 = tpu.memref_slice %arg7[%add3A_17, %dma_start3A] : memref<10240x128xf32, #tpu.memory_space<vmem_shared>> -> memref<128x128xf32, #tpu.memory_space<vmem_shared>>
      %dma_start3A_29 = arith.constant 0 : i32
      %dma_start3A_30 = tpu.memref_slice %arg7[%add3A_17, %dma_start3A_29] : memref<10240x128xf32, #tpu.memory_space<vmem_shared>> -> memref<128x128xf32, #tpu.memory_space<vmem_shared>>
      tpu.enqueue_dma source(%arg11 : memref<128x128xf32, #tpu.memory_space<vmem>>) target(%dma_start3A_30 : memref<128x128xf32, #tpu.memory_space<vmem_shared>>) target_semaphore(%run_scoped3A : memref<!tpu.dma_semaphore, #tpu.memory_space<semaphore_mem>>)
      %dma_wait3A = arith.constant 0 : i32
      %dma_wait3A_31 = tpu.memref_slice %arg7[%add3A_17, %dma_wait3A] : memref<10240x128xf32, #tpu.memory_space<vmem_shared>> -> memref<128x128xf32, #tpu.memory_space<vmem_shared>>
      %dma_wait3A_32 = arith.constant 0 : i32
      %dma_wait3A_33 = tpu.memref_slice %arg7[%add3A_17, %dma_wait3A_32] : memref<10240x128xf32, #tpu.memory_space<vmem_shared>> -> memref<128x128xf32, #tpu.memory_space<vmem_shared>>
      tpu.wait_dma2 semaphore(%run_scoped3A : memref<!tpu.dma_semaphore, #tpu.memory_space<semaphore_mem>>) src(%arg11 : memref<128x128xf32, #tpu.memory_space<vmem>>) dst(%dma_wait3A_33 : memref<128x128xf32, #tpu.memory_space<vmem_shared>>)
      tpu.yield
    }) : () -> ()
    %add3A_18 = arith.constant 512 : i32
    %add3A_19 = arith.addi %multiple_of3A, %add3A_18 : i32
    "tpu.region"() ({
      %run_scoped3A = tpu.sem_alloc : memref<!tpu.dma_semaphore, #tpu.memory_space<semaphore_mem>>
      %dma_start3A = arith.constant 0 : i32
      %dma_start3A_28 = tpu.memref_slice %arg7[%add3A_19, %dma_start3A] : memref<10240x128xf32, #tpu.memory_space<vmem_shared>> -> memref<128x128xf32, #tpu.memory_space<vmem_shared>>
      %dma_start3A_29 = arith.constant 0 : i32
      %dma_start3A_30 = tpu.memref_slice %arg7[%add3A_19, %dma_start3A_29] : memref<10240x128xf32, #tpu.memory_space<vmem_shared>> -> memref<128x128xf32, #tpu.memory_space<vmem_shared>>
      tpu.enqueue_dma source(%arg11 : memref<128x128xf32, #tpu.memory_space<vmem>>) target(%dma_start3A_30 : memref<128x128xf32, #tpu.memory_space<vmem_shared>>) target_semaphore(%run_scoped3A : memref<!tpu.dma_semaphore, #tpu.memory_space<semaphore_mem>>)
      %dma_wait3A = arith.constant 0 : i32
      %dma_wait3A_31 = tpu.memref_slice %arg7[%add3A_19, %dma_wait3A] : memref<10240x128xf32, #tpu.memory_space<vmem_shared>> -> memref<128x128xf32, #tpu.memory_space<vmem_shared>>
      %dma_wait3A_32 = arith.constant 0 : i32
      %dma_wait3A_33 = tpu.memref_slice %arg7[%add3A_19, %dma_wait3A_32] : memref<10240x128xf32, #tpu.memory_space<vmem_shared>> -> memref<128x128xf32, #tpu.memory_space<vmem_shared>>
      tpu.wait_dma2 semaphore(%run_scoped3A : memref<!tpu.dma_semaphore, #tpu.memory_space<semaphore_mem>>) src(%arg11 : memref<128x128xf32, #tpu.memory_space<vmem>>) dst(%dma_wait3A_33 : memref<128x128xf32, #tpu.memory_space<vmem_shared>>)
      tpu.yield
    }) : () -> ()
    "tpu.region"() ({
      %run_scoped3A = tpu.sem_alloc : memref<!tpu.dma_semaphore, #tpu.memory_space<semaphore_mem>>
      %dma_start3A = arith.constant 0 : i32
      %dma_start3A_28 = arith.constant 0 : i32
      %dma_start3A_29 = tpu.memref_slice %arg2[%add3A, %dma_start3A, %dma_start3A_28] : memref<32x80x128xi32, #tpu.memory_space<hbm>> -> memref<1x80x128xi32, #tpu.memory_space<hbm>>
      %dma_start3A_30 = tpu.memref_squeeze %dma_start3A_29 : memref<1x80x128xi32, #tpu.memory_space<hbm>> -> memref<80x128xi32, #tpu.memory_space<hbm>>
      %dma_start3A_31 = arith.constant 0 : i32
      %dma_start3A_32 = arith.constant 0 : i32
      %dma_start3A_33 = tpu.memref_slice %arg2[%add3A, %dma_start3A_31, %dma_start3A_32] : memref<32x80x128xi32, #tpu.memory_space<hbm>> -> memref<1x80x128xi32, #tpu.memory_space<hbm>>
      %dma_start3A_34 = tpu.memref_squeeze %dma_start3A_33 : memref<1x80x128xi32, #tpu.memory_space<hbm>> -> memref<80x128xi32, #tpu.memory_space<hbm>>
      tpu.enqueue_dma source(%dma_start3A_34 : memref<80x128xi32, #tpu.memory_space<hbm>>) target(%arg8 : memref<80x128xi32, #tpu.memory_space<vmem>>) target_semaphore(%run_scoped3A : memref<!tpu.dma_semaphore, #tpu.memory_space<semaphore_mem>>)
      %dma_wait3A = arith.constant 0 : i32
      %dma_wait3A_35 = arith.constant 0 : i32
      %dma_wait3A_36 = tpu.memref_slice %arg2[%add3A, %dma_wait3A, %dma_wait3A_35] : memref<32x80x128xi32, #tpu.memory_space<hbm>> -> memref<1x80x128xi32, #tpu.memory_space<hbm>>
      %dma_wait3A_37 = tpu.memref_squeeze %dma_wait3A_36 : memref<1x80x128xi32, #tpu.memory_space<hbm>> -> memref<80x128xi32, #tpu.memory_space<hbm>>
      %dma_wait3A_38 = arith.constant 0 : i32
      %dma_wait3A_39 = arith.constant 0 : i32
      %dma_wait3A_40 = tpu.memref_slice %arg2[%add3A, %dma_wait3A_38, %dma_wait3A_39] : memref<32x80x128xi32, #tpu.memory_space<hbm>> -> memref<1x80x128xi32, #tpu.memory_space<hbm>>
      %dma_wait3A_41 = tpu.memref_squeeze %dma_wait3A_40 : memref<1x80x128xi32, #tpu.memory_space<hbm>> -> memref<80x128xi32, #tpu.memory_space<hbm>>
      tpu.wait_dma2 semaphore(%run_scoped3A : memref<!tpu.dma_semaphore, #tpu.memory_space<semaphore_mem>>) src(%dma_wait3A_41 : memref<80x128xi32, #tpu.memory_space<hbm>>) dst(%arg8 : memref<80x128xi32, #tpu.memory_space<vmem>>)
      tpu.yield
    }) : () -> ()
    "tpu.region"() ({
      %run_scoped3A = tpu.sem_alloc : memref<!tpu.dma_semaphore, #tpu.memory_space<semaphore_mem>>
      %dma_start3A = arith.constant 0 : i32
      %dma_start3A_28 = arith.constant 0 : i32
      %dma_start3A_29 = tpu.memref_slice %arg3[%add3A, %dma_start3A, %dma_start3A_28] : memref<32x80x128xi32, #tpu.memory_space<hbm>> -> memref<1x80x128xi32, #tpu.memory_space<hbm>>
      %dma_start3A_30 = tpu.memref_squeeze %dma_start3A_29 : memref<1x80x128xi32, #tpu.memory_space<hbm>> -> memref<80x128xi32, #tpu.memory_space<hbm>>
      %dma_start3A_31 = arith.constant 0 : i32
      %dma_start3A_32 = arith.constant 0 : i32
      %dma_start3A_33 = tpu.memref_slice %arg3[%add3A, %dma_start3A_31, %dma_start3A_32] : memref<32x80x128xi32, #tpu.memory_space<hbm>> -> memref<1x80x128xi32, #tpu.memory_space<hbm>>
      %dma_start3A_34 = tpu.memref_squeeze %dma_start3A_33 : memref<1x80x128xi32, #tpu.memory_space<hbm>> -> memref<80x128xi32, #tpu.memory_space<hbm>>
      tpu.enqueue_dma source(%dma_start3A_34 : memref<80x128xi32, #tpu.memory_space<hbm>>) target(%arg9 : memref<80x128xi32, #tpu.memory_space<vmem>>) target_semaphore(%run_scoped3A : memref<!tpu.dma_semaphore, #tpu.memory_space<semaphore_mem>>)
      %dma_wait3A = arith.constant 0 : i32
      %dma_wait3A_35 = arith.constant 0 : i32
      %dma_wait3A_36 = tpu.memref_slice %arg3[%add3A, %dma_wait3A, %dma_wait3A_35] : memref<32x80x128xi32, #tpu.memory_space<hbm>> -> memref<1x80x128xi32, #tpu.memory_space<hbm>>
      %dma_wait3A_37 = tpu.memref_squeeze %dma_wait3A_36 : memref<1x80x128xi32, #tpu.memory_space<hbm>> -> memref<80x128xi32, #tpu.memory_space<hbm>>
      %dma_wait3A_38 = arith.constant 0 : i32
      %dma_wait3A_39 = arith.constant 0 : i32
      %dma_wait3A_40 = tpu.memref_slice %arg3[%add3A, %dma_wait3A_38, %dma_wait3A_39] : memref<32x80x128xi32, #tpu.memory_space<hbm>> -> memref<1x80x128xi32, #tpu.memory_space<hbm>>
      %dma_wait3A_41 = tpu.memref_squeeze %dma_wait3A_40 : memref<1x80x128xi32, #tpu.memory_space<hbm>> -> memref<80x128xi32, #tpu.memory_space<hbm>>
      tpu.wait_dma2 semaphore(%run_scoped3A : memref<!tpu.dma_semaphore, #tpu.memory_space<semaphore_mem>>) src(%dma_wait3A_41 : memref<80x128xi32, #tpu.memory_space<hbm>>) dst(%arg9 : memref<80x128xi32, #tpu.memory_space<vmem>>)
      tpu.yield
    }) : () -> ()
    "tpu.region"() ({
      %run_scoped3A = tpu.sem_alloc : memref<!tpu.dma_semaphore, #tpu.memory_space<semaphore_mem>>
      %dma_start3A = arith.constant 0 : i32
      %dma_start3A_28 = arith.constant 0 : i32
      %dma_start3A_29 = tpu.memref_slice %arg4[%add3A, %dma_start3A, %dma_start3A_28] : memref<32x80x128xf32, #tpu.memory_space<hbm>> -> memref<1x80x128xf32, #tpu.memory_space<hbm>>
      %dma_start3A_30 = tpu.memref_squeeze %dma_start3A_29 : memref<1x80x128xf32, #tpu.memory_space<hbm>> -> memref<80x128xf32, #tpu.memory_space<hbm>>
      %dma_start3A_31 = arith.constant 0 : i32
      %dma_start3A_32 = arith.constant 0 : i32
      %dma_start3A_33 = tpu.memref_slice %arg4[%add3A, %dma_start3A_31, %dma_start3A_32] : memref<32x80x128xf32, #tpu.memory_space<hbm>> -> memref<1x80x128xf32, #tpu.memory_space<hbm>>
      %dma_start3A_34 = tpu.memref_squeeze %dma_start3A_33 : memref<1x80x128xf32, #tpu.memory_space<hbm>> -> memref<80x128xf32, #tpu.memory_space<hbm>>
      tpu.enqueue_dma source(%dma_start3A_34 : memref<80x128xf32, #tpu.memory_space<hbm>>) target(%arg10 : memref<80x128xf32, #tpu.memory_space<vmem>>) target_semaphore(%run_scoped3A : memref<!tpu.dma_semaphore, #tpu.memory_space<semaphore_mem>>)
      %dma_wait3A = arith.constant 0 : i32
      %dma_wait3A_35 = arith.constant 0 : i32
      %dma_wait3A_36 = tpu.memref_slice %arg4[%add3A, %dma_wait3A, %dma_wait3A_35] : memref<32x80x128xf32, #tpu.memory_space<hbm>> -> memref<1x80x128xf32, #tpu.memory_space<hbm>>
      %dma_wait3A_37 = tpu.memref_squeeze %dma_wait3A_36 : memref<1x80x128xf32, #tpu.memory_space<hbm>> -> memref<80x128xf32, #tpu.memory_space<hbm>>
      %dma_wait3A_38 = arith.constant 0 : i32
      %dma_wait3A_39 = arith.constant 0 : i32
      %dma_wait3A_40 = tpu.memref_slice %arg4[%add3A, %dma_wait3A_38, %dma_wait3A_39] : memref<32x80x128xf32, #tpu.memory_space<hbm>> -> memref<1x80x128xf32, #tpu.memory_space<hbm>>
      %dma_wait3A_41 = tpu.memref_squeeze %dma_wait3A_40 : memref<1x80x128xf32, #tpu.memory_space<hbm>> -> memref<80x128xf32, #tpu.memory_space<hbm>>
      tpu.wait_dma2 semaphore(%run_scoped3A : memref<!tpu.dma_semaphore, #tpu.memory_space<semaphore_mem>>) src(%dma_wait3A_41 : memref<80x128xf32, #tpu.memory_space<hbm>>) dst(%arg10 : memref<80x128xf32, #tpu.memory_space<vmem>>)
      tpu.yield
    }) : () -> ()
    %barrier3A = arith.constant 0 : index
    tpu.barrier barrier_id(%barrier3A)
    %scan3A_20 = arith.constant 0 : i32
    %scan3A_21 = arith.constant 0 : i32
    %scan3A_22 = arith.constant 80 : i32
    %scan3A_23 = arith.addi %scan3A_21, %scan3A_22 : i32
    %scan3A_24 = arith.constant 1 : i32
    %scan3A_25 = scf.for %scan3A_28 = %scan3A_21 to %scan3A_23 step %scan3A_24 iter_args(%scan3A_29 = %scan3A_20) -> (i32)  : i32 {
      %dma_start3A = arith.constant 0 : i32
      %dma_start3A_30 = tpu.memref_slice %arg8[%scan3A_28, %dma_start3A] : memref<80x128xi32, #tpu.memory_space<vmem>> -> memref<1x128xi32, #tpu.memory_space<vmem>>
      %dma_start3A_31 = tpu.memref_squeeze %dma_start3A_30 : memref<1x128xi32, #tpu.memory_space<vmem>> -> memref<128xi32, #tpu.memory_space<vmem>>
      %dma_start3A_32 = arith.constant 0 : i32
      %dma_start3A_33 = arith.constant 0 : i32
      %dma_start3A_34 = tpu.memref_slice %arg5[%dma_start3A_32, %dma_start3A_33] : memref<10000x128xf32, #tpu.memory_space<hbm>> -> memref<10000x128xf32, #tpu.memory_space<hbm>>
      tpu.enqueue_indirect_dma source(%dma_start3A_34 : memref<10000x128xf32, #tpu.memory_space<hbm>>) target(%arg11 : memref<128x128xf32, #tpu.memory_space<vmem>>) offsets(%dma_start3A_31 : memref<128xi32, #tpu.memory_space<vmem>>) semaphore(%arg12 : memref<!tpu.dma_semaphore, #tpu.memory_space<semaphore_mem>>)
      %dma_wait3A = arith.constant 0 : i32
      %dma_wait3A_35 = tpu.memref_slice %arg8[%scan3A_28, %dma_wait3A] : memref<80x128xi32, #tpu.memory_space<vmem>> -> memref<1x128xi32, #tpu.memory_space<vmem>>
      %dma_wait3A_36 = tpu.memref_squeeze %dma_wait3A_35 : memref<1x128xi32, #tpu.memory_space<vmem>> -> memref<128xi32, #tpu.memory_space<vmem>>
      %dma_wait3A_37 = arith.constant 0 : i32
      %dma_wait3A_38 = arith.constant 0 : i32
      %dma_wait3A_39 = tpu.memref_slice %arg5[%dma_wait3A_37, %dma_wait3A_38] : memref<10000x128xf32, #tpu.memory_space<hbm>> -> memref<10000x128xf32, #tpu.memory_space<hbm>>
      tpu.wait_indirect_dma semaphore(%arg12 : memref<!tpu.dma_semaphore, #tpu.memory_space<semaphore_mem>>) src(%dma_wait3A_39 : memref<10000x128xf32, #tpu.memory_space<hbm>>) dst(%arg11 : memref<128x128xf32, #tpu.memory_space<vmem>>)
      %broadcast_in_dim3A_40 = vector.broadcast %scan3A_28 : i32 to vector<16xi32>
      %scan3A_41 = arith.constant 0 : i32
      %scan3A_42 = arith.constant 0 : i32
      %scan3A_43 = arith.constant 128 : i32
      %scan3A_44 = arith.addi %scan3A_42, %scan3A_43 : i32
      %scan3A_45 = arith.constant 1 : i32
      %scan3A_46 = scf.for %scan3A_49 = %scan3A_42 to %scan3A_44 step %scan3A_45 iter_args(%scan3A_50 = %scan3A_41) -> (i32)  : i32 {
        %broadcast_in_dim3A_51 = vector.broadcast %scan3A_49 : i32 to vector<16xi32>
        %gather3A = tpu.vector_load_idx %arg10[%broadcast_in_dim3A_40, %broadcast_in_dim3A_51] : memref<80x128xf32, #tpu.memory_space<vmem>>[vector<16xi32>, vector<16xi32>], vector<16xf32>,
        %get3A = arith.index_cast %scan3A_49 : i32 to index
        %get3A_52 = arith.constant 0 : index
        %get3A_53 = tpu.vector_load %arg11[%get3A, %get3A_52] {strides = array<i32>} : memref<128x128xf32, #tpu.memory_space<vmem>>, vector<16xf32>,
        %mul3A_54 = arith.mulf %get3A_53, %gather3A : vector<16xf32>
        %swap3A = arith.index_cast %scan3A_49 : i32 to index
        %swap3A_55 = arith.constant 0 : index
        %swap3A_56 = tpu.vector_load %arg11[%swap3A, %swap3A_55] {strides = array<i32>} : memref<128x128xf32, #tpu.memory_space<vmem>>, vector<16xf32>,
        tpu.vector_store %arg11[%swap3A, %swap3A_55], %mul3A_54 {strides = array<i32>} : memref<128x128xf32, #tpu.memory_space<vmem>>, vector<16xf32>,
        %get3A_57 = arith.index_cast %scan3A_49 : i32 to index
        %get3A_58 = arith.constant 16 : index
        %get3A_59 = tpu.vector_load %arg11[%get3A_57, %get3A_58] {strides = array<i32>} : memref<128x128xf32, #tpu.memory_space<vmem>>, vector<16xf32>,
        %mul3A_60 = arith.mulf %get3A_59, %gather3A : vector<16xf32>
        %swap3A_61 = arith.index_cast %scan3A_49 : i32 to index
        %swap3A_62 = arith.constant 16 : index
        %swap3A_63 = tpu.vector_load %arg11[%swap3A_61, %swap3A_62] {strides = array<i32>} : memref<128x128xf32, #tpu.memory_space<vmem>>, vector<16xf32>,
        tpu.vector_store %arg11[%swap3A_61, %swap3A_62], %mul3A_60 {strides = array<i32>} : memref<128x128xf32, #tpu.memory_space<vmem>>, vector<16xf32>,
        %get3A_64 = arith.index_cast %scan3A_49 : i32 to index
        %get3A_65 = arith.constant 32 : index
        %get3A_66 = tpu.vector_load %arg11[%get3A_64, %get3A_65] {strides = array<i32>} : memref<128x128xf32, #tpu.memory_space<vmem>>, vector<16xf32>,
        %mul3A_67 = arith.mulf %get3A_66, %gather3A : vector<16xf32>
        %swap3A_68 = arith.index_cast %scan3A_49 : i32 to index
        %swap3A_69 = arith.constant 32 : index
        %swap3A_70 = tpu.vector_load %arg11[%swap3A_68, %swap3A_69] {strides = array<i32>} : memref<128x128xf32, #tpu.memory_space<vmem>>, vector<16xf32>,
        tpu.vector_store %arg11[%swap3A_68, %swap3A_69], %mul3A_67 {strides = array<i32>} : memref<128x128xf32, #tpu.memory_space<vmem>>, vector<16xf32>,
        %get3A_71 = arith.index_cast %scan3A_49 : i32 to index
        %get3A_72 = arith.constant 48 : index
        %get3A_73 = tpu.vector_load %arg11[%get3A_71, %get3A_72] {strides = array<i32>} : memref<128x128xf32, #tpu.memory_space<vmem>>, vector<16xf32>,
        %mul3A_74 = arith.mulf %get3A_73, %gather3A : vector<16xf32>
        %swap3A_75 = arith.index_cast %scan3A_49 : i32 to index
        %swap3A_76 = arith.constant 48 : index
        %swap3A_77 = tpu.vector_load %arg11[%swap3A_75, %swap3A_76] {strides = array<i32>} : memref<128x128xf32, #tpu.memory_space<vmem>>, vector<16xf32>,
        tpu.vector_store %arg11[%swap3A_75, %swap3A_76], %mul3A_74 {strides = array<i32>} : memref<128x128xf32, #tpu.memory_space<vmem>>, vector<16xf32>,
        %get3A_78 = arith.index_cast %scan3A_49 : i32 to index
        %get3A_79 = arith.constant 64 : index
        %get3A_80 = tpu.vector_load %arg11[%get3A_78, %get3A_79] {strides = array<i32>} : memref<128x128xf32, #tpu.memory_space<vmem>>, vector<16xf32>,
        %mul3A_81 = arith.mulf %get3A_80, %gather3A : vector<16xf32>
        %swap3A_82 = arith.index_cast %scan3A_49 : i32 to index
        %swap3A_83 = arith.constant 64 : index
        %swap3A_84 = tpu.vector_load %arg11[%swap3A_82, %swap3A_83] {strides = array<i32>} : memref<128x128xf32, #tpu.memory_space<vmem>>, vector<16xf32>,
        tpu.vector_store %arg11[%swap3A_82, %swap3A_83], %mul3A_81 {strides = array<i32>} : memref<128x128xf32, #tpu.memory_space<vmem>>, vector<16xf32>,
        %get3A_85 = arith.index_cast %scan3A_49 : i32 to index
        %get3A_86 = arith.constant 80 : index
        %get3A_87 = tpu.vector_load %arg11[%get3A_85, %get3A_86] {strides = array<i32>} : memref<128x128xf32, #tpu.memory_space<vmem>>, vector<16xf32>,
        %mul3A_88 = arith.mulf %get3A_87, %gather3A : vector<16xf32>
        %swap3A_89 = arith.index_cast %scan3A_49 : i32 to index
        %swap3A_90 = arith.constant 80 : index
        %swap3A_91 = tpu.vector_load %arg11[%swap3A_89, %swap3A_90] {strides = array<i32>} : memref<128x128xf32, #tpu.memory_space<vmem>>, vector<16xf32>,
        tpu.vector_store %arg11[%swap3A_89, %swap3A_90], %mul3A_88 {strides = array<i32>} : memref<128x128xf32, #tpu.memory_space<vmem>>, vector<16xf32>,
        %get3A_92 = arith.index_cast %scan3A_49 : i32 to index
        %get3A_93 = arith.constant 96 : index
        %get3A_94 = tpu.vector_load %arg11[%get3A_92, %get3A_93] {strides = array<i32>} : memref<128x128xf32, #tpu.memory_space<vmem>>, vector<16xf32>,
        %mul3A_95 = arith.mulf %get3A_94, %gather3A : vector<16xf32>
        %swap3A_96 = arith.index_cast %scan3A_49 : i32 to index
        %swap3A_97 = arith.constant 96 : index
        %swap3A_98 = tpu.vector_load %arg11[%swap3A_96, %swap3A_97] {strides = array<i32>} : memref<128x128xf32, #tpu.memory_space<vmem>>, vector<16xf32>,
        tpu.vector_store %arg11[%swap3A_96, %swap3A_97], %mul3A_95 {strides = array<i32>} : memref<128x128xf32, #tpu.memory_space<vmem>>, vector<16xf32>,
        %get3A_99 = arith.index_cast %scan3A_49 : i32 to index
        %get3A_100 = arith.constant 112 : index
        %get3A_101 = tpu.vector_load %arg11[%get3A_99, %get3A_100] {strides = array<i32>} : memref<128x128xf32, #tpu.memory_space<vmem>>, vector<16xf32>,
        %mul3A_102 = arith.mulf %get3A_101, %gather3A : vector<16xf32>
        %swap3A_103 = arith.index_cast %scan3A_49 : i32 to index
        %swap3A_104 = arith.constant 112 : index
        %swap3A_105 = tpu.vector_load %arg11[%swap3A_103, %swap3A_104] {strides = array<i32>} : memref<128x128xf32, #tpu.memory_space<vmem>>, vector<16xf32>,
        tpu.vector_store %arg11[%swap3A_103, %swap3A_104], %mul3A_102 {strides = array<i32>} : memref<128x128xf32, #tpu.memory_space<vmem>>, vector<16xf32>,
        %scan3A_106 = arith.constant 0 : i32
        scf.yield %scan3A_106 : i32
      }
      %scan3A_47 = arith.constant 128 : i32
      "tpu.region"() ({
        %run_scoped3A = tpu.sem_alloc : memref<!tpu.dma_semaphore, #tpu.memory_space<semaphore_mem>>
        %dma_start3A_49 = arith.constant 0 : i32
        %dma_start3A_50 = tpu.memref_slice %arg9[%scan3A_28, %dma_start3A_49] : memref<80x128xi32, #tpu.memory_space<vmem>> -> memref<1x128xi32, #tpu.memory_space<vmem>>
        %dma_start3A_51 = tpu.memref_squeeze %dma_start3A_50 : memref<1x128xi32, #tpu.memory_space<vmem>> -> memref<128xi32, #tpu.memory_space<vmem>>
        %dma_start3A_52 = arith.constant 0 : i32
        %dma_start3A_53 = arith.constant 0 : i32
        %dma_start3A_54 = tpu.memref_slice %arg7[%dma_start3A_52, %dma_start3A_53] : memref<10240x128xf32, #tpu.memory_space<vmem_shared>> -> memref<10240x128xf32, #tpu.memory_space<vmem_shared>>
        tpu.enqueue_indirect_dma source(%arg11 : memref<128x128xf32, #tpu.memory_space<vmem>>) target(%dma_start3A_54 : memref<10240x128xf32, #tpu.memory_space<vmem_shared>>) offsets(%dma_start3A_51 : memref<128xi32, #tpu.memory_space<vmem>>) semaphore(%run_scoped3A : memref<!tpu.dma_semaphore, #tpu.memory_space<semaphore_mem>>) {add = true}
        %dma_wait3A_55 = arith.constant 0 : i32
        %dma_wait3A_56 = tpu.memref_slice %arg9[%scan3A_28, %dma_wait3A_55] : memref<80x128xi32, #tpu.memory_space<vmem>> -> memref<1x128xi32, #tpu.memory_space<vmem>>
        %dma_wait3A_57 = tpu.memref_squeeze %dma_wait3A_56 : memref<1x128xi32, #tpu.memory_space<vmem>> -> memref<128xi32, #tpu.memory_space<vmem>>
        %dma_wait3A_58 = arith.constant 0 : i32
        %dma_wait3A_59 = arith.constant 0 : i32
        %dma_wait3A_60 = tpu.memref_slice %arg7[%dma_wait3A_58, %dma_wait3A_59] : memref<10240x128xf32, #tpu.memory_space<vmem_shared>> -> memref<10240x128xf32, #tpu.memory_space<vmem_shared>>
        tpu.wait_indirect_dma semaphore(%run_scoped3A : memref<!tpu.dma_semaphore, #tpu.memory_space<semaphore_mem>>) src(%arg11 : memref<128x128xf32, #tpu.memory_space<vmem>>) dst(%dma_wait3A_60 : memref<10240x128xf32, #tpu.memory_space<vmem_shared>>)
        tpu.yield
      }) : () -> ()
      %scan3A_48 = arith.constant 0 : i32
      scf.yield %scan3A_48 : i32
    }
    %scan3A_26 = arith.constant 80 : i32
    %barrier3A_27 = arith.constant 0 : index
    tpu.barrier barrier_id(%barrier3A_27)
    "tpu.region"() ({
      %run_scoped3A = tpu.sem_alloc : memref<!tpu.dma_semaphore, #tpu.memory_space<semaphore_mem>>
      %dma_start3A = arith.constant 0 : i32
      %dma_start3A_28 = tpu.memref_slice %arg6[%arg0, %multiple_of3A, %dma_start3A] : memref<2x10240x128xf32, #tpu.memory_space<hbm>> -> memref<1x640x128xf32, #tpu.memory_space<hbm>>
      %dma_start3A_29 = tpu.memref_squeeze %dma_start3A_28 : memref<1x640x128xf32, #tpu.memory_space<hbm>> -> memref<640x128xf32, #tpu.memory_space<hbm>>
      %dma_start3A_30 = arith.constant 0 : i32
      %dma_start3A_31 = tpu.memref_slice %arg7[%multiple_of3A, %dma_start3A_30] : memref<10240x128xf32, #tpu.memory_space<vmem_shared>> -> memref<640x128xf32, #tpu.memory_space<vmem_shared>>
      tpu.enqueue_dma source(%dma_start3A_31 : memref<640x128xf32, #tpu.memory_space<vmem_shared>>) target(%dma_start3A_29 : memref<640x128xf32, #tpu.memory_space<hbm>>) target_semaphore(%run_scoped3A : memref<!tpu.dma_semaphore, #tpu.memory_space<semaphore_mem>>)
      %dma_wait3A = arith.constant 0 : i32
      %dma_wait3A_32 = tpu.memref_slice %arg6[%arg0, %multiple_of3A, %dma_wait3A] : memref<2x10240x128xf32, #tpu.memory_space<hbm>> -> memref<1x640x128xf32, #tpu.memory_space<hbm>>
      %dma_wait3A_33 = tpu.memref_squeeze %dma_wait3A_32 : memref<1x640x128xf32, #tpu.memory_space<hbm>> -> memref<640x128xf32, #tpu.memory_space<hbm>>
      %dma_wait3A_34 = arith.constant 0 : i32
      %dma_wait3A_35 = tpu.memref_slice %arg7[%multiple_of3A, %dma_wait3A_34] : memref<10240x128xf32, #tpu.memory_space<vmem_shared>> -> memref<640x128xf32, #tpu.memory_space<vmem_shared>>
      tpu.wait_dma2 semaphore(%run_scoped3A : memref<!tpu.dma_semaphore, #tpu.memory_space<semaphore_mem>>) src(%dma_wait3A_35 : memref<640x128xf32, #tpu.memory_space<vmem_shared>>) dst(%dma_wait3A_33 : memref<640x128xf32, #tpu.memory_space<hbm>>)
      tpu.yield
    }) : () -> ()
    return
  }
}

#map = affine_map<(d0, d1) -> (0, 0, 0)>
#map1 = affine_map<(d0, d1) -> (0, 0)>
module attributes {stable_mosaic.version = 14 : i64} {
  func.func @_layer_body(%arg0: i32, %arg1: i32, %arg2: memref<32x80x128xi32, #tpu.memory_space<hbm>>, %arg3: memref<32x80x128xi32, #tpu.memory_space<hbm>>, %arg4: memref<32x80x128xf32, #tpu.memory_space<hbm>>, %arg5: memref<10000x128xf32, #tpu.memory_space<hbm>>, %arg6: memref<2x10240x128xf32, #tpu.memory_space<hbm>>, %arg7: memref<10240x128xf32, #tpu.memory_space<vmem_shared>>, %arg8: memref<80x128xi32, #tpu.memory_space<vmem>>, %arg9: memref<80x128xi32, #tpu.memory_space<vmem>>, %arg10: memref<80x128xf32, #tpu.memory_space<vmem>>, %arg11: memref<128x128xf32, #tpu.memory_space<vmem>>, %arg12: memref<!tpu.dma_semaphore, #tpu.memory_space<semaphore_mem>>) attributes {dimension_semantics = [#tpu.dimension_semantics<core_parallel>, #tpu.dimension_semantics<subcore_parallel>], iteration_bounds = array<i64: 2, 16>, scalar_prefetch = 0 : i64, scratch_operands = 6 : i64, tpu.core_type = #tpu.core_type<sc_vector_subcore>, window_params = [{transform_indices = #map}, {transform_indices = #map}, {transform_indices = #map}, {transform_indices = #map1}, {transform_indices = #map}]} {
    %mul3A = arith.constant 16 : i32
    %mul3A_0 = arith.muli %arg0, %mul3A : i32
    %add3A = arith.addi %mul3A_0, %arg1 : i32
    %broadcast_in_dim3A = arith.constant 0.000000e+00 : f32
    %broadcast_in_dim3A_1 = vector.broadcast %broadcast_in_dim3A : f32 to vector<16xf32>
    %scan3A = arith.constant 0 : i32
    %scan3A_2 = arith.constant 0 : i32
    %scan3A_3 = arith.constant 128 : i32
    %scan3A_4 = arith.addi %scan3A_2, %scan3A_3 : i32
    %scan3A_5 = arith.constant 1 : i32
    %scan3A_6 = scf.for %scan3A_28 = %scan3A_2 to %scan3A_4 step %scan3A_5 iter_args(%scan3A_29 = %scan3A) -> (i32)  : i32 {
      %swap3A = arith.index_cast %scan3A_28 : i32 to index
      %swap3A_30 = arith.constant 0 : index
      %swap3A_31 = tpu.vector_load %arg11[%swap3A, %swap3A_30] {strides = array<i32>} : memref<128x128xf32, #tpu.memory_space<vmem>>, vector<16xf32>,
      tpu.vector_store %arg11[%swap3A, %swap3A_30], %broadcast_in_dim3A_1 {strides = array<i32>} : memref<128x128xf32, #tpu.memory_space<vmem>>, vector<16xf32>,
      %swap3A_32 = arith.index_cast %scan3A_28 : i32 to index
      %swap3A_33 = arith.constant 16 : index
      %swap3A_34 = tpu.vector_load %arg11[%swap3A_32, %swap3A_33] {strides = array<i32>} : memref<128x128xf32, #tpu.memory_space<vmem>>, vector<16xf32>,
      tpu.vector_store %arg11[%swap3A_32, %swap3A_33], %broadcast_in_dim3A_1 {strides = array<i32>} : memref<128x128xf32, #tpu.memory_space<vmem>>, vector<16xf32>,
      %swap3A_35 = arith.index_cast %scan3A_28 : i32 to index
      %swap3A_36 = arith.constant 32 : index
      %swap3A_37 = tpu.vector_load %arg11[%swap3A_35, %swap3A_36] {strides = array<i32>} : memref<128x128xf32, #tpu.memory_space<vmem>>, vector<16xf32>,
      tpu.vector_store %arg11[%swap3A_35, %swap3A_36], %broadcast_in_dim3A_1 {strides = array<i32>} : memref<128x128xf32, #tpu.memory_space<vmem>>, vector<16xf32>,
      %swap3A_38 = arith.index_cast %scan3A_28 : i32 to index
      %swap3A_39 = arith.constant 48 : index
      %swap3A_40 = tpu.vector_load %arg11[%swap3A_38, %swap3A_39] {strides = array<i32>} : memref<128x128xf32, #tpu.memory_space<vmem>>, vector<16xf32>,
      tpu.vector_store %arg11[%swap3A_38, %swap3A_39], %broadcast_in_dim3A_1 {strides = array<i32>} : memref<128x128xf32, #tpu.memory_space<vmem>>, vector<16xf32>,
      %swap3A_41 = arith.index_cast %scan3A_28 : i32 to index
      %swap3A_42 = arith.constant 64 : index
      %swap3A_43 = tpu.vector_load %arg11[%swap3A_41, %swap3A_42] {strides = array<i32>} : memref<128x128xf32, #tpu.memory_space<vmem>>, vector<16xf32>,
      tpu.vector_store %arg11[%swap3A_41, %swap3A_42], %broadcast_in_dim3A_1 {strides = array<i32>} : memref<128x128xf32, #tpu.memory_space<vmem>>, vector<16xf32>,
      %swap3A_44 = arith.index_cast %scan3A_28 : i32 to index
      %swap3A_45 = arith.constant 80 : index
      %swap3A_46 = tpu.vector_load %arg11[%swap3A_44, %swap3A_45] {strides = array<i32>} : memref<128x128xf32, #tpu.memory_space<vmem>>, vector<16xf32>,
      tpu.vector_store %arg11[%swap3A_44, %swap3A_45], %broadcast_in_dim3A_1 {strides = array<i32>} : memref<128x128xf32, #tpu.memory_space<vmem>>, vector<16xf32>,
      %swap3A_47 = arith.index_cast %scan3A_28 : i32 to index
      %swap3A_48 = arith.constant 96 : index
      %swap3A_49 = tpu.vector_load %arg11[%swap3A_47, %swap3A_48] {strides = array<i32>} : memref<128x128xf32, #tpu.memory_space<vmem>>, vector<16xf32>,
      tpu.vector_store %arg11[%swap3A_47, %swap3A_48], %broadcast_in_dim3A_1 {strides = array<i32>} : memref<128x128xf32, #tpu.memory_space<vmem>>, vector<16xf32>,
      %swap3A_50 = arith.index_cast %scan3A_28 : i32 to index
      %swap3A_51 = arith.constant 112 : index
      %swap3A_52 = tpu.vector_load %arg11[%swap3A_50, %swap3A_51] {strides = array<i32>} : memref<128x128xf32, #tpu.memory_space<vmem>>, vector<16xf32>,
      tpu.vector_store %arg11[%swap3A_50, %swap3A_51], %broadcast_in_dim3A_1 {strides = array<i32>} : memref<128x128xf32, #tpu.memory_space<vmem>>, vector<16xf32>,
      %scan3A_53 = arith.constant 0 : i32
      scf.yield %scan3A_53 : i32
    }
    %scan3A_7 = arith.constant 128 : i32
    %mul3A_8 = arith.constant 640 : i32
    %mul3A_9 = arith.muli %arg1, %mul3A_8 : i32
    %multiple_of3A = tpu.assume_multiple %mul3A_9, 640 : i32
    %add3A_10 = arith.constant 0 : i32
    %add3A_11 = arith.addi %multiple_of3A, %add3A_10 : i32
    "tpu.region"() ({
      %run_scoped3A = tpu.sem_alloc : memref<!tpu.dma_semaphore, #tpu.memory_space<semaphore_mem>>
      %dma_start3A = arith.constant 0 : i32
      %dma_start3A_28 = tpu.memref_slice %arg7[%add3A_11, %dma_start3A] : memref<10240x128xf32, #tpu.memory_space<vmem_shared>> -> memref<128x128xf32, #tpu.memory_space<vmem_shared>>
      %dma_start3A_29 = arith.constant 0 : i32
      %dma_start3A_30 = tpu.memref_slice %arg7[%add3A_11, %dma_start3A_29] : memref<10240x128xf32, #tpu.memory_space<vmem_shared>> -> memref<128x128xf32, #tpu.memory_space<vmem_shared>>
      tpu.enqueue_dma source(%arg11 : memref<128x128xf32, #tpu.memory_space<vmem>>) target(%dma_start3A_30 : memref<128x128xf32, #tpu.memory_space<vmem_shared>>) target_semaphore(%run_scoped3A : memref<!tpu.dma_semaphore, #tpu.memory_space<semaphore_mem>>)
      %dma_wait3A = arith.constant 0 : i32
      %dma_wait3A_31 = tpu.memref_slice %arg7[%add3A_11, %dma_wait3A] : memref<10240x128xf32, #tpu.memory_space<vmem_shared>> -> memref<128x128xf32, #tpu.memory_space<vmem_shared>>
      %dma_wait3A_32 = arith.constant 0 : i32
      %dma_wait3A_33 = tpu.memref_slice %arg7[%add3A_11, %dma_wait3A_32] : memref<10240x128xf32, #tpu.memory_space<vmem_shared>> -> memref<128x128xf32, #tpu.memory_space<vmem_shared>>
      tpu.wait_dma2 semaphore(%run_scoped3A : memref<!tpu.dma_semaphore, #tpu.memory_space<semaphore_mem>>) src(%arg11 : memref<128x128xf32, #tpu.memory_space<vmem>>) dst(%dma_wait3A_33 : memref<128x128xf32, #tpu.memory_space<vmem_shared>>)
      tpu.yield
    }) : () -> ()
    %add3A_12 = arith.constant 128 : i32
    %add3A_13 = arith.addi %multiple_of3A, %add3A_12 : i32
    "tpu.region"() ({
      %run_scoped3A = tpu.sem_alloc : memref<!tpu.dma_semaphore, #tpu.memory_space<semaphore_mem>>
      %dma_start3A = arith.constant 0 : i32
      %dma_start3A_28 = tpu.memref_slice %arg7[%add3A_13, %dma_start3A] : memref<10240x128xf32, #tpu.memory_space<vmem_shared>> -> memref<128x128xf32, #tpu.memory_space<vmem_shared>>
      %dma_start3A_29 = arith.constant 0 : i32
      %dma_start3A_30 = tpu.memref_slice %arg7[%add3A_13, %dma_start3A_29] : memref<10240x128xf32, #tpu.memory_space<vmem_shared>> -> memref<128x128xf32, #tpu.memory_space<vmem_shared>>
      tpu.enqueue_dma source(%arg11 : memref<128x128xf32, #tpu.memory_space<vmem>>) target(%dma_start3A_30 : memref<128x128xf32, #tpu.memory_space<vmem_shared>>) target_semaphore(%run_scoped3A : memref<!tpu.dma_semaphore, #tpu.memory_space<semaphore_mem>>)
      %dma_wait3A = arith.constant 0 : i32
      %dma_wait3A_31 = tpu.memref_slice %arg7[%add3A_13, %dma_wait3A] : memref<10240x128xf32, #tpu.memory_space<vmem_shared>> -> memref<128x128xf32, #tpu.memory_space<vmem_shared>>
      %dma_wait3A_32 = arith.constant 0 : i32
      %dma_wait3A_33 = tpu.memref_slice %arg7[%add3A_13, %dma_wait3A_32] : memref<10240x128xf32, #tpu.memory_space<vmem_shared>> -> memref<128x128xf32, #tpu.memory_space<vmem_shared>>
      tpu.wait_dma2 semaphore(%run_scoped3A : memref<!tpu.dma_semaphore, #tpu.memory_space<semaphore_mem>>) src(%arg11 : memref<128x128xf32, #tpu.memory_space<vmem>>) dst(%dma_wait3A_33 : memref<128x128xf32, #tpu.memory_space<vmem_shared>>)
      tpu.yield
    }) : () -> ()
    %add3A_14 = arith.constant 256 : i32
    %add3A_15 = arith.addi %multiple_of3A, %add3A_14 : i32
    "tpu.region"() ({
      %run_scoped3A = tpu.sem_alloc : memref<!tpu.dma_semaphore, #tpu.memory_space<semaphore_mem>>
      %dma_start3A = arith.constant 0 : i32
      %dma_start3A_28 = tpu.memref_slice %arg7[%add3A_15, %dma_start3A] : memref<10240x128xf32, #tpu.memory_space<vmem_shared>> -> memref<128x128xf32, #tpu.memory_space<vmem_shared>>
      %dma_start3A_29 = arith.constant 0 : i32
      %dma_start3A_30 = tpu.memref_slice %arg7[%add3A_15, %dma_start3A_29] : memref<10240x128xf32, #tpu.memory_space<vmem_shared>> -> memref<128x128xf32, #tpu.memory_space<vmem_shared>>
      tpu.enqueue_dma source(%arg11 : memref<128x128xf32, #tpu.memory_space<vmem>>) target(%dma_start3A_30 : memref<128x128xf32, #tpu.memory_space<vmem_shared>>) target_semaphore(%run_scoped3A : memref<!tpu.dma_semaphore, #tpu.memory_space<semaphore_mem>>)
      %dma_wait3A = arith.constant 0 : i32
      %dma_wait3A_31 = tpu.memref_slice %arg7[%add3A_15, %dma_wait3A] : memref<10240x128xf32, #tpu.memory_space<vmem_shared>> -> memref<128x128xf32, #tpu.memory_space<vmem_shared>>
      %dma_wait3A_32 = arith.constant 0 : i32
      %dma_wait3A_33 = tpu.memref_slice %arg7[%add3A_15, %dma_wait3A_32] : memref<10240x128xf32, #tpu.memory_space<vmem_shared>> -> memref<128x128xf32, #tpu.memory_space<vmem_shared>>
      tpu.wait_dma2 semaphore(%run_scoped3A : memref<!tpu.dma_semaphore, #tpu.memory_space<semaphore_mem>>) src(%arg11 : memref<128x128xf32, #tpu.memory_space<vmem>>) dst(%dma_wait3A_33 : memref<128x128xf32, #tpu.memory_space<vmem_shared>>)
      tpu.yield
    }) : () -> ()
    %add3A_16 = arith.constant 384 : i32
    %add3A_17 = arith.addi %multiple_of3A, %add3A_16 : i32
    "tpu.region"() ({
      %run_scoped3A = tpu.sem_alloc : memref<!tpu.dma_semaphore, #tpu.memory_space<semaphore_mem>>
      %dma_start3A = arith.constant 0 : i32
      %dma_start3A_28 = tpu.memref_slice %arg7[%add3A_17, %dma_start3A] : memref<10240x128xf32, #tpu.memory_space<vmem_shared>> -> memref<128x128xf32, #tpu.memory_space<vmem_shared>>
      %dma_start3A_29 = arith.constant 0 : i32
      %dma_start3A_30 = tpu.memref_slice %arg7[%add3A_17, %dma_start3A_29] : memref<10240x128xf32, #tpu.memory_space<vmem_shared>> -> memref<128x128xf32, #tpu.memory_space<vmem_shared>>
      tpu.enqueue_dma source(%arg11 : memref<128x128xf32, #tpu.memory_space<vmem>>) target(%dma_start3A_30 : memref<128x128xf32, #tpu.memory_space<vmem_shared>>) target_semaphore(%run_scoped3A : memref<!tpu.dma_semaphore, #tpu.memory_space<semaphore_mem>>)
      %dma_wait3A = arith.constant 0 : i32
      %dma_wait3A_31 = tpu.memref_slice %arg7[%add3A_17, %dma_wait3A] : memref<10240x128xf32, #tpu.memory_space<vmem_shared>> -> memref<128x128xf32, #tpu.memory_space<vmem_shared>>
      %dma_wait3A_32 = arith.constant 0 : i32
      %dma_wait3A_33 = tpu.memref_slice %arg7[%add3A_17, %dma_wait3A_32] : memref<10240x128xf32, #tpu.memory_space<vmem_shared>> -> memref<128x128xf32, #tpu.memory_space<vmem_shared>>
      tpu.wait_dma2 semaphore(%run_scoped3A : memref<!tpu.dma_semaphore, #tpu.memory_space<semaphore_mem>>) src(%arg11 : memref<128x128xf32, #tpu.memory_space<vmem>>) dst(%dma_wait3A_33 : memref<128x128xf32, #tpu.memory_space<vmem_shared>>)
      tpu.yield
    }) : () -> ()
    %add3A_18 = arith.constant 512 : i32
    %add3A_19 = arith.addi %multiple_of3A, %add3A_18 : i32
    "tpu.region"() ({
      %run_scoped3A = tpu.sem_alloc : memref<!tpu.dma_semaphore, #tpu.memory_space<semaphore_mem>>
      %dma_start3A = arith.constant 0 : i32
      %dma_start3A_28 = tpu.memref_slice %arg7[%add3A_19, %dma_start3A] : memref<10240x128xf32, #tpu.memory_space<vmem_shared>> -> memref<128x128xf32, #tpu.memory_space<vmem_shared>>
      %dma_start3A_29 = arith.constant 0 : i32
      %dma_start3A_30 = tpu.memref_slice %arg7[%add3A_19, %dma_start3A_29] : memref<10240x128xf32, #tpu.memory_space<vmem_shared>> -> memref<128x128xf32, #tpu.memory_space<vmem_shared>>
      tpu.enqueue_dma source(%arg11 : memref<128x128xf32, #tpu.memory_space<vmem>>) target(%dma_start3A_30 : memref<128x128xf32, #tpu.memory_space<vmem_shared>>) target_semaphore(%run_scoped3A : memref<!tpu.dma_semaphore, #tpu.memory_space<semaphore_mem>>)
      %dma_wait3A = arith.constant 0 : i32
      %dma_wait3A_31 = tpu.memref_slice %arg7[%add3A_19, %dma_wait3A] : memref<10240x128xf32, #tpu.memory_space<vmem_shared>> -> memref<128x128xf32, #tpu.memory_space<vmem_shared>>
      %dma_wait3A_32 = arith.constant 0 : i32
      %dma_wait3A_33 = tpu.memref_slice %arg7[%add3A_19, %dma_wait3A_32] : memref<10240x128xf32, #tpu.memory_space<vmem_shared>> -> memref<128x128xf32, #tpu.memory_space<vmem_shared>>
      tpu.wait_dma2 semaphore(%run_scoped3A : memref<!tpu.dma_semaphore, #tpu.memory_space<semaphore_mem>>) src(%arg11 : memref<128x128xf32, #tpu.memory_space<vmem>>) dst(%dma_wait3A_33 : memref<128x128xf32, #tpu.memory_space<vmem_shared>>)
      tpu.yield
    }) : () -> ()
    "tpu.region"() ({
      %run_scoped3A = tpu.sem_alloc : memref<!tpu.dma_semaphore, #tpu.memory_space<semaphore_mem>>
      %dma_start3A = arith.constant 0 : i32
      %dma_start3A_28 = arith.constant 0 : i32
      %dma_start3A_29 = tpu.memref_slice %arg2[%add3A, %dma_start3A, %dma_start3A_28] : memref<32x80x128xi32, #tpu.memory_space<hbm>> -> memref<1x80x128xi32, #tpu.memory_space<hbm>>
      %dma_start3A_30 = tpu.memref_squeeze %dma_start3A_29 : memref<1x80x128xi32, #tpu.memory_space<hbm>> -> memref<80x128xi32, #tpu.memory_space<hbm>>
      %dma_start3A_31 = arith.constant 0 : i32
      %dma_start3A_32 = arith.constant 0 : i32
      %dma_start3A_33 = tpu.memref_slice %arg2[%add3A, %dma_start3A_31, %dma_start3A_32] : memref<32x80x128xi32, #tpu.memory_space<hbm>> -> memref<1x80x128xi32, #tpu.memory_space<hbm>>
      %dma_start3A_34 = tpu.memref_squeeze %dma_start3A_33 : memref<1x80x128xi32, #tpu.memory_space<hbm>> -> memref<80x128xi32, #tpu.memory_space<hbm>>
      tpu.enqueue_dma source(%dma_start3A_34 : memref<80x128xi32, #tpu.memory_space<hbm>>) target(%arg8 : memref<80x128xi32, #tpu.memory_space<vmem>>) target_semaphore(%run_scoped3A : memref<!tpu.dma_semaphore, #tpu.memory_space<semaphore_mem>>)
      %dma_wait3A = arith.constant 0 : i32
      %dma_wait3A_35 = arith.constant 0 : i32
      %dma_wait3A_36 = tpu.memref_slice %arg2[%add3A, %dma_wait3A, %dma_wait3A_35] : memref<32x80x128xi32, #tpu.memory_space<hbm>> -> memref<1x80x128xi32, #tpu.memory_space<hbm>>
      %dma_wait3A_37 = tpu.memref_squeeze %dma_wait3A_36 : memref<1x80x128xi32, #tpu.memory_space<hbm>> -> memref<80x128xi32, #tpu.memory_space<hbm>>
      %dma_wait3A_38 = arith.constant 0 : i32
      %dma_wait3A_39 = arith.constant 0 : i32
      %dma_wait3A_40 = tpu.memref_slice %arg2[%add3A, %dma_wait3A_38, %dma_wait3A_39] : memref<32x80x128xi32, #tpu.memory_space<hbm>> -> memref<1x80x128xi32, #tpu.memory_space<hbm>>
      %dma_wait3A_41 = tpu.memref_squeeze %dma_wait3A_40 : memref<1x80x128xi32, #tpu.memory_space<hbm>> -> memref<80x128xi32, #tpu.memory_space<hbm>>
      tpu.wait_dma2 semaphore(%run_scoped3A : memref<!tpu.dma_semaphore, #tpu.memory_space<semaphore_mem>>) src(%dma_wait3A_41 : memref<80x128xi32, #tpu.memory_space<hbm>>) dst(%arg8 : memref<80x128xi32, #tpu.memory_space<vmem>>)
      tpu.yield
    }) : () -> ()
    "tpu.region"() ({
      %run_scoped3A = tpu.sem_alloc : memref<!tpu.dma_semaphore, #tpu.memory_space<semaphore_mem>>
      %dma_start3A = arith.constant 0 : i32
      %dma_start3A_28 = arith.constant 0 : i32
      %dma_start3A_29 = tpu.memref_slice %arg3[%add3A, %dma_start3A, %dma_start3A_28] : memref<32x80x128xi32, #tpu.memory_space<hbm>> -> memref<1x80x128xi32, #tpu.memory_space<hbm>>
      %dma_start3A_30 = tpu.memref_squeeze %dma_start3A_29 : memref<1x80x128xi32, #tpu.memory_space<hbm>> -> memref<80x128xi32, #tpu.memory_space<hbm>>
      %dma_start3A_31 = arith.constant 0 : i32
      %dma_start3A_32 = arith.constant 0 : i32
      %dma_start3A_33 = tpu.memref_slice %arg3[%add3A, %dma_start3A_31, %dma_start3A_32] : memref<32x80x128xi32, #tpu.memory_space<hbm>> -> memref<1x80x128xi32, #tpu.memory_space<hbm>>
      %dma_start3A_34 = tpu.memref_squeeze %dma_start3A_33 : memref<1x80x128xi32, #tpu.memory_space<hbm>> -> memref<80x128xi32, #tpu.memory_space<hbm>>
      tpu.enqueue_dma source(%dma_start3A_34 : memref<80x128xi32, #tpu.memory_space<hbm>>) target(%arg9 : memref<80x128xi32, #tpu.memory_space<vmem>>) target_semaphore(%run_scoped3A : memref<!tpu.dma_semaphore, #tpu.memory_space<semaphore_mem>>)
      %dma_wait3A = arith.constant 0 : i32
      %dma_wait3A_35 = arith.constant 0 : i32
      %dma_wait3A_36 = tpu.memref_slice %arg3[%add3A, %dma_wait3A, %dma_wait3A_35] : memref<32x80x128xi32, #tpu.memory_space<hbm>> -> memref<1x80x128xi32, #tpu.memory_space<hbm>>
      %dma_wait3A_37 = tpu.memref_squeeze %dma_wait3A_36 : memref<1x80x128xi32, #tpu.memory_space<hbm>> -> memref<80x128xi32, #tpu.memory_space<hbm>>
      %dma_wait3A_38 = arith.constant 0 : i32
      %dma_wait3A_39 = arith.constant 0 : i32
      %dma_wait3A_40 = tpu.memref_slice %arg3[%add3A, %dma_wait3A_38, %dma_wait3A_39] : memref<32x80x128xi32, #tpu.memory_space<hbm>> -> memref<1x80x128xi32, #tpu.memory_space<hbm>>
      %dma_wait3A_41 = tpu.memref_squeeze %dma_wait3A_40 : memref<1x80x128xi32, #tpu.memory_space<hbm>> -> memref<80x128xi32, #tpu.memory_space<hbm>>
      tpu.wait_dma2 semaphore(%run_scoped3A : memref<!tpu.dma_semaphore, #tpu.memory_space<semaphore_mem>>) src(%dma_wait3A_41 : memref<80x128xi32, #tpu.memory_space<hbm>>) dst(%arg9 : memref<80x128xi32, #tpu.memory_space<vmem>>)
      tpu.yield
    }) : () -> ()
    "tpu.region"() ({
      %run_scoped3A = tpu.sem_alloc : memref<!tpu.dma_semaphore, #tpu.memory_space<semaphore_mem>>
      %dma_start3A = arith.constant 0 : i32
      %dma_start3A_28 = arith.constant 0 : i32
      %dma_start3A_29 = tpu.memref_slice %arg4[%add3A, %dma_start3A, %dma_start3A_28] : memref<32x80x128xf32, #tpu.memory_space<hbm>> -> memref<1x80x128xf32, #tpu.memory_space<hbm>>
      %dma_start3A_30 = tpu.memref_squeeze %dma_start3A_29 : memref<1x80x128xf32, #tpu.memory_space<hbm>> -> memref<80x128xf32, #tpu.memory_space<hbm>>
      %dma_start3A_31 = arith.constant 0 : i32
      %dma_start3A_32 = arith.constant 0 : i32
      %dma_start3A_33 = tpu.memref_slice %arg4[%add3A, %dma_start3A_31, %dma_start3A_32] : memref<32x80x128xf32, #tpu.memory_space<hbm>> -> memref<1x80x128xf32, #tpu.memory_space<hbm>>
      %dma_start3A_34 = tpu.memref_squeeze %dma_start3A_33 : memref<1x80x128xf32, #tpu.memory_space<hbm>> -> memref<80x128xf32, #tpu.memory_space<hbm>>
      tpu.enqueue_dma source(%dma_start3A_34 : memref<80x128xf32, #tpu.memory_space<hbm>>) target(%arg10 : memref<80x128xf32, #tpu.memory_space<vmem>>) target_semaphore(%run_scoped3A : memref<!tpu.dma_semaphore, #tpu.memory_space<semaphore_mem>>)
      %dma_wait3A = arith.constant 0 : i32
      %dma_wait3A_35 = arith.constant 0 : i32
      %dma_wait3A_36 = tpu.memref_slice %arg4[%add3A, %dma_wait3A, %dma_wait3A_35] : memref<32x80x128xf32, #tpu.memory_space<hbm>> -> memref<1x80x128xf32, #tpu.memory_space<hbm>>
      %dma_wait3A_37 = tpu.memref_squeeze %dma_wait3A_36 : memref<1x80x128xf32, #tpu.memory_space<hbm>> -> memref<80x128xf32, #tpu.memory_space<hbm>>
      %dma_wait3A_38 = arith.constant 0 : i32
      %dma_wait3A_39 = arith.constant 0 : i32
      %dma_wait3A_40 = tpu.memref_slice %arg4[%add3A, %dma_wait3A_38, %dma_wait3A_39] : memref<32x80x128xf32, #tpu.memory_space<hbm>> -> memref<1x80x128xf32, #tpu.memory_space<hbm>>
      %dma_wait3A_41 = tpu.memref_squeeze %dma_wait3A_40 : memref<1x80x128xf32, #tpu.memory_space<hbm>> -> memref<80x128xf32, #tpu.memory_space<hbm>>
      tpu.wait_dma2 semaphore(%run_scoped3A : memref<!tpu.dma_semaphore, #tpu.memory_space<semaphore_mem>>) src(%dma_wait3A_41 : memref<80x128xf32, #tpu.memory_space<hbm>>) dst(%arg10 : memref<80x128xf32, #tpu.memory_space<vmem>>)
      tpu.yield
    }) : () -> ()
    %barrier3A = arith.constant 0 : index
    tpu.barrier barrier_id(%barrier3A)
    %scan3A_20 = arith.constant 0 : i32
    %scan3A_21 = arith.constant 0 : i32
    %scan3A_22 = arith.constant 80 : i32
    %scan3A_23 = arith.addi %scan3A_21, %scan3A_22 : i32
    %scan3A_24 = arith.constant 1 : i32
    %scan3A_25 = scf.for %scan3A_28 = %scan3A_21 to %scan3A_23 step %scan3A_24 iter_args(%scan3A_29 = %scan3A_20) -> (i32)  : i32 {
      %dma_start3A = arith.constant 0 : i32
      %dma_start3A_30 = tpu.memref_slice %arg8[%scan3A_28, %dma_start3A] : memref<80x128xi32, #tpu.memory_space<vmem>> -> memref<1x128xi32, #tpu.memory_space<vmem>>
      %dma_start3A_31 = tpu.memref_squeeze %dma_start3A_30 : memref<1x128xi32, #tpu.memory_space<vmem>> -> memref<128xi32, #tpu.memory_space<vmem>>
      %dma_start3A_32 = arith.constant 0 : i32
      %dma_start3A_33 = arith.constant 0 : i32
      %dma_start3A_34 = tpu.memref_slice %arg5[%dma_start3A_32, %dma_start3A_33] : memref<10000x128xf32, #tpu.memory_space<hbm>> -> memref<10000x128xf32, #tpu.memory_space<hbm>>
      tpu.enqueue_indirect_dma source(%dma_start3A_34 : memref<10000x128xf32, #tpu.memory_space<hbm>>) target(%arg11 : memref<128x128xf32, #tpu.memory_space<vmem>>) offsets(%dma_start3A_31 : memref<128xi32, #tpu.memory_space<vmem>>) semaphore(%arg12 : memref<!tpu.dma_semaphore, #tpu.memory_space<semaphore_mem>>)
      %dma_wait3A = arith.constant 0 : i32
      %dma_wait3A_35 = tpu.memref_slice %arg8[%scan3A_28, %dma_wait3A] : memref<80x128xi32, #tpu.memory_space<vmem>> -> memref<1x128xi32, #tpu.memory_space<vmem>>
      %dma_wait3A_36 = tpu.memref_squeeze %dma_wait3A_35 : memref<1x128xi32, #tpu.memory_space<vmem>> -> memref<128xi32, #tpu.memory_space<vmem>>
      %dma_wait3A_37 = arith.constant 0 : i32
      %dma_wait3A_38 = arith.constant 0 : i32
      %dma_wait3A_39 = tpu.memref_slice %arg5[%dma_wait3A_37, %dma_wait3A_38] : memref<10000x128xf32, #tpu.memory_space<hbm>> -> memref<10000x128xf32, #tpu.memory_space<hbm>>
      tpu.wait_indirect_dma semaphore(%arg12 : memref<!tpu.dma_semaphore, #tpu.memory_space<semaphore_mem>>) src(%dma_wait3A_39 : memref<10000x128xf32, #tpu.memory_space<hbm>>) dst(%arg11 : memref<128x128xf32, #tpu.memory_space<vmem>>)
      %broadcast_in_dim3A_40 = vector.broadcast %scan3A_28 : i32 to vector<16xi32>
      %scan3A_41 = arith.constant 0 : i32
      %scan3A_42 = arith.constant 0 : i32
      %scan3A_43 = arith.constant 128 : i32
      %scan3A_44 = arith.addi %scan3A_42, %scan3A_43 : i32
      %scan3A_45 = arith.constant 1 : i32
      %scan3A_46 = scf.for %scan3A_49 = %scan3A_42 to %scan3A_44 step %scan3A_45 iter_args(%scan3A_50 = %scan3A_41) -> (i32)  : i32 {
        %broadcast_in_dim3A_51 = vector.broadcast %scan3A_49 : i32 to vector<16xi32>
        %gather3A = tpu.vector_load_idx %arg10[%broadcast_in_dim3A_40, %broadcast_in_dim3A_51] : memref<80x128xf32, #tpu.memory_space<vmem>>[vector<16xi32>, vector<16xi32>], vector<16xf32>,
        %get3A = arith.index_cast %scan3A_49 : i32 to index
        %get3A_52 = arith.constant 0 : index
        %get3A_53 = tpu.vector_load %arg11[%get3A, %get3A_52] {strides = array<i32>} : memref<128x128xf32, #tpu.memory_space<vmem>>, vector<16xf32>,
        %mul3A_54 = arith.mulf %get3A_53, %gather3A : vector<16xf32>
        %swap3A = arith.index_cast %scan3A_49 : i32 to index
        %swap3A_55 = arith.constant 0 : index
        %swap3A_56 = tpu.vector_load %arg11[%swap3A, %swap3A_55] {strides = array<i32>} : memref<128x128xf32, #tpu.memory_space<vmem>>, vector<16xf32>,
        tpu.vector_store %arg11[%swap3A, %swap3A_55], %mul3A_54 {strides = array<i32>} : memref<128x128xf32, #tpu.memory_space<vmem>>, vector<16xf32>,
        %get3A_57 = arith.index_cast %scan3A_49 : i32 to index
        %get3A_58 = arith.constant 16 : index
        %get3A_59 = tpu.vector_load %arg11[%get3A_57, %get3A_58] {strides = array<i32>} : memref<128x128xf32, #tpu.memory_space<vmem>>, vector<16xf32>,
        %mul3A_60 = arith.mulf %get3A_59, %gather3A : vector<16xf32>
        %swap3A_61 = arith.index_cast %scan3A_49 : i32 to index
        %swap3A_62 = arith.constant 16 : index
        %swap3A_63 = tpu.vector_load %arg11[%swap3A_61, %swap3A_62] {strides = array<i32>} : memref<128x128xf32, #tpu.memory_space<vmem>>, vector<16xf32>,
        tpu.vector_store %arg11[%swap3A_61, %swap3A_62], %mul3A_60 {strides = array<i32>} : memref<128x128xf32, #tpu.memory_space<vmem>>, vector<16xf32>,
        %get3A_64 = arith.index_cast %scan3A_49 : i32 to index
        %get3A_65 = arith.constant 32 : index
        %get3A_66 = tpu.vector_load %arg11[%get3A_64, %get3A_65] {strides = array<i32>} : memref<128x128xf32, #tpu.memory_space<vmem>>, vector<16xf32>,
        %mul3A_67 = arith.mulf %get3A_66, %gather3A : vector<16xf32>
        %swap3A_68 = arith.index_cast %scan3A_49 : i32 to index
        %swap3A_69 = arith.constant 32 : index
        %swap3A_70 = tpu.vector_load %arg11[%swap3A_68, %swap3A_69] {strides = array<i32>} : memref<128x128xf32, #tpu.memory_space<vmem>>, vector<16xf32>,
        tpu.vector_store %arg11[%swap3A_68, %swap3A_69], %mul3A_67 {strides = array<i32>} : memref<128x128xf32, #tpu.memory_space<vmem>>, vector<16xf32>,
        %get3A_71 = arith.index_cast %scan3A_49 : i32 to index
        %get3A_72 = arith.constant 48 : index
        %get3A_73 = tpu.vector_load %arg11[%get3A_71, %get3A_72] {strides = array<i32>} : memref<128x128xf32, #tpu.memory_space<vmem>>, vector<16xf32>,
        %mul3A_74 = arith.mulf %get3A_73, %gather3A : vector<16xf32>
        %swap3A_75 = arith.index_cast %scan3A_49 : i32 to index
        %swap3A_76 = arith.constant 48 : index
        %swap3A_77 = tpu.vector_load %arg11[%swap3A_75, %swap3A_76] {strides = array<i32>} : memref<128x128xf32, #tpu.memory_space<vmem>>, vector<16xf32>,
        tpu.vector_store %arg11[%swap3A_75, %swap3A_76], %mul3A_74 {strides = array<i32>} : memref<128x128xf32, #tpu.memory_space<vmem>>, vector<16xf32>,
        %get3A_78 = arith.index_cast %scan3A_49 : i32 to index
        %get3A_79 = arith.constant 64 : index
        %get3A_80 = tpu.vector_load %arg11[%get3A_78, %get3A_79] {strides = array<i32>} : memref<128x128xf32, #tpu.memory_space<vmem>>, vector<16xf32>,
        %mul3A_81 = arith.mulf %get3A_80, %gather3A : vector<16xf32>
        %swap3A_82 = arith.index_cast %scan3A_49 : i32 to index
        %swap3A_83 = arith.constant 64 : index
        %swap3A_84 = tpu.vector_load %arg11[%swap3A_82, %swap3A_83] {strides = array<i32>} : memref<128x128xf32, #tpu.memory_space<vmem>>, vector<16xf32>,
        tpu.vector_store %arg11[%swap3A_82, %swap3A_83], %mul3A_81 {strides = array<i32>} : memref<128x128xf32, #tpu.memory_space<vmem>>, vector<16xf32>,
        %get3A_85 = arith.index_cast %scan3A_49 : i32 to index
        %get3A_86 = arith.constant 80 : index
        %get3A_87 = tpu.vector_load %arg11[%get3A_85, %get3A_86] {strides = array<i32>} : memref<128x128xf32, #tpu.memory_space<vmem>>, vector<16xf32>,
        %mul3A_88 = arith.mulf %get3A_87, %gather3A : vector<16xf32>
        %swap3A_89 = arith.index_cast %scan3A_49 : i32 to index
        %swap3A_90 = arith.constant 80 : index
        %swap3A_91 = tpu.vector_load %arg11[%swap3A_89, %swap3A_90] {strides = array<i32>} : memref<128x128xf32, #tpu.memory_space<vmem>>, vector<16xf32>,
        tpu.vector_store %arg11[%swap3A_89, %swap3A_90], %mul3A_88 {strides = array<i32>} : memref<128x128xf32, #tpu.memory_space<vmem>>, vector<16xf32>,
        %get3A_92 = arith.index_cast %scan3A_49 : i32 to index
        %get3A_93 = arith.constant 96 : index
        %get3A_94 = tpu.vector_load %arg11[%get3A_92, %get3A_93] {strides = array<i32>} : memref<128x128xf32, #tpu.memory_space<vmem>>, vector<16xf32>,
        %mul3A_95 = arith.mulf %get3A_94, %gather3A : vector<16xf32>
        %swap3A_96 = arith.index_cast %scan3A_49 : i32 to index
        %swap3A_97 = arith.constant 96 : index
        %swap3A_98 = tpu.vector_load %arg11[%swap3A_96, %swap3A_97] {strides = array<i32>} : memref<128x128xf32, #tpu.memory_space<vmem>>, vector<16xf32>,
        tpu.vector_store %arg11[%swap3A_96, %swap3A_97], %mul3A_95 {strides = array<i32>} : memref<128x128xf32, #tpu.memory_space<vmem>>, vector<16xf32>,
        %get3A_99 = arith.index_cast %scan3A_49 : i32 to index
        %get3A_100 = arith.constant 112 : index
        %get3A_101 = tpu.vector_load %arg11[%get3A_99, %get3A_100] {strides = array<i32>} : memref<128x128xf32, #tpu.memory_space<vmem>>, vector<16xf32>,
        %mul3A_102 = arith.mulf %get3A_101, %gather3A : vector<16xf32>
        %swap3A_103 = arith.index_cast %scan3A_49 : i32 to index
        %swap3A_104 = arith.constant 112 : index
        %swap3A_105 = tpu.vector_load %arg11[%swap3A_103, %swap3A_104] {strides = array<i32>} : memref<128x128xf32, #tpu.memory_space<vmem>>, vector<16xf32>,
        tpu.vector_store %arg11[%swap3A_103, %swap3A_104], %mul3A_102 {strides = array<i32>} : memref<128x128xf32, #tpu.memory_space<vmem>>, vector<16xf32>,
        %scan3A_106 = arith.constant 0 : i32
        scf.yield %scan3A_106 : i32
      }
      %scan3A_47 = arith.constant 128 : i32
      "tpu.region"() ({
        %run_scoped3A = tpu.sem_alloc : memref<!tpu.dma_semaphore, #tpu.memory_space<semaphore_mem>>
        %dma_start3A_49 = arith.constant 0 : i32
        %dma_start3A_50 = tpu.memref_slice %arg9[%scan3A_28, %dma_start3A_49] : memref<80x128xi32, #tpu.memory_space<vmem>> -> memref<1x128xi32, #tpu.memory_space<vmem>>
        %dma_start3A_51 = tpu.memref_squeeze %dma_start3A_50 : memref<1x128xi32, #tpu.memory_space<vmem>> -> memref<128xi32, #tpu.memory_space<vmem>>
        %dma_start3A_52 = arith.constant 0 : i32
        %dma_start3A_53 = arith.constant 0 : i32
        %dma_start3A_54 = tpu.memref_slice %arg7[%dma_start3A_52, %dma_start3A_53] : memref<10240x128xf32, #tpu.memory_space<vmem_shared>> -> memref<10240x128xf32, #tpu.memory_space<vmem_shared>>
        tpu.enqueue_indirect_dma source(%arg11 : memref<128x128xf32, #tpu.memory_space<vmem>>) target(%dma_start3A_54 : memref<10240x128xf32, #tpu.memory_space<vmem_shared>>) offsets(%dma_start3A_51 : memref<128xi32, #tpu.memory_space<vmem>>) semaphore(%run_scoped3A : memref<!tpu.dma_semaphore, #tpu.memory_space<semaphore_mem>>) {add = true}
        %dma_wait3A_55 = arith.constant 0 : i32
        %dma_wait3A_56 = tpu.memref_slice %arg9[%scan3A_28, %dma_wait3A_55] : memref<80x128xi32, #tpu.memory_space<vmem>> -> memref<1x128xi32, #tpu.memory_space<vmem>>
        %dma_wait3A_57 = tpu.memref_squeeze %dma_wait3A_56 : memref<1x128xi32, #tpu.memory_space<vmem>> -> memref<128xi32, #tpu.memory_space<vmem>>
        %dma_wait3A_58 = arith.constant 0 : i32
        %dma_wait3A_59 = arith.constant 0 : i32
        %dma_wait3A_60 = tpu.memref_slice %arg7[%dma_wait3A_58, %dma_wait3A_59] : memref<10240x128xf32, #tpu.memory_space<vmem_shared>> -> memref<10240x128xf32, #tpu.memory_space<vmem_shared>>
        tpu.wait_indirect_dma semaphore(%run_scoped3A : memref<!tpu.dma_semaphore, #tpu.memory_space<semaphore_mem>>) src(%arg11 : memref<128x128xf32, #tpu.memory_space<vmem>>) dst(%dma_wait3A_60 : memref<10240x128xf32, #tpu.memory_space<vmem_shared>>)
        tpu.yield
      }) : () -> ()
      %scan3A_48 = arith.constant 0 : i32
      scf.yield %scan3A_48 : i32
    }
    %scan3A_26 = arith.constant 80 : i32
    %barrier3A_27 = arith.constant 0 : index
    tpu.barrier barrier_id(%barrier3A_27)
    "tpu.region"() ({
      %run_scoped3A = tpu.sem_alloc : memref<!tpu.dma_semaphore, #tpu.memory_space<semaphore_mem>>
      %dma_start3A = arith.constant 0 : i32
      %dma_start3A_28 = tpu.memref_slice %arg6[%arg0, %multiple_of3A, %dma_start3A] : memref<2x10240x128xf32, #tpu.memory_space<hbm>> -> memref<1x640x128xf32, #tpu.memory_space<hbm>>
      %dma_start3A_29 = tpu.memref_squeeze %dma_start3A_28 : memref<1x640x128xf32, #tpu.memory_space<hbm>> -> memref<640x128xf32, #tpu.memory_space<hbm>>
      %dma_start3A_30 = arith.constant 0 : i32
      %dma_start3A_31 = tpu.memref_slice %arg7[%multiple_of3A, %dma_start3A_30] : memref<10240x128xf32, #tpu.memory_space<vmem_shared>> -> memref<640x128xf32, #tpu.memory_space<vmem_shared>>
      tpu.enqueue_dma source(%dma_start3A_31 : memref<640x128xf32, #tpu.memory_space<vmem_shared>>) target(%dma_start3A_29 : memref<640x128xf32, #tpu.memory_space<hbm>>) target_semaphore(%run_scoped3A : memref<!tpu.dma_semaphore, #tpu.memory_space<semaphore_mem>>)
      %dma_wait3A = arith.constant 0 : i32
      %dma_wait3A_32 = tpu.memref_slice %arg6[%arg0, %multiple_of3A, %dma_wait3A] : memref<2x10240x128xf32, #tpu.memory_space<hbm>> -> memref<1x640x128xf32, #tpu.memory_space<hbm>>
      %dma_wait3A_33 = tpu.memref_squeeze %dma_wait3A_32 : memref<1x640x128xf32, #tpu.memory_space<hbm>> -> memref<640x128xf32, #tpu.memory_space<hbm>>
      %dma_wait3A_34 = arith.constant 0 : i32
      %dma_wait3A_35 = tpu.memref_slice %arg7[%multiple_of3A, %dma_wait3A_34] : memref<10240x128xf32, #tpu.memory_space<vmem_shared>> -> memref<640x128xf32, #tpu.memory_space<vmem_shared>>
      tpu.wait_dma2 semaphore(%run_scoped3A : memref<!tpu.dma_semaphore, #tpu.memory_space<semaphore_mem>>) src(%dma_wait3A_35 : memref<640x128xf32, #tpu.memory_space<vmem_shared>>) dst(%dma_wait3A_33 : memref<640x128xf32, #tpu.memory_space<hbm>>)
      tpu.yield
    }) : () -> ()
    return
  }
}

#map = affine_map<(d0, d1) -> (0, 0, 0)>
#map1 = affine_map<(d0, d1) -> (0, 0)>
module attributes {stable_mosaic.version = 14 : i64} {
  func.func @_hist_body(%arg0: i32, %arg1: i32, %arg2: memref<32x80x128xi32, #tpu.memory_space<hbm>>, %arg3: memref<2x10240xf32, #tpu.memory_space<hbm>>, %arg4: memref<10240xf32, #tpu.memory_space<vmem_shared>>, %arg5: memref<128xf32, #tpu.memory_space<vmem>>, %arg6: memref<80x128xi32, #tpu.memory_space<vmem>>, %arg7: memref<128xf32, #tpu.memory_space<vmem>>) attributes {dimension_semantics = [#tpu.dimension_semantics<core_parallel>, #tpu.dimension_semantics<subcore_parallel>], iteration_bounds = array<i64: 2, 16>, scalar_prefetch = 0 : i64, scratch_operands = 4 : i64, tpu.core_type = #tpu.core_type<sc_vector_subcore>, window_params = [{transform_indices = #map}, {transform_indices = #map1}]} {
    %mul3A = arith.constant 16 : i32
    %mul3A_0 = arith.muli %arg0, %mul3A : i32
    %add3A = arith.addi %mul3A_0, %arg1 : i32
    %broadcast_in_dim3A = arith.constant 0.000000e+00 : f32
    %broadcast_in_dim3A_1 = vector.broadcast %broadcast_in_dim3A : f32 to vector<16xf32>
    %broadcast_in_dim3A_2 = arith.constant 1.000000e+00 : f32
    %broadcast_in_dim3A_3 = vector.broadcast %broadcast_in_dim3A_2 : f32 to vector<16xf32>
    %swap3A = arith.constant 0 : index
    %swap3A_4 = tpu.vector_load %arg5[%swap3A] {strides = array<i32>} : memref<128xf32, #tpu.memory_space<vmem>>, vector<16xf32>,
    tpu.vector_store %arg5[%swap3A], %broadcast_in_dim3A_3 {strides = array<i32>} : memref<128xf32, #tpu.memory_space<vmem>>, vector<16xf32>,
    %swap3A_5 = arith.constant 0 : index
    %swap3A_6 = tpu.vector_load %arg7[%swap3A_5] {strides = array<i32>} : memref<128xf32, #tpu.memory_space<vmem>>, vector<16xf32>,
    tpu.vector_store %arg7[%swap3A_5], %broadcast_in_dim3A_1 {strides = array<i32>} : memref<128xf32, #tpu.memory_space<vmem>>, vector<16xf32>,
    %swap3A_7 = arith.constant 16 : index
    %swap3A_8 = tpu.vector_load %arg5[%swap3A_7] {strides = array<i32>} : memref<128xf32, #tpu.memory_space<vmem>>, vector<16xf32>,
    tpu.vector_store %arg5[%swap3A_7], %broadcast_in_dim3A_3 {strides = array<i32>} : memref<128xf32, #tpu.memory_space<vmem>>, vector<16xf32>,
    %swap3A_9 = arith.constant 16 : index
    %swap3A_10 = tpu.vector_load %arg7[%swap3A_9] {strides = array<i32>} : memref<128xf32, #tpu.memory_space<vmem>>, vector<16xf32>,
    tpu.vector_store %arg7[%swap3A_9], %broadcast_in_dim3A_1 {strides = array<i32>} : memref<128xf32, #tpu.memory_space<vmem>>, vector<16xf32>,
    %swap3A_11 = arith.constant 32 : index
    %swap3A_12 = tpu.vector_load %arg5[%swap3A_11] {strides = array<i32>} : memref<128xf32, #tpu.memory_space<vmem>>, vector<16xf32>,
    tpu.vector_store %arg5[%swap3A_11], %broadcast_in_dim3A_3 {strides = array<i32>} : memref<128xf32, #tpu.memory_space<vmem>>, vector<16xf32>,
    %swap3A_13 = arith.constant 32 : index
    %swap3A_14 = tpu.vector_load %arg7[%swap3A_13] {strides = array<i32>} : memref<128xf32, #tpu.memory_space<vmem>>, vector<16xf32>,
    tpu.vector_store %arg7[%swap3A_13], %broadcast_in_dim3A_1 {strides = array<i32>} : memref<128xf32, #tpu.memory_space<vmem>>, vector<16xf32>,
    %swap3A_15 = arith.constant 48 : index
    %swap3A_16 = tpu.vector_load %arg5[%swap3A_15] {strides = array<i32>} : memref<128xf32, #tpu.memory_space<vmem>>, vector<16xf32>,
    tpu.vector_store %arg5[%swap3A_15], %broadcast_in_dim3A_3 {strides = array<i32>} : memref<128xf32, #tpu.memory_space<vmem>>, vector<16xf32>,
    %swap3A_17 = arith.constant 48 : index
    %swap3A_18 = tpu.vector_load %arg7[%swap3A_17] {strides = array<i32>} : memref<128xf32, #tpu.memory_space<vmem>>, vector<16xf32>,
    tpu.vector_store %arg7[%swap3A_17], %broadcast_in_dim3A_1 {strides = array<i32>} : memref<128xf32, #tpu.memory_space<vmem>>, vector<16xf32>,
    %swap3A_19 = arith.constant 64 : index
    %swap3A_20 = tpu.vector_load %arg5[%swap3A_19] {strides = array<i32>} : memref<128xf32, #tpu.memory_space<vmem>>, vector<16xf32>,
    tpu.vector_store %arg5[%swap3A_19], %broadcast_in_dim3A_3 {strides = array<i32>} : memref<128xf32, #tpu.memory_space<vmem>>, vector<16xf32>,
    %swap3A_21 = arith.constant 64 : index
    %swap3A_22 = tpu.vector_load %arg7[%swap3A_21] {strides = array<i32>} : memref<128xf32, #tpu.memory_space<vmem>>, vector<16xf32>,
    tpu.vector_store %arg7[%swap3A_21], %broadcast_in_dim3A_1 {strides = array<i32>} : memref<128xf32, #tpu.memory_space<vmem>>, vector<16xf32>,
    %swap3A_23 = arith.constant 80 : index
    %swap3A_24 = tpu.vector_load %arg5[%swap3A_23] {strides = array<i32>} : memref<128xf32, #tpu.memory_space<vmem>>, vector<16xf32>,
    tpu.vector_store %arg5[%swap3A_23], %broadcast_in_dim3A_3 {strides = array<i32>} : memref<128xf32, #tpu.memory_space<vmem>>, vector<16xf32>,
    %swap3A_25 = arith.constant 80 : index
    %swap3A_26 = tpu.vector_load %arg7[%swap3A_25] {strides = array<i32>} : memref<128xf32, #tpu.memory_space<vmem>>, vector<16xf32>,
    tpu.vector_store %arg7[%swap3A_25], %broadcast_in_dim3A_1 {strides = array<i32>} : memref<128xf32, #tpu.memory_space<vmem>>, vector<16xf32>,
    %swap3A_27 = arith.constant 96 : index
    %swap3A_28 = tpu.vector_load %arg5[%swap3A_27] {strides = array<i32>} : memref<128xf32, #tpu.memory_space<vmem>>, vector<16xf32>,
    tpu.vector_store %arg5[%swap3A_27], %broadcast_in_dim3A_3 {strides = array<i32>} : memref<128xf32, #tpu.memory_space<vmem>>, vector<16xf32>,
    %swap3A_29 = arith.constant 96 : index
    %swap3A_30 = tpu.vector_load %arg7[%swap3A_29] {strides = array<i32>} : memref<128xf32, #tpu.memory_space<vmem>>, vector<16xf32>,
    tpu.vector_store %arg7[%swap3A_29], %broadcast_in_dim3A_1 {strides = array<i32>} : memref<128xf32, #tpu.memory_space<vmem>>, vector<16xf32>,
    %swap3A_31 = arith.constant 112 : index
    %swap3A_32 = tpu.vector_load %arg5[%swap3A_31] {strides = array<i32>} : memref<128xf32, #tpu.memory_space<vmem>>, vector<16xf32>,
    tpu.vector_store %arg5[%swap3A_31], %broadcast_in_dim3A_3 {strides = array<i32>} : memref<128xf32, #tpu.memory_space<vmem>>, vector<16xf32>,
    %swap3A_33 = arith.constant 112 : index
    %swap3A_34 = tpu.vector_load %arg7[%swap3A_33] {strides = array<i32>} : memref<128xf32, #tpu.memory_space<vmem>>, vector<16xf32>,
    tpu.vector_store %arg7[%swap3A_33], %broadcast_in_dim3A_1 {strides = array<i32>} : memref<128xf32, #tpu.memory_space<vmem>>, vector<16xf32>,
    %mul3A_35 = arith.constant 640 : i32
    %mul3A_36 = arith.muli %arg1, %mul3A_35 : i32
    %multiple_of3A = tpu.assume_multiple %mul3A_36, 640 : i32
    %add3A_37 = arith.constant 0 : i32
    %add3A_38 = arith.addi %multiple_of3A, %add3A_37 : i32
    "tpu.region"() ({
      %run_scoped3A = tpu.sem_alloc : memref<!tpu.dma_semaphore, #tpu.memory_space<semaphore_mem>>
      %dma_start3A = tpu.memref_slice %arg4[%add3A_38] : memref<10240xf32, #tpu.memory_space<vmem_shared>> -> memref<128xf32, #tpu.memory_space<vmem_shared>>
      %dma_start3A_54 = tpu.memref_slice %arg4[%add3A_38] : memref<10240xf32, #tpu.memory_space<vmem_shared>> -> memref<128xf32, #tpu.memory_space<vmem_shared>>
      tpu.enqueue_dma source(%arg7 : memref<128xf32, #tpu.memory_space<vmem>>) target(%dma_start3A_54 : memref<128xf32, #tpu.memory_space<vmem_shared>>) target_semaphore(%run_scoped3A : memref<!tpu.dma_semaphore, #tpu.memory_space<semaphore_mem>>)
      %dma_wait3A = tpu.memref_slice %arg4[%add3A_38] : memref<10240xf32, #tpu.memory_space<vmem_shared>> -> memref<128xf32, #tpu.memory_space<vmem_shared>>
      %dma_wait3A_55 = tpu.memref_slice %arg4[%add3A_38] : memref<10240xf32, #tpu.memory_space<vmem_shared>> -> memref<128xf32, #tpu.memory_space<vmem_shared>>
      tpu.wait_dma2 semaphore(%run_scoped3A : memref<!tpu.dma_semaphore, #tpu.memory_space<semaphore_mem>>) src(%arg7 : memref<128xf32, #tpu.memory_space<vmem>>) dst(%dma_wait3A_55 : memref<128xf32, #tpu.memory_space<vmem_shared>>)
      tpu.yield
    }) : () -> ()
    %add3A_39 = arith.constant 128 : i32
    %add3A_40 = arith.addi %multiple_of3A, %add3A_39 : i32
    "tpu.region"() ({
      %run_scoped3A = tpu.sem_alloc : memref<!tpu.dma_semaphore, #tpu.memory_space<semaphore_mem>>
      %dma_start3A = tpu.memref_slice %arg4[%add3A_40] : memref<10240xf32, #tpu.memory_space<vmem_shared>> -> memref<128xf32, #tpu.memory_space<vmem_shared>>
      %dma_start3A_54 = tpu.memref_slice %arg4[%add3A_40] : memref<10240xf32, #tpu.memory_space<vmem_shared>> -> memref<128xf32, #tpu.memory_space<vmem_shared>>
      tpu.enqueue_dma source(%arg7 : memref<128xf32, #tpu.memory_space<vmem>>) target(%dma_start3A_54 : memref<128xf32, #tpu.memory_space<vmem_shared>>) target_semaphore(%run_scoped3A : memref<!tpu.dma_semaphore, #tpu.memory_space<semaphore_mem>>)
      %dma_wait3A = tpu.memref_slice %arg4[%add3A_40] : memref<10240xf32, #tpu.memory_space<vmem_shared>> -> memref<128xf32, #tpu.memory_space<vmem_shared>>
      %dma_wait3A_55 = tpu.memref_slice %arg4[%add3A_40] : memref<10240xf32, #tpu.memory_space<vmem_shared>> -> memref<128xf32, #tpu.memory_space<vmem_shared>>
      tpu.wait_dma2 semaphore(%run_scoped3A : memref<!tpu.dma_semaphore, #tpu.memory_space<semaphore_mem>>) src(%arg7 : memref<128xf32, #tpu.memory_space<vmem>>) dst(%dma_wait3A_55 : memref<128xf32, #tpu.memory_space<vmem_shared>>)
      tpu.yield
    }) : () -> ()
    %add3A_41 = arith.constant 256 : i32
    %add3A_42 = arith.addi %multiple_of3A, %add3A_41 : i32
    "tpu.region"() ({
      %run_scoped3A = tpu.sem_alloc : memref<!tpu.dma_semaphore, #tpu.memory_space<semaphore_mem>>
      %dma_start3A = tpu.memref_slice %arg4[%add3A_42] : memref<10240xf32, #tpu.memory_space<vmem_shared>> -> memref<128xf32, #tpu.memory_space<vmem_shared>>
      %dma_start3A_54 = tpu.memref_slice %arg4[%add3A_42] : memref<10240xf32, #tpu.memory_space<vmem_shared>> -> memref<128xf32, #tpu.memory_space<vmem_shared>>
      tpu.enqueue_dma source(%arg7 : memref<128xf32, #tpu.memory_space<vmem>>) target(%dma_start3A_54 : memref<128xf32, #tpu.memory_space<vmem_shared>>) target_semaphore(%run_scoped3A : memref<!tpu.dma_semaphore, #tpu.memory_space<semaphore_mem>>)
      %dma_wait3A = tpu.memref_slice %arg4[%add3A_42] : memref<10240xf32, #tpu.memory_space<vmem_shared>> -> memref<128xf32, #tpu.memory_space<vmem_shared>>
      %dma_wait3A_55 = tpu.memref_slice %arg4[%add3A_42] : memref<10240xf32, #tpu.memory_space<vmem_shared>> -> memref<128xf32, #tpu.memory_space<vmem_shared>>
      tpu.wait_dma2 semaphore(%run_scoped3A : memref<!tpu.dma_semaphore, #tpu.memory_space<semaphore_mem>>) src(%arg7 : memref<128xf32, #tpu.memory_space<vmem>>) dst(%dma_wait3A_55 : memref<128xf32, #tpu.memory_space<vmem_shared>>)
      tpu.yield
    }) : () -> ()
    %add3A_43 = arith.constant 384 : i32
    %add3A_44 = arith.addi %multiple_of3A, %add3A_43 : i32
    "tpu.region"() ({
      %run_scoped3A = tpu.sem_alloc : memref<!tpu.dma_semaphore, #tpu.memory_space<semaphore_mem>>
      %dma_start3A = tpu.memref_slice %arg4[%add3A_44] : memref<10240xf32, #tpu.memory_space<vmem_shared>> -> memref<128xf32, #tpu.memory_space<vmem_shared>>
      %dma_start3A_54 = tpu.memref_slice %arg4[%add3A_44] : memref<10240xf32, #tpu.memory_space<vmem_shared>> -> memref<128xf32, #tpu.memory_space<vmem_shared>>
      tpu.enqueue_dma source(%arg7 : memref<128xf32, #tpu.memory_space<vmem>>) target(%dma_start3A_54 : memref<128xf32, #tpu.memory_space<vmem_shared>>) target_semaphore(%run_scoped3A : memref<!tpu.dma_semaphore, #tpu.memory_space<semaphore_mem>>)
      %dma_wait3A = tpu.memref_slice %arg4[%add3A_44] : memref<10240xf32, #tpu.memory_space<vmem_shared>> -> memref<128xf32, #tpu.memory_space<vmem_shared>>
      %dma_wait3A_55 = tpu.memref_slice %arg4[%add3A_44] : memref<10240xf32, #tpu.memory_space<vmem_shared>> -> memref<128xf32, #tpu.memory_space<vmem_shared>>
      tpu.wait_dma2 semaphore(%run_scoped3A : memref<!tpu.dma_semaphore, #tpu.memory_space<semaphore_mem>>) src(%arg7 : memref<128xf32, #tpu.memory_space<vmem>>) dst(%dma_wait3A_55 : memref<128xf32, #tpu.memory_space<vmem_shared>>)
      tpu.yield
    }) : () -> ()
    %add3A_45 = arith.constant 512 : i32
    %add3A_46 = arith.addi %multiple_of3A, %add3A_45 : i32
    "tpu.region"() ({
      %run_scoped3A = tpu.sem_alloc : memref<!tpu.dma_semaphore, #tpu.memory_space<semaphore_mem>>
      %dma_start3A = tpu.memref_slice %arg4[%add3A_46] : memref<10240xf32, #tpu.memory_space<vmem_shared>> -> memref<128xf32, #tpu.memory_space<vmem_shared>>
      %dma_start3A_54 = tpu.memref_slice %arg4[%add3A_46] : memref<10240xf32, #tpu.memory_space<vmem_shared>> -> memref<128xf32, #tpu.memory_space<vmem_shared>>
      tpu.enqueue_dma source(%arg7 : memref<128xf32, #tpu.memory_space<vmem>>) target(%dma_start3A_54 : memref<128xf32, #tpu.memory_space<vmem_shared>>) target_semaphore(%run_scoped3A : memref<!tpu.dma_semaphore, #tpu.memory_space<semaphore_mem>>)
      %dma_wait3A = tpu.memref_slice %arg4[%add3A_46] : memref<10240xf32, #tpu.memory_space<vmem_shared>> -> memref<128xf32, #tpu.memory_space<vmem_shared>>
      %dma_wait3A_55 = tpu.memref_slice %arg4[%add3A_46] : memref<10240xf32, #tpu.memory_space<vmem_shared>> -> memref<128xf32, #tpu.memory_space<vmem_shared>>
      tpu.wait_dma2 semaphore(%run_scoped3A : memref<!tpu.dma_semaphore, #tpu.memory_space<semaphore_mem>>) src(%arg7 : memref<128xf32, #tpu.memory_space<vmem>>) dst(%dma_wait3A_55 : memref<128xf32, #tpu.memory_space<vmem_shared>>)
      tpu.yield
    }) : () -> ()
    %barrier3A = arith.constant 0 : index
    tpu.barrier barrier_id(%barrier3A)
    "tpu.region"() ({
      %run_scoped3A = tpu.sem_alloc : memref<!tpu.dma_semaphore, #tpu.memory_space<semaphore_mem>>
      %dma_start3A = arith.constant 0 : i32
      %dma_start3A_54 = arith.constant 0 : i32
      %dma_start3A_55 = tpu.memref_slice %arg2[%add3A, %dma_start3A, %dma_start3A_54] : memref<32x80x128xi32, #tpu.memory_space<hbm>> -> memref<1x80x128xi32, #tpu.memory_space<hbm>>
      %dma_start3A_56 = tpu.memref_squeeze %dma_start3A_55 : memref<1x80x128xi32, #tpu.memory_space<hbm>> -> memref<80x128xi32, #tpu.memory_space<hbm>>
      %dma_start3A_57 = arith.constant 0 : i32
      %dma_start3A_58 = arith.constant 0 : i32
      %dma_start3A_59 = tpu.memref_slice %arg2[%add3A, %dma_start3A_57, %dma_start3A_58] : memref<32x80x128xi32, #tpu.memory_space<hbm>> -> memref<1x80x128xi32, #tpu.memory_space<hbm>>
      %dma_start3A_60 = tpu.memref_squeeze %dma_start3A_59 : memref<1x80x128xi32, #tpu.memory_space<hbm>> -> memref<80x128xi32, #tpu.memory_space<hbm>>
      tpu.enqueue_dma source(%dma_start3A_60 : memref<80x128xi32, #tpu.memory_space<hbm>>) target(%arg6 : memref<80x128xi32, #tpu.memory_space<vmem>>) target_semaphore(%run_scoped3A : memref<!tpu.dma_semaphore, #tpu.memory_space<semaphore_mem>>)
      %dma_wait3A = arith.constant 0 : i32
      %dma_wait3A_61 = arith.constant 0 : i32
      %dma_wait3A_62 = tpu.memref_slice %arg2[%add3A, %dma_wait3A, %dma_wait3A_61] : memref<32x80x128xi32, #tpu.memory_space<hbm>> -> memref<1x80x128xi32, #tpu.memory_space<hbm>>
      %dma_wait3A_63 = tpu.memref_squeeze %dma_wait3A_62 : memref<1x80x128xi32, #tpu.memory_space<hbm>> -> memref<80x128xi32, #tpu.memory_space<hbm>>
      %dma_wait3A_64 = arith.constant 0 : i32
      %dma_wait3A_65 = arith.constant 0 : i32
      %dma_wait3A_66 = tpu.memref_slice %arg2[%add3A, %dma_wait3A_64, %dma_wait3A_65] : memref<32x80x128xi32, #tpu.memory_space<hbm>> -> memref<1x80x128xi32, #tpu.memory_space<hbm>>
      %dma_wait3A_67 = tpu.memref_squeeze %dma_wait3A_66 : memref<1x80x128xi32, #tpu.memory_space<hbm>> -> memref<80x128xi32, #tpu.memory_space<hbm>>
      tpu.wait_dma2 semaphore(%run_scoped3A : memref<!tpu.dma_semaphore, #tpu.memory_space<semaphore_mem>>) src(%dma_wait3A_67 : memref<80x128xi32, #tpu.memory_space<hbm>>) dst(%arg6 : memref<80x128xi32, #tpu.memory_space<vmem>>)
      tpu.yield
    }) : () -> ()
    %scan3A = arith.constant 0 : i32
    %scan3A_47 = arith.constant 0 : i32
    %scan3A_48 = arith.constant 80 : i32
    %scan3A_49 = arith.addi %scan3A_47, %scan3A_48 : i32
    %scan3A_50 = arith.constant 1 : i32
    %scan3A_51 = scf.for %scan3A_54 = %scan3A_47 to %scan3A_49 step %scan3A_50 iter_args(%scan3A_55 = %scan3A) -> (i32)  : i32 {
      "tpu.region"() ({
        %run_scoped3A = tpu.sem_alloc : memref<!tpu.dma_semaphore, #tpu.memory_space<semaphore_mem>>
        %dma_start3A = arith.constant 0 : i32
        %dma_start3A_57 = tpu.memref_slice %arg6[%scan3A_54, %dma_start3A] : memref<80x128xi32, #tpu.memory_space<vmem>> -> memref<1x128xi32, #tpu.memory_space<vmem>>
        %dma_start3A_58 = tpu.memref_squeeze %dma_start3A_57 : memref<1x128xi32, #tpu.memory_space<vmem>> -> memref<128xi32, #tpu.memory_space<vmem>>
        %dma_start3A_59 = arith.constant 0 : i32
        %dma_start3A_60 = tpu.memref_slice %arg4[%dma_start3A_59] : memref<10240xf32, #tpu.memory_space<vmem_shared>> -> memref<10240xf32, #tpu.memory_space<vmem_shared>>
        tpu.enqueue_indirect_dma source(%arg5 : memref<128xf32, #tpu.memory_space<vmem>>) target(%dma_start3A_60 : memref<10240xf32, #tpu.memory_space<vmem_shared>>) offsets(%dma_start3A_58 : memref<128xi32, #tpu.memory_space<vmem>>) semaphore(%run_scoped3A : memref<!tpu.dma_semaphore, #tpu.memory_space<semaphore_mem>>) {add = true}
        %dma_wait3A = arith.constant 0 : i32
        %dma_wait3A_61 = tpu.memref_slice %arg6[%scan3A_54, %dma_wait3A] : memref<80x128xi32, #tpu.memory_space<vmem>> -> memref<1x128xi32, #tpu.memory_space<vmem>>
        %dma_wait3A_62 = tpu.memref_squeeze %dma_wait3A_61 : memref<1x128xi32, #tpu.memory_space<vmem>> -> memref<128xi32, #tpu.memory_space<vmem>>
        %dma_wait3A_63 = arith.constant 0 : i32
        %dma_wait3A_64 = tpu.memref_slice %arg4[%dma_wait3A_63] : memref<10240xf32, #tpu.memory_space<vmem_shared>> -> memref<10240xf32, #tpu.memory_space<vmem_shared>>
        tpu.wait_indirect_dma semaphore(%run_scoped3A : memref<!tpu.dma_semaphore, #tpu.memory_space<semaphore_mem>>) src(%arg5 : memref<128xf32, #tpu.memory_space<vmem>>) dst(%dma_wait3A_64 : memref<10240xf32, #tpu.memory_space<vmem_shared>>)
        tpu.yield
      }) : () -> ()
      %scan3A_56 = arith.constant 0 : i32
      scf.yield %scan3A_56 : i32
    }
    %scan3A_52 = arith.constant 80 : i32
    %barrier3A_53 = arith.constant 0 : index
    tpu.barrier barrier_id(%barrier3A_53)
    "tpu.region"() ({
      %run_scoped3A = tpu.sem_alloc : memref<!tpu.dma_semaphore, #tpu.memory_space<semaphore_mem>>
      %dma_start3A = tpu.memref_slice %arg3[%arg0, %multiple_of3A] : memref<2x10240xf32, #tpu.memory_space<hbm>> -> memref<1x640xf32, #tpu.memory_space<hbm>>
      %dma_start3A_54 = tpu.memref_squeeze %dma_start3A : memref<1x640xf32, #tpu.memory_space<hbm>> -> memref<640xf32, #tpu.memory_space<hbm>>
      %dma_start3A_55 = tpu.memref_slice %arg4[%multiple_of3A] : memref<10240xf32, #tpu.memory_space<vmem_shared>> -> memref<640xf32, #tpu.memory_space<vmem_shared>>
      tpu.enqueue_dma source(%dma_start3A_55 : memref<640xf32, #tpu.memory_space<vmem_shared>>) target(%dma_start3A_54 : memref<640xf32, #tpu.memory_space<hbm>>) target_semaphore(%run_scoped3A : memref<!tpu.dma_semaphore, #tpu.memory_space<semaphore_mem>>)
      %dma_wait3A = tpu.memref_slice %arg3[%arg0, %multiple_of3A] : memref<2x10240xf32, #tpu.memory_space<hbm>> -> memref<1x640xf32, #tpu.memory_space<hbm>>
      %dma_wait3A_56 = tpu.memref_squeeze %dma_wait3A : memref<1x640xf32, #tpu.memory_space<hbm>> -> memref<640xf32, #tpu.memory_space<hbm>>
      %dma_wait3A_57 = tpu.memref_slice %arg4[%multiple_of3A] : memref<10240xf32, #tpu.memory_space<vmem_shared>> -> memref<640xf32, #tpu.memory_space<vmem_shared>>
      tpu.wait_dma2 semaphore(%run_scoped3A : memref<!tpu.dma_semaphore, #tpu.memory_space<semaphore_mem>>) src(%dma_wait3A_57 : memref<640xf32, #tpu.memory_space<vmem_shared>>) dst(%dma_wait3A_56 : memref<640xf32, #tpu.memory_space<hbm>>)
      tpu.yield
    }) : () -> ()
    return
  }
}

#map = affine_map<(d0, d1) -> (0, 0, 0)>
#map1 = affine_map<(d0, d1) -> (0, 0)>
module attributes {stable_mosaic.version = 14 : i64} {
  func.func @_coeff_body(%arg0: i32, %arg1: i32, %arg2: memref<32x80x128xi32, #tpu.memory_space<hbm>>, %arg3: memref<32x80x128xi32, #tpu.memory_space<hbm>>, %arg4: memref<32x80x128xf32, #tpu.memory_space<hbm>>, %arg5: memref<80x128xf32, #tpu.memory_space<hbm>>, %arg6: memref<32x80x128xf32, #tpu.memory_space<hbm>>, %arg7: memref<80x128xi32, #tpu.memory_space<vmem>>, %arg8: memref<80x128xi32, #tpu.memory_space<vmem>>, %arg9: memref<80x128xf32, #tpu.memory_space<vmem>>, %arg10: memref<80x128xf32, #tpu.memory_space<vmem>>, %arg11: memref<80x128xf32, #tpu.memory_space<vmem>>) attributes {dimension_semantics = [#tpu.dimension_semantics<core_parallel>, #tpu.dimension_semantics<subcore_parallel>], iteration_bounds = array<i64: 2, 16>, scalar_prefetch = 0 : i64, scratch_operands = 5 : i64, tpu.core_type = #tpu.core_type<sc_vector_subcore>, window_params = [{transform_indices = #map}, {transform_indices = #map}, {transform_indices = #map}, {transform_indices = #map1}, {transform_indices = #map}]} {
    %mul3A = arith.constant 16 : i32
    %mul3A_0 = arith.muli %arg0, %mul3A : i32
    %add3A = arith.addi %mul3A_0, %arg1 : i32
    "tpu.region"() ({
      %run_scoped3A = tpu.sem_alloc : memref<!tpu.dma_semaphore, #tpu.memory_space<semaphore_mem>>
      tpu.enqueue_dma source(%arg5 : memref<80x128xf32, #tpu.memory_space<hbm>>) target(%arg10 : memref<80x128xf32, #tpu.memory_space<vmem>>) target_semaphore(%run_scoped3A : memref<!tpu.dma_semaphore, #tpu.memory_space<semaphore_mem>>)
      tpu.wait_dma2 semaphore(%run_scoped3A : memref<!tpu.dma_semaphore, #tpu.memory_space<semaphore_mem>>) src(%arg5 : memref<80x128xf32, #tpu.memory_space<hbm>>) dst(%arg10 : memref<80x128xf32, #tpu.memory_space<vmem>>)
      tpu.yield
    }) : () -> ()
    "tpu.region"() ({
      %run_scoped3A = tpu.sem_alloc : memref<!tpu.dma_semaphore, #tpu.memory_space<semaphore_mem>>
      %dma_start3A = arith.constant 0 : i32
      %dma_start3A_7 = arith.constant 0 : i32
      %dma_start3A_8 = tpu.memref_slice %arg2[%add3A, %dma_start3A, %dma_start3A_7] : memref<32x80x128xi32, #tpu.memory_space<hbm>> -> memref<1x80x128xi32, #tpu.memory_space<hbm>>
      %dma_start3A_9 = tpu.memref_squeeze %dma_start3A_8 : memref<1x80x128xi32, #tpu.memory_space<hbm>> -> memref<80x128xi32, #tpu.memory_space<hbm>>
      %dma_start3A_10 = arith.constant 0 : i32
      %dma_start3A_11 = arith.constant 0 : i32
      %dma_start3A_12 = tpu.memref_slice %arg2[%add3A, %dma_start3A_10, %dma_start3A_11] : memref<32x80x128xi32, #tpu.memory_space<hbm>> -> memref<1x80x128xi32, #tpu.memory_space<hbm>>
      %dma_start3A_13 = tpu.memref_squeeze %dma_start3A_12 : memref<1x80x128xi32, #tpu.memory_space<hbm>> -> memref<80x128xi32, #tpu.memory_space<hbm>>
      tpu.enqueue_dma source(%dma_start3A_13 : memref<80x128xi32, #tpu.memory_space<hbm>>) target(%arg7 : memref<80x128xi32, #tpu.memory_space<vmem>>) target_semaphore(%run_scoped3A : memref<!tpu.dma_semaphore, #tpu.memory_space<semaphore_mem>>)
      %dma_wait3A = arith.constant 0 : i32
      %dma_wait3A_14 = arith.constant 0 : i32
      %dma_wait3A_15 = tpu.memref_slice %arg2[%add3A, %dma_wait3A, %dma_wait3A_14] : memref<32x80x128xi32, #tpu.memory_space<hbm>> -> memref<1x80x128xi32, #tpu.memory_space<hbm>>
      %dma_wait3A_16 = tpu.memref_squeeze %dma_wait3A_15 : memref<1x80x128xi32, #tpu.memory_space<hbm>> -> memref<80x128xi32, #tpu.memory_space<hbm>>
      %dma_wait3A_17 = arith.constant 0 : i32
      %dma_wait3A_18 = arith.constant 0 : i32
      %dma_wait3A_19 = tpu.memref_slice %arg2[%add3A, %dma_wait3A_17, %dma_wait3A_18] : memref<32x80x128xi32, #tpu.memory_space<hbm>> -> memref<1x80x128xi32, #tpu.memory_space<hbm>>
      %dma_wait3A_20 = tpu.memref_squeeze %dma_wait3A_19 : memref<1x80x128xi32, #tpu.memory_space<hbm>> -> memref<80x128xi32, #tpu.memory_space<hbm>>
      tpu.wait_dma2 semaphore(%run_scoped3A : memref<!tpu.dma_semaphore, #tpu.memory_space<semaphore_mem>>) src(%dma_wait3A_20 : memref<80x128xi32, #tpu.memory_space<hbm>>) dst(%arg7 : memref<80x128xi32, #tpu.memory_space<vmem>>)
      tpu.yield
    }) : () -> ()
    "tpu.region"() ({
      %run_scoped3A = tpu.sem_alloc : memref<!tpu.dma_semaphore, #tpu.memory_space<semaphore_mem>>
      %dma_start3A = arith.constant 0 : i32
      %dma_start3A_7 = arith.constant 0 : i32
      %dma_start3A_8 = tpu.memref_slice %arg3[%add3A, %dma_start3A, %dma_start3A_7] : memref<32x80x128xi32, #tpu.memory_space<hbm>> -> memref<1x80x128xi32, #tpu.memory_space<hbm>>
      %dma_start3A_9 = tpu.memref_squeeze %dma_start3A_8 : memref<1x80x128xi32, #tpu.memory_space<hbm>> -> memref<80x128xi32, #tpu.memory_space<hbm>>
      %dma_start3A_10 = arith.constant 0 : i32
      %dma_start3A_11 = arith.constant 0 : i32
      %dma_start3A_12 = tpu.memref_slice %arg3[%add3A, %dma_start3A_10, %dma_start3A_11] : memref<32x80x128xi32, #tpu.memory_space<hbm>> -> memref<1x80x128xi32, #tpu.memory_space<hbm>>
      %dma_start3A_13 = tpu.memref_squeeze %dma_start3A_12 : memref<1x80x128xi32, #tpu.memory_space<hbm>> -> memref<80x128xi32, #tpu.memory_space<hbm>>
      tpu.enqueue_dma source(%dma_start3A_13 : memref<80x128xi32, #tpu.memory_space<hbm>>) target(%arg8 : memref<80x128xi32, #tpu.memory_space<vmem>>) target_semaphore(%run_scoped3A : memref<!tpu.dma_semaphore, #tpu.memory_space<semaphore_mem>>)
      %dma_wait3A = arith.constant 0 : i32
      %dma_wait3A_14 = arith.constant 0 : i32
      %dma_wait3A_15 = tpu.memref_slice %arg3[%add3A, %dma_wait3A, %dma_wait3A_14] : memref<32x80x128xi32, #tpu.memory_space<hbm>> -> memref<1x80x128xi32, #tpu.memory_space<hbm>>
      %dma_wait3A_16 = tpu.memref_squeeze %dma_wait3A_15 : memref<1x80x128xi32, #tpu.memory_space<hbm>> -> memref<80x128xi32, #tpu.memory_space<hbm>>
      %dma_wait3A_17 = arith.constant 0 : i32
      %dma_wait3A_18 = arith.constant 0 : i32
      %dma_wait3A_19 = tpu.memref_slice %arg3[%add3A, %dma_wait3A_17, %dma_wait3A_18] : memref<32x80x128xi32, #tpu.memory_space<hbm>> -> memref<1x80x128xi32, #tpu.memory_space<hbm>>
      %dma_wait3A_20 = tpu.memref_squeeze %dma_wait3A_19 : memref<1x80x128xi32, #tpu.memory_space<hbm>> -> memref<80x128xi32, #tpu.memory_space<hbm>>
      tpu.wait_dma2 semaphore(%run_scoped3A : memref<!tpu.dma_semaphore, #tpu.memory_space<semaphore_mem>>) src(%dma_wait3A_20 : memref<80x128xi32, #tpu.memory_space<hbm>>) dst(%arg8 : memref<80x128xi32, #tpu.memory_space<vmem>>)
      tpu.yield
    }) : () -> ()
    "tpu.region"() ({
      %run_scoped3A = tpu.sem_alloc : memref<!tpu.dma_semaphore, #tpu.memory_space<semaphore_mem>>
      %dma_start3A = arith.constant 0 : i32
      %dma_start3A_7 = arith.constant 0 : i32
      %dma_start3A_8 = tpu.memref_slice %arg4[%add3A, %dma_start3A, %dma_start3A_7] : memref<32x80x128xf32, #tpu.memory_space<hbm>> -> memref<1x80x128xf32, #tpu.memory_space<hbm>>
      %dma_start3A_9 = tpu.memref_squeeze %dma_start3A_8 : memref<1x80x128xf32, #tpu.memory_space<hbm>> -> memref<80x128xf32, #tpu.memory_space<hbm>>
      %dma_start3A_10 = arith.constant 0 : i32
      %dma_start3A_11 = arith.constant 0 : i32
      %dma_start3A_12 = tpu.memref_slice %arg4[%add3A, %dma_start3A_10, %dma_start3A_11] : memref<32x80x128xf32, #tpu.memory_space<hbm>> -> memref<1x80x128xf32, #tpu.memory_space<hbm>>
      %dma_start3A_13 = tpu.memref_squeeze %dma_start3A_12 : memref<1x80x128xf32, #tpu.memory_space<hbm>> -> memref<80x128xf32, #tpu.memory_space<hbm>>
      tpu.enqueue_dma source(%dma_start3A_13 : memref<80x128xf32, #tpu.memory_space<hbm>>) target(%arg9 : memref<80x128xf32, #tpu.memory_space<vmem>>) target_semaphore(%run_scoped3A : memref<!tpu.dma_semaphore, #tpu.memory_space<semaphore_mem>>)
      %dma_wait3A = arith.constant 0 : i32
      %dma_wait3A_14 = arith.constant 0 : i32
      %dma_wait3A_15 = tpu.memref_slice %arg4[%add3A, %dma_wait3A, %dma_wait3A_14] : memref<32x80x128xf32, #tpu.memory_space<hbm>> -> memref<1x80x128xf32, #tpu.memory_space<hbm>>
      %dma_wait3A_16 = tpu.memref_squeeze %dma_wait3A_15 : memref<1x80x128xf32, #tpu.memory_space<hbm>> -> memref<80x128xf32, #tpu.memory_space<hbm>>
      %dma_wait3A_17 = arith.constant 0 : i32
      %dma_wait3A_18 = arith.constant 0 : i32
      %dma_wait3A_19 = tpu.memref_slice %arg4[%add3A, %dma_wait3A_17, %dma_wait3A_18] : memref<32x80x128xf32, #tpu.memory_space<hbm>> -> memref<1x80x128xf32, #tpu.memory_space<hbm>>
      %dma_wait3A_20 = tpu.memref_squeeze %dma_wait3A_19 : memref<1x80x128xf32, #tpu.memory_space<hbm>> -> memref<80x128xf32, #tpu.memory_space<hbm>>
      tpu.wait_dma2 semaphore(%run_scoped3A : memref<!tpu.dma_semaphore, #tpu.memory_space<semaphore_mem>>) src(%dma_wait3A_20 : memref<80x128xf32, #tpu.memory_space<hbm>>) dst(%arg9 : memref<80x128xf32, #tpu.memory_space<vmem>>)
      tpu.yield
    }) : () -> ()
    %scan3A = arith.constant 0 : i32
    %scan3A_1 = arith.constant 0 : i32
    %scan3A_2 = arith.constant 80 : i32
    %scan3A_3 = arith.addi %scan3A_1, %scan3A_2 : i32
    %scan3A_4 = arith.constant 1 : i32
    %scan3A_5 = scf.for %scan3A_7 = %scan3A_1 to %scan3A_3 step %scan3A_4 iter_args(%scan3A_8 = %scan3A) -> (i32)  : i32 {
      %get3A = arith.index_cast %scan3A_7 : i32 to index
      %get3A_9 = arith.constant 0 : index
      %get3A_10 = tpu.vector_load %arg7[%get3A, %get3A_9] {strides = array<i32>} : memref<80x128xi32, #tpu.memory_space<vmem>>, vector<16xi32>,
      %get3A_11 = arith.index_cast %scan3A_7 : i32 to index
      %get3A_12 = arith.constant 0 : index
      %get3A_13 = tpu.vector_load %arg8[%get3A_11, %get3A_12] {strides = array<i32>} : memref<80x128xi32, #tpu.memory_space<vmem>>, vector<16xi32>,
      %shift_right_logical3A = arith.constant 7 : i32
      %shift_right_logical3A_14 = vector.broadcast %shift_right_logical3A : i32 to vector<16xi32>
      %shift_right_logical3A_15 = arith.shrui %get3A_10, %shift_right_logical3A_14 : vector<16xi32>
      %and3A = arith.constant 127 : i32
      %and3A_16 = vector.broadcast %and3A : i32 to vector<16xi32>
      %and3A_17 = arith.andi %get3A_10, %and3A_16 : vector<16xi32>
      %gather3A = tpu.vector_load_idx %arg10[%shift_right_logical3A_15, %and3A_17] : memref<80x128xf32, #tpu.memory_space<vmem>>[vector<16xi32>, vector<16xi32>], vector<16xf32>,
      %shift_right_logical3A_18 = arith.constant 7 : i32
      %shift_right_logical3A_19 = vector.broadcast %shift_right_logical3A_18 : i32 to vector<16xi32>
      %shift_right_logical3A_20 = arith.shrui %get3A_13, %shift_right_logical3A_19 : vector<16xi32>
      %and3A_21 = arith.constant 127 : i32
      %and3A_22 = vector.broadcast %and3A_21 : i32 to vector<16xi32>
      %and3A_23 = arith.andi %get3A_13, %and3A_22 : vector<16xi32>
      %gather3A_24 = tpu.vector_load_idx %arg10[%shift_right_logical3A_20, %and3A_23] : memref<80x128xf32, #tpu.memory_space<vmem>>[vector<16xi32>, vector<16xi32>], vector<16xf32>,
      %get3A_25 = arith.index_cast %scan3A_7 : i32 to index
      %get3A_26 = arith.constant 0 : index
      %get3A_27 = tpu.vector_load %arg9[%get3A_25, %get3A_26] {strides = array<i32>} : memref<80x128xf32, #tpu.memory_space<vmem>>, vector<16xf32>,
      %mul3A_28 = arith.mulf %gather3A, %gather3A_24 : vector<16xf32>
      %neg3A = arith.constant 0.000000e+00 : f32
      %neg3A_29 = vector.broadcast %neg3A : f32 to vector<16xf32>
      %neg3A_30 = arith.subf %neg3A_29, %get3A_27 : vector<16xf32>
      %exp3A = math.exp %neg3A_30 : vector<16xf32>
      %add3A_31 = arith.constant 1.000000e+00 : f32
      %add3A_32 = vector.broadcast %add3A_31 : f32 to vector<16xf32>
      %add3A_33 = arith.addf %add3A_32, %exp3A : vector<16xf32>
      %mul3A_34 = arith.mulf %mul3A_28, %add3A_33 : vector<16xf32>
      %swap3A = arith.index_cast %scan3A_7 : i32 to index
      %swap3A_35 = arith.constant 0 : index
      %swap3A_36 = tpu.vector_load %arg11[%swap3A, %swap3A_35] {strides = array<i32>} : memref<80x128xf32, #tpu.memory_space<vmem>>, vector<16xf32>,
      tpu.vector_store %arg11[%swap3A, %swap3A_35], %mul3A_34 {strides = array<i32>} : memref<80x128xf32, #tpu.memory_space<vmem>>, vector<16xf32>,
      %get3A_37 = arith.index_cast %scan3A_7 : i32 to index
      %get3A_38 = arith.constant 16 : index
      %get3A_39 = tpu.vector_load %arg7[%get3A_37, %get3A_38] {strides = array<i32>} : memref<80x128xi32, #tpu.memory_space<vmem>>, vector<16xi32>,
      %get3A_40 = arith.index_cast %scan3A_7 : i32 to index
      %get3A_41 = arith.constant 16 : index
      %get3A_42 = tpu.vector_load %arg8[%get3A_40, %get3A_41] {strides = array<i32>} : memref<80x128xi32, #tpu.memory_space<vmem>>, vector<16xi32>,
      %shift_right_logical3A_43 = arith.constant 7 : i32
      %shift_right_logical3A_44 = vector.broadcast %shift_right_logical3A_43 : i32 to vector<16xi32>
      %shift_right_logical3A_45 = arith.shrui %get3A_39, %shift_right_logical3A_44 : vector<16xi32>
      %and3A_46 = arith.constant 127 : i32
      %and3A_47 = vector.broadcast %and3A_46 : i32 to vector<16xi32>
      %and3A_48 = arith.andi %get3A_39, %and3A_47 : vector<16xi32>
      %gather3A_49 = tpu.vector_load_idx %arg10[%shift_right_logical3A_45, %and3A_48] : memref<80x128xf32, #tpu.memory_space<vmem>>[vector<16xi32>, vector<16xi32>], vector<16xf32>,
      %shift_right_logical3A_50 = arith.constant 7 : i32
      %shift_right_logical3A_51 = vector.broadcast %shift_right_logical3A_50 : i32 to vector<16xi32>
      %shift_right_logical3A_52 = arith.shrui %get3A_42, %shift_right_logical3A_51 : vector<16xi32>
      %and3A_53 = arith.constant 127 : i32
      %and3A_54 = vector.broadcast %and3A_53 : i32 to vector<16xi32>
      %and3A_55 = arith.andi %get3A_42, %and3A_54 : vector<16xi32>
      %gather3A_56 = tpu.vector_load_idx %arg10[%shift_right_logical3A_52, %and3A_55] : memref<80x128xf32, #tpu.memory_space<vmem>>[vector<16xi32>, vector<16xi32>], vector<16xf32>,
      %get3A_57 = arith.index_cast %scan3A_7 : i32 to index
      %get3A_58 = arith.constant 16 : index
      %get3A_59 = tpu.vector_load %arg9[%get3A_57, %get3A_58] {strides = array<i32>} : memref<80x128xf32, #tpu.memory_space<vmem>>, vector<16xf32>,
      %mul3A_60 = arith.mulf %gather3A_49, %gather3A_56 : vector<16xf32>
      %neg3A_61 = arith.constant 0.000000e+00 : f32
      %neg3A_62 = vector.broadcast %neg3A_61 : f32 to vector<16xf32>
      %neg3A_63 = arith.subf %neg3A_62, %get3A_59 : vector<16xf32>
      %exp3A_64 = math.exp %neg3A_63 : vector<16xf32>
      %add3A_65 = arith.constant 1.000000e+00 : f32
      %add3A_66 = vector.broadcast %add3A_65 : f32 to vector<16xf32>
      %add3A_67 = arith.addf %add3A_66, %exp3A_64 : vector<16xf32>
      %mul3A_68 = arith.mulf %mul3A_60, %add3A_67 : vector<16xf32>
      %swap3A_69 = arith.index_cast %scan3A_7 : i32 to index
      %swap3A_70 = arith.constant 16 : index
      %swap3A_71 = tpu.vector_load %arg11[%swap3A_69, %swap3A_70] {strides = array<i32>} : memref<80x128xf32, #tpu.memory_space<vmem>>, vector<16xf32>,
      tpu.vector_store %arg11[%swap3A_69, %swap3A_70], %mul3A_68 {strides = array<i32>} : memref<80x128xf32, #tpu.memory_space<vmem>>, vector<16xf32>,
      %get3A_72 = arith.index_cast %scan3A_7 : i32 to index
      %get3A_73 = arith.constant 32 : index
      %get3A_74 = tpu.vector_load %arg7[%get3A_72, %get3A_73] {strides = array<i32>} : memref<80x128xi32, #tpu.memory_space<vmem>>, vector<16xi32>,
      %get3A_75 = arith.index_cast %scan3A_7 : i32 to index
      %get3A_76 = arith.constant 32 : index
      %get3A_77 = tpu.vector_load %arg8[%get3A_75, %get3A_76] {strides = array<i32>} : memref<80x128xi32, #tpu.memory_space<vmem>>, vector<16xi32>,
      %shift_right_logical3A_78 = arith.constant 7 : i32
      %shift_right_logical3A_79 = vector.broadcast %shift_right_logical3A_78 : i32 to vector<16xi32>
      %shift_right_logical3A_80 = arith.shrui %get3A_74, %shift_right_logical3A_79 : vector<16xi32>
      %and3A_81 = arith.constant 127 : i32
      %and3A_82 = vector.broadcast %and3A_81 : i32 to vector<16xi32>
      %and3A_83 = arith.andi %get3A_74, %and3A_82 : vector<16xi32>
      %gather3A_84 = tpu.vector_load_idx %arg10[%shift_right_logical3A_80, %and3A_83] : memref<80x128xf32, #tpu.memory_space<vmem>>[vector<16xi32>, vector<16xi32>], vector<16xf32>,
      %shift_right_logical3A_85 = arith.constant 7 : i32
      %shift_right_logical3A_86 = vector.broadcast %shift_right_logical3A_85 : i32 to vector<16xi32>
      %shift_right_logical3A_87 = arith.shrui %get3A_77, %shift_right_logical3A_86 : vector<16xi32>
      %and3A_88 = arith.constant 127 : i32
      %and3A_89 = vector.broadcast %and3A_88 : i32 to vector<16xi32>
      %and3A_90 = arith.andi %get3A_77, %and3A_89 : vector<16xi32>
      %gather3A_91 = tpu.vector_load_idx %arg10[%shift_right_logical3A_87, %and3A_90] : memref<80x128xf32, #tpu.memory_space<vmem>>[vector<16xi32>, vector<16xi32>], vector<16xf32>,
      %get3A_92 = arith.index_cast %scan3A_7 : i32 to index
      %get3A_93 = arith.constant 32 : index
      %get3A_94 = tpu.vector_load %arg9[%get3A_92, %get3A_93] {strides = array<i32>} : memref<80x128xf32, #tpu.memory_space<vmem>>, vector<16xf32>,
      %mul3A_95 = arith.mulf %gather3A_84, %gather3A_91 : vector<16xf32>
      %neg3A_96 = arith.constant 0.000000e+00 : f32
      %neg3A_97 = vector.broadcast %neg3A_96 : f32 to vector<16xf32>
      %neg3A_98 = arith.subf %neg3A_97, %get3A_94 : vector<16xf32>
      %exp3A_99 = math.exp %neg3A_98 : vector<16xf32>
      %add3A_100 = arith.constant 1.000000e+00 : f32
      %add3A_101 = vector.broadcast %add3A_100 : f32 to vector<16xf32>
      %add3A_102 = arith.addf %add3A_101, %exp3A_99 : vector<16xf32>
      %mul3A_103 = arith.mulf %mul3A_95, %add3A_102 : vector<16xf32>
      %swap3A_104 = arith.index_cast %scan3A_7 : i32 to index
      %swap3A_105 = arith.constant 32 : index
      %swap3A_106 = tpu.vector_load %arg11[%swap3A_104, %swap3A_105] {strides = array<i32>} : memref<80x128xf32, #tpu.memory_space<vmem>>, vector<16xf32>,
      tpu.vector_store %arg11[%swap3A_104, %swap3A_105], %mul3A_103 {strides = array<i32>} : memref<80x128xf32, #tpu.memory_space<vmem>>, vector<16xf32>,
      %get3A_107 = arith.index_cast %scan3A_7 : i32 to index
      %get3A_108 = arith.constant 48 : index
      %get3A_109 = tpu.vector_load %arg7[%get3A_107, %get3A_108] {strides = array<i32>} : memref<80x128xi32, #tpu.memory_space<vmem>>, vector<16xi32>,
      %get3A_110 = arith.index_cast %scan3A_7 : i32 to index
      %get3A_111 = arith.constant 48 : index
      %get3A_112 = tpu.vector_load %arg8[%get3A_110, %get3A_111] {strides = array<i32>} : memref<80x128xi32, #tpu.memory_space<vmem>>, vector<16xi32>,
      %shift_right_logical3A_113 = arith.constant 7 : i32
      %shift_right_logical3A_114 = vector.broadcast %shift_right_logical3A_113 : i32 to vector<16xi32>
      %shift_right_logical3A_115 = arith.shrui %get3A_109, %shift_right_logical3A_114 : vector<16xi32>
      %and3A_116 = arith.constant 127 : i32
      %and3A_117 = vector.broadcast %and3A_116 : i32 to vector<16xi32>
      %and3A_118 = arith.andi %get3A_109, %and3A_117 : vector<16xi32>
      %gather3A_119 = tpu.vector_load_idx %arg10[%shift_right_logical3A_115, %and3A_118] : memref<80x128xf32, #tpu.memory_space<vmem>>[vector<16xi32>, vector<16xi32>], vector<16xf32>,
      %shift_right_logical3A_120 = arith.constant 7 : i32
      %shift_right_logical3A_121 = vector.broadcast %shift_right_logical3A_120 : i32 to vector<16xi32>
      %shift_right_logical3A_122 = arith.shrui %get3A_112, %shift_right_logical3A_121 : vector<16xi32>
      %and3A_123 = arith.constant 127 : i32
      %and3A_124 = vector.broadcast %and3A_123 : i32 to vector<16xi32>
      %and3A_125 = arith.andi %get3A_112, %and3A_124 : vector<16xi32>
      %gather3A_126 = tpu.vector_load_idx %arg10[%shift_right_logical3A_122, %and3A_125] : memref<80x128xf32, #tpu.memory_space<vmem>>[vector<16xi32>, vector<16xi32>], vector<16xf32>,
      %get3A_127 = arith.index_cast %scan3A_7 : i32 to index
      %get3A_128 = arith.constant 48 : index
      %get3A_129 = tpu.vector_load %arg9[%get3A_127, %get3A_128] {strides = array<i32>} : memref<80x128xf32, #tpu.memory_space<vmem>>, vector<16xf32>,
      %mul3A_130 = arith.mulf %gather3A_119, %gather3A_126 : vector<16xf32>
      %neg3A_131 = arith.constant 0.000000e+00 : f32
      %neg3A_132 = vector.broadcast %neg3A_131 : f32 to vector<16xf32>
      %neg3A_133 = arith.subf %neg3A_132, %get3A_129 : vector<16xf32>
      %exp3A_134 = math.exp %neg3A_133 : vector<16xf32>
      %add3A_135 = arith.constant 1.000000e+00 : f32
      %add3A_136 = vector.broadcast %add3A_135 : f32 to vector<16xf32>
      %add3A_137 = arith.addf %add3A_136, %exp3A_134 : vector<16xf32>
      %mul3A_138 = arith.mulf %mul3A_130, %add3A_137 : vector<16xf32>
      %swap3A_139 = arith.index_cast %scan3A_7 : i32 to index
      %swap3A_140 = arith.constant 48 : index
      %swap3A_141 = tpu.vector_load %arg11[%swap3A_139, %swap3A_140] {strides = array<i32>} : memref<80x128xf32, #tpu.memory_space<vmem>>, vector<16xf32>,
      tpu.vector_store %arg11[%swap3A_139, %swap3A_140], %mul3A_138 {strides = array<i32>} : memref<80x128xf32, #tpu.memory_space<vmem>>, vector<16xf32>,
      %get3A_142 = arith.index_cast %scan3A_7 : i32 to index
      %get3A_143 = arith.constant 64 : index
      %get3A_144 = tpu.vector_load %arg7[%get3A_142, %get3A_143] {strides = array<i32>} : memref<80x128xi32, #tpu.memory_space<vmem>>, vector<16xi32>,
      %get3A_145 = arith.index_cast %scan3A_7 : i32 to index
      %get3A_146 = arith.constant 64 : index
      %get3A_147 = tpu.vector_load %arg8[%get3A_145, %get3A_146] {strides = array<i32>} : memref<80x128xi32, #tpu.memory_space<vmem>>, vector<16xi32>,
      %shift_right_logical3A_148 = arith.constant 7 : i32
      %shift_right_logical3A_149 = vector.broadcast %shift_right_logical3A_148 : i32 to vector<16xi32>
      %shift_right_logical3A_150 = arith.shrui %get3A_144, %shift_right_logical3A_149 : vector<16xi32>
      %and3A_151 = arith.constant 127 : i32
      %and3A_152 = vector.broadcast %and3A_151 : i32 to vector<16xi32>
      %and3A_153 = arith.andi %get3A_144, %and3A_152 : vector<16xi32>
      %gather3A_154 = tpu.vector_load_idx %arg10[%shift_right_logical3A_150, %and3A_153] : memref<80x128xf32, #tpu.memory_space<vmem>>[vector<16xi32>, vector<16xi32>], vector<16xf32>,
      %shift_right_logical3A_155 = arith.constant 7 : i32
      %shift_right_logical3A_156 = vector.broadcast %shift_right_logical3A_155 : i32 to vector<16xi32>
      %shift_right_logical3A_157 = arith.shrui %get3A_147, %shift_right_logical3A_156 : vector<16xi32>
      %and3A_158 = arith.constant 127 : i32
      %and3A_159 = vector.broadcast %and3A_158 : i32 to vector<16xi32>
      %and3A_160 = arith.andi %get3A_147, %and3A_159 : vector<16xi32>
      %gather3A_161 = tpu.vector_load_idx %arg10[%shift_right_logical3A_157, %and3A_160] : memref<80x128xf32, #tpu.memory_space<vmem>>[vector<16xi32>, vector<16xi32>], vector<16xf32>,
      %get3A_162 = arith.index_cast %scan3A_7 : i32 to index
      %get3A_163 = arith.constant 64 : index
      %get3A_164 = tpu.vector_load %arg9[%get3A_162, %get3A_163] {strides = array<i32>} : memref<80x128xf32, #tpu.memory_space<vmem>>, vector<16xf32>,
      %mul3A_165 = arith.mulf %gather3A_154, %gather3A_161 : vector<16xf32>
      %neg3A_166 = arith.constant 0.000000e+00 : f32
      %neg3A_167 = vector.broadcast %neg3A_166 : f32 to vector<16xf32>
      %neg3A_168 = arith.subf %neg3A_167, %get3A_164 : vector<16xf32>
      %exp3A_169 = math.exp %neg3A_168 : vector<16xf32>
      %add3A_170 = arith.constant 1.000000e+00 : f32
      %add3A_171 = vector.broadcast %add3A_170 : f32 to vector<16xf32>
      %add3A_172 = arith.addf %add3A_171, %exp3A_169 : vector<16xf32>
      %mul3A_173 = arith.mulf %mul3A_165, %add3A_172 : vector<16xf32>
      %swap3A_174 = arith.index_cast %scan3A_7 : i32 to index
      %swap3A_175 = arith.constant 64 : index
      %swap3A_176 = tpu.vector_load %arg11[%swap3A_174, %swap3A_175] {strides = array<i32>} : memref<80x128xf32, #tpu.memory_space<vmem>>, vector<16xf32>,
      tpu.vector_store %arg11[%swap3A_174, %swap3A_175], %mul3A_173 {strides = array<i32>} : memref<80x128xf32, #tpu.memory_space<vmem>>, vector<16xf32>,
      %get3A_177 = arith.index_cast %scan3A_7 : i32 to index
      %get3A_178 = arith.constant 80 : index
      %get3A_179 = tpu.vector_load %arg7[%get3A_177, %get3A_178] {strides = array<i32>} : memref<80x128xi32, #tpu.memory_space<vmem>>, vector<16xi32>,
      %get3A_180 = arith.index_cast %scan3A_7 : i32 to index
      %get3A_181 = arith.constant 80 : index
      %get3A_182 = tpu.vector_load %arg8[%get3A_180, %get3A_181] {strides = array<i32>} : memref<80x128xi32, #tpu.memory_space<vmem>>, vector<16xi32>,
      %shift_right_logical3A_183 = arith.constant 7 : i32
      %shift_right_logical3A_184 = vector.broadcast %shift_right_logical3A_183 : i32 to vector<16xi32>
      %shift_right_logical3A_185 = arith.shrui %get3A_179, %shift_right_logical3A_184 : vector<16xi32>
      %and3A_186 = arith.constant 127 : i32
      %and3A_187 = vector.broadcast %and3A_186 : i32 to vector<16xi32>
      %and3A_188 = arith.andi %get3A_179, %and3A_187 : vector<16xi32>
      %gather3A_189 = tpu.vector_load_idx %arg10[%shift_right_logical3A_185, %and3A_188] : memref<80x128xf32, #tpu.memory_space<vmem>>[vector<16xi32>, vector<16xi32>], vector<16xf32>,
      %shift_right_logical3A_190 = arith.constant 7 : i32
      %shift_right_logical3A_191 = vector.broadcast %shift_right_logical3A_190 : i32 to vector<16xi32>
      %shift_right_logical3A_192 = arith.shrui %get3A_182, %shift_right_logical3A_191 : vector<16xi32>
      %and3A_193 = arith.constant 127 : i32
      %and3A_194 = vector.broadcast %and3A_193 : i32 to vector<16xi32>
      %and3A_195 = arith.andi %get3A_182, %and3A_194 : vector<16xi32>
      %gather3A_196 = tpu.vector_load_idx %arg10[%shift_right_logical3A_192, %and3A_195] : memref<80x128xf32, #tpu.memory_space<vmem>>[vector<16xi32>, vector<16xi32>], vector<16xf32>,
      %get3A_197 = arith.index_cast %scan3A_7 : i32 to index
      %get3A_198 = arith.constant 80 : index
      %get3A_199 = tpu.vector_load %arg9[%get3A_197, %get3A_198] {strides = array<i32>} : memref<80x128xf32, #tpu.memory_space<vmem>>, vector<16xf32>,
      %mul3A_200 = arith.mulf %gather3A_189, %gather3A_196 : vector<16xf32>
      %neg3A_201 = arith.constant 0.000000e+00 : f32
      %neg3A_202 = vector.broadcast %neg3A_201 : f32 to vector<16xf32>
      %neg3A_203 = arith.subf %neg3A_202, %get3A_199 : vector<16xf32>
      %exp3A_204 = math.exp %neg3A_203 : vector<16xf32>
      %add3A_205 = arith.constant 1.000000e+00 : f32
      %add3A_206 = vector.broadcast %add3A_205 : f32 to vector<16xf32>
      %add3A_207 = arith.addf %add3A_206, %exp3A_204 : vector<16xf32>
      %mul3A_208 = arith.mulf %mul3A_200, %add3A_207 : vector<16xf32>
      %swap3A_209 = arith.index_cast %scan3A_7 : i32 to index
      %swap3A_210 = arith.constant 80 : index
      %swap3A_211 = tpu.vector_load %arg11[%swap3A_209, %swap3A_210] {strides = array<i32>} : memref<80x128xf32, #tpu.memory_space<vmem>>, vector<16xf32>,
      tpu.vector_store %arg11[%swap3A_209, %swap3A_210], %mul3A_208 {strides = array<i32>} : memref<80x128xf32, #tpu.memory_space<vmem>>, vector<16xf32>,
      %get3A_212 = arith.index_cast %scan3A_7 : i32 to index
      %get3A_213 = arith.constant 96 : index
      %get3A_214 = tpu.vector_load %arg7[%get3A_212, %get3A_213] {strides = array<i32>} : memref<80x128xi32, #tpu.memory_space<vmem>>, vector<16xi32>,
      %get3A_215 = arith.index_cast %scan3A_7 : i32 to index
      %get3A_216 = arith.constant 96 : index
      %get3A_217 = tpu.vector_load %arg8[%get3A_215, %get3A_216] {strides = array<i32>} : memref<80x128xi32, #tpu.memory_space<vmem>>, vector<16xi32>,
      %shift_right_logical3A_218 = arith.constant 7 : i32
      %shift_right_logical3A_219 = vector.broadcast %shift_right_logical3A_218 : i32 to vector<16xi32>
      %shift_right_logical3A_220 = arith.shrui %get3A_214, %shift_right_logical3A_219 : vector<16xi32>
      %and3A_221 = arith.constant 127 : i32
      %and3A_222 = vector.broadcast %and3A_221 : i32 to vector<16xi32>
      %and3A_223 = arith.andi %get3A_214, %and3A_222 : vector<16xi32>
      %gather3A_224 = tpu.vector_load_idx %arg10[%shift_right_logical3A_220, %and3A_223] : memref<80x128xf32, #tpu.memory_space<vmem>>[vector<16xi32>, vector<16xi32>], vector<16xf32>,
      %shift_right_logical3A_225 = arith.constant 7 : i32
      %shift_right_logical3A_226 = vector.broadcast %shift_right_logical3A_225 : i32 to vector<16xi32>
      %shift_right_logical3A_227 = arith.shrui %get3A_217, %shift_right_logical3A_226 : vector<16xi32>
      %and3A_228 = arith.constant 127 : i32
      %and3A_229 = vector.broadcast %and3A_228 : i32 to vector<16xi32>
      %and3A_230 = arith.andi %get3A_217, %and3A_229 : vector<16xi32>
      %gather3A_231 = tpu.vector_load_idx %arg10[%shift_right_logical3A_227, %and3A_230] : memref<80x128xf32, #tpu.memory_space<vmem>>[vector<16xi32>, vector<16xi32>], vector<16xf32>,
      %get3A_232 = arith.index_cast %scan3A_7 : i32 to index
      %get3A_233 = arith.constant 96 : index
      %get3A_234 = tpu.vector_load %arg9[%get3A_232, %get3A_233] {strides = array<i32>} : memref<80x128xf32, #tpu.memory_space<vmem>>, vector<16xf32>,
      %mul3A_235 = arith.mulf %gather3A_224, %gather3A_231 : vector<16xf32>
      %neg3A_236 = arith.constant 0.000000e+00 : f32
      %neg3A_237 = vector.broadcast %neg3A_236 : f32 to vector<16xf32>
      %neg3A_238 = arith.subf %neg3A_237, %get3A_234 : vector<16xf32>
      %exp3A_239 = math.exp %neg3A_238 : vector<16xf32>
      %add3A_240 = arith.constant 1.000000e+00 : f32
      %add3A_241 = vector.broadcast %add3A_240 : f32 to vector<16xf32>
      %add3A_242 = arith.addf %add3A_241, %exp3A_239 : vector<16xf32>
      %mul3A_243 = arith.mulf %mul3A_235, %add3A_242 : vector<16xf32>
      %swap3A_244 = arith.index_cast %scan3A_7 : i32 to index
      %swap3A_245 = arith.constant 96 : index
      %swap3A_246 = tpu.vector_load %arg11[%swap3A_244, %swap3A_245] {strides = array<i32>} : memref<80x128xf32, #tpu.memory_space<vmem>>, vector<16xf32>,
      tpu.vector_store %arg11[%swap3A_244, %swap3A_245], %mul3A_243 {strides = array<i32>} : memref<80x128xf32, #tpu.memory_space<vmem>>, vector<16xf32>,
      %get3A_247 = arith.index_cast %scan3A_7 : i32 to index
      %get3A_248 = arith.constant 112 : index
      %get3A_249 = tpu.vector_load %arg7[%get3A_247, %get3A_248] {strides = array<i32>} : memref<80x128xi32, #tpu.memory_space<vmem>>, vector<16xi32>,
      %get3A_250 = arith.index_cast %scan3A_7 : i32 to index
      %get3A_251 = arith.constant 112 : index
      %get3A_252 = tpu.vector_load %arg8[%get3A_250, %get3A_251] {strides = array<i32>} : memref<80x128xi32, #tpu.memory_space<vmem>>, vector<16xi32>,
      %shift_right_logical3A_253 = arith.constant 7 : i32
      %shift_right_logical3A_254 = vector.broadcast %shift_right_logical3A_253 : i32 to vector<16xi32>
      %shift_right_logical3A_255 = arith.shrui %get3A_249, %shift_right_logical3A_254 : vector<16xi32>
      %and3A_256 = arith.constant 127 : i32
      %and3A_257 = vector.broadcast %and3A_256 : i32 to vector<16xi32>
      %and3A_258 = arith.andi %get3A_249, %and3A_257 : vector<16xi32>
      %gather3A_259 = tpu.vector_load_idx %arg10[%shift_right_logical3A_255, %and3A_258] : memref<80x128xf32, #tpu.memory_space<vmem>>[vector<16xi32>, vector<16xi32>], vector<16xf32>,
      %shift_right_logical3A_260 = arith.constant 7 : i32
      %shift_right_logical3A_261 = vector.broadcast %shift_right_logical3A_260 : i32 to vector<16xi32>
      %shift_right_logical3A_262 = arith.shrui %get3A_252, %shift_right_logical3A_261 : vector<16xi32>
      %and3A_263 = arith.constant 127 : i32
      %and3A_264 = vector.broadcast %and3A_263 : i32 to vector<16xi32>
      %and3A_265 = arith.andi %get3A_252, %and3A_264 : vector<16xi32>
      %gather3A_266 = tpu.vector_load_idx %arg10[%shift_right_logical3A_262, %and3A_265] : memref<80x128xf32, #tpu.memory_space<vmem>>[vector<16xi32>, vector<16xi32>], vector<16xf32>,
      %get3A_267 = arith.index_cast %scan3A_7 : i32 to index
      %get3A_268 = arith.constant 112 : index
      %get3A_269 = tpu.vector_load %arg9[%get3A_267, %get3A_268] {strides = array<i32>} : memref<80x128xf32, #tpu.memory_space<vmem>>, vector<16xf32>,
      %mul3A_270 = arith.mulf %gather3A_259, %gather3A_266 : vector<16xf32>
      %neg3A_271 = arith.constant 0.000000e+00 : f32
      %neg3A_272 = vector.broadcast %neg3A_271 : f32 to vector<16xf32>
      %neg3A_273 = arith.subf %neg3A_272, %get3A_269 : vector<16xf32>
      %exp3A_274 = math.exp %neg3A_273 : vector<16xf32>
      %add3A_275 = arith.constant 1.000000e+00 : f32
      %add3A_276 = vector.broadcast %add3A_275 : f32 to vector<16xf32>
      %add3A_277 = arith.addf %add3A_276, %exp3A_274 : vector<16xf32>
      %mul3A_278 = arith.mulf %mul3A_270, %add3A_277 : vector<16xf32>
      %swap3A_279 = arith.index_cast %scan3A_7 : i32 to index
      %swap3A_280 = arith.constant 112 : index
      %swap3A_281 = tpu.vector_load %arg11[%swap3A_279, %swap3A_280] {strides = array<i32>} : memref<80x128xf32, #tpu.memory_space<vmem>>, vector<16xf32>,
      tpu.vector_store %arg11[%swap3A_279, %swap3A_280], %mul3A_278 {strides = array<i32>} : memref<80x128xf32, #tpu.memory_space<vmem>>, vector<16xf32>,
      %scan3A_282 = arith.constant 0 : i32
      scf.yield %scan3A_282 : i32
    }
    %scan3A_6 = arith.constant 80 : i32
    "tpu.region"() ({
      %run_scoped3A = tpu.sem_alloc : memref<!tpu.dma_semaphore, #tpu.memory_space<semaphore_mem>>
      %dma_start3A = arith.constant 0 : i32
      %dma_start3A_7 = arith.constant 0 : i32
      %dma_start3A_8 = tpu.memref_slice %arg6[%add3A, %dma_start3A, %dma_start3A_7] : memref<32x80x128xf32, #tpu.memory_space<hbm>> -> memref<1x80x128xf32, #tpu.memory_space<hbm>>
      %dma_start3A_9 = tpu.memref_squeeze %dma_start3A_8 : memref<1x80x128xf32, #tpu.memory_space<hbm>> -> memref<80x128xf32, #tpu.memory_space<hbm>>
      %dma_start3A_10 = arith.constant 0 : i32
      %dma_start3A_11 = arith.constant 0 : i32
      %dma_start3A_12 = tpu.memref_slice %arg6[%add3A, %dma_start3A_10, %dma_start3A_11] : memref<32x80x128xf32, #tpu.memory_space<hbm>> -> memref<1x80x128xf32, #tpu.memory_space<hbm>>
      %dma_start3A_13 = tpu.memref_squeeze %dma_start3A_12 : memref<1x80x128xf32, #tpu.memory_space<hbm>> -> memref<80x128xf32, #tpu.memory_space<hbm>>
      tpu.enqueue_dma source(%arg11 : memref<80x128xf32, #tpu.memory_space<vmem>>) target(%dma_start3A_13 : memref<80x128xf32, #tpu.memory_space<hbm>>) target_semaphore(%run_scoped3A : memref<!tpu.dma_semaphore, #tpu.memory_space<semaphore_mem>>)
      %dma_wait3A = arith.constant 0 : i32
      %dma_wait3A_14 = arith.constant 0 : i32
      %dma_wait3A_15 = tpu.memref_slice %arg6[%add3A, %dma_wait3A, %dma_wait3A_14] : memref<32x80x128xf32, #tpu.memory_space<hbm>> -> memref<1x80x128xf32, #tpu.memory_space<hbm>>
      %dma_wait3A_16 = tpu.memref_squeeze %dma_wait3A_15 : memref<1x80x128xf32, #tpu.memory_space<hbm>> -> memref<80x128xf32, #tpu.memory_space<hbm>>
      %dma_wait3A_17 = arith.constant 0 : i32
      %dma_wait3A_18 = arith.constant 0 : i32
      %dma_wait3A_19 = tpu.memref_slice %arg6[%add3A, %dma_wait3A_17, %dma_wait3A_18] : memref<32x80x128xf32, #tpu.memory_space<hbm>> -> memref<1x80x128xf32, #tpu.memory_space<hbm>>
      %dma_wait3A_20 = tpu.memref_squeeze %dma_wait3A_19 : memref<1x80x128xf32, #tpu.memory_space<hbm>> -> memref<80x128xf32, #tpu.memory_space<hbm>>
      tpu.wait_dma2 semaphore(%run_scoped3A : memref<!tpu.dma_semaphore, #tpu.memory_space<semaphore_mem>>) src(%arg11 : memref<80x128xf32, #tpu.memory_space<vmem>>) dst(%dma_wait3A_20 : memref<80x128xf32, #tpu.memory_space<hbm>>)
      tpu.yield
    }) : () -> ()
    return
  }
}

#map = affine_map<(d0, d1) -> (0, 0, 0)>
#map1 = affine_map<(d0, d1) -> (0, 0)>
module attributes {stable_mosaic.version = 14 : i64} {
  func.func @_layer_body(%arg0: i32, %arg1: i32, %arg2: memref<32x80x128xi32, #tpu.memory_space<hbm>>, %arg3: memref<32x80x128xi32, #tpu.memory_space<hbm>>, %arg4: memref<32x80x128xf32, #tpu.memory_space<hbm>>, %arg5: memref<10000x128xf32, #tpu.memory_space<hbm>>, %arg6: memref<2x10240x128xf32, #tpu.memory_space<hbm>>, %arg7: memref<10240x128xf32, #tpu.memory_space<vmem_shared>>, %arg8: memref<80x128xi32, #tpu.memory_space<vmem>>, %arg9: memref<80x128xi32, #tpu.memory_space<vmem>>, %arg10: memref<80x128xf32, #tpu.memory_space<vmem>>, %arg11: memref<128x128xf32, #tpu.memory_space<vmem>>, %arg12: memref<!tpu.dma_semaphore, #tpu.memory_space<semaphore_mem>>) attributes {dimension_semantics = [#tpu.dimension_semantics<core_parallel>, #tpu.dimension_semantics<subcore_parallel>], iteration_bounds = array<i64: 2, 16>, scalar_prefetch = 0 : i64, scratch_operands = 6 : i64, tpu.core_type = #tpu.core_type<sc_vector_subcore>, window_params = [{transform_indices = #map}, {transform_indices = #map}, {transform_indices = #map}, {transform_indices = #map1}, {transform_indices = #map}]} {
    %mul3A = arith.constant 16 : i32
    %mul3A_0 = arith.muli %arg0, %mul3A : i32
    %add3A = arith.addi %mul3A_0, %arg1 : i32
    %broadcast_in_dim3A = arith.constant 0.000000e+00 : f32
    %broadcast_in_dim3A_1 = vector.broadcast %broadcast_in_dim3A : f32 to vector<16xf32>
    %scan3A = arith.constant 0 : i32
    %scan3A_2 = arith.constant 0 : i32
    %scan3A_3 = arith.constant 128 : i32
    %scan3A_4 = arith.addi %scan3A_2, %scan3A_3 : i32
    %scan3A_5 = arith.constant 1 : i32
    %scan3A_6 = scf.for %scan3A_28 = %scan3A_2 to %scan3A_4 step %scan3A_5 iter_args(%scan3A_29 = %scan3A) -> (i32)  : i32 {
      %swap3A = arith.index_cast %scan3A_28 : i32 to index
      %swap3A_30 = arith.constant 0 : index
      %swap3A_31 = tpu.vector_load %arg11[%swap3A, %swap3A_30] {strides = array<i32>} : memref<128x128xf32, #tpu.memory_space<vmem>>, vector<16xf32>,
      tpu.vector_store %arg11[%swap3A, %swap3A_30], %broadcast_in_dim3A_1 {strides = array<i32>} : memref<128x128xf32, #tpu.memory_space<vmem>>, vector<16xf32>,
      %swap3A_32 = arith.index_cast %scan3A_28 : i32 to index
      %swap3A_33 = arith.constant 16 : index
      %swap3A_34 = tpu.vector_load %arg11[%swap3A_32, %swap3A_33] {strides = array<i32>} : memref<128x128xf32, #tpu.memory_space<vmem>>, vector<16xf32>,
      tpu.vector_store %arg11[%swap3A_32, %swap3A_33], %broadcast_in_dim3A_1 {strides = array<i32>} : memref<128x128xf32, #tpu.memory_space<vmem>>, vector<16xf32>,
      %swap3A_35 = arith.index_cast %scan3A_28 : i32 to index
      %swap3A_36 = arith.constant 32 : index
      %swap3A_37 = tpu.vector_load %arg11[%swap3A_35, %swap3A_36] {strides = array<i32>} : memref<128x128xf32, #tpu.memory_space<vmem>>, vector<16xf32>,
      tpu.vector_store %arg11[%swap3A_35, %swap3A_36], %broadcast_in_dim3A_1 {strides = array<i32>} : memref<128x128xf32, #tpu.memory_space<vmem>>, vector<16xf32>,
      %swap3A_38 = arith.index_cast %scan3A_28 : i32 to index
      %swap3A_39 = arith.constant 48 : index
      %swap3A_40 = tpu.vector_load %arg11[%swap3A_38, %swap3A_39] {strides = array<i32>} : memref<128x128xf32, #tpu.memory_space<vmem>>, vector<16xf32>,
      tpu.vector_store %arg11[%swap3A_38, %swap3A_39], %broadcast_in_dim3A_1 {strides = array<i32>} : memref<128x128xf32, #tpu.memory_space<vmem>>, vector<16xf32>,
      %swap3A_41 = arith.index_cast %scan3A_28 : i32 to index
      %swap3A_42 = arith.constant 64 : index
      %swap3A_43 = tpu.vector_load %arg11[%swap3A_41, %swap3A_42] {strides = array<i32>} : memref<128x128xf32, #tpu.memory_space<vmem>>, vector<16xf32>,
      tpu.vector_store %arg11[%swap3A_41, %swap3A_42], %broadcast_in_dim3A_1 {strides = array<i32>} : memref<128x128xf32, #tpu.memory_space<vmem>>, vector<16xf32>,
      %swap3A_44 = arith.index_cast %scan3A_28 : i32 to index
      %swap3A_45 = arith.constant 80 : index
      %swap3A_46 = tpu.vector_load %arg11[%swap3A_44, %swap3A_45] {strides = array<i32>} : memref<128x128xf32, #tpu.memory_space<vmem>>, vector<16xf32>,
      tpu.vector_store %arg11[%swap3A_44, %swap3A_45], %broadcast_in_dim3A_1 {strides = array<i32>} : memref<128x128xf32, #tpu.memory_space<vmem>>, vector<16xf32>,
      %swap3A_47 = arith.index_cast %scan3A_28 : i32 to index
      %swap3A_48 = arith.constant 96 : index
      %swap3A_49 = tpu.vector_load %arg11[%swap3A_47, %swap3A_48] {strides = array<i32>} : memref<128x128xf32, #tpu.memory_space<vmem>>, vector<16xf32>,
      tpu.vector_store %arg11[%swap3A_47, %swap3A_48], %broadcast_in_dim3A_1 {strides = array<i32>} : memref<128x128xf32, #tpu.memory_space<vmem>>, vector<16xf32>,
      %swap3A_50 = arith.index_cast %scan3A_28 : i32 to index
      %swap3A_51 = arith.constant 112 : index
      %swap3A_52 = tpu.vector_load %arg11[%swap3A_50, %swap3A_51] {strides = array<i32>} : memref<128x128xf32, #tpu.memory_space<vmem>>, vector<16xf32>,
      tpu.vector_store %arg11[%swap3A_50, %swap3A_51], %broadcast_in_dim3A_1 {strides = array<i32>} : memref<128x128xf32, #tpu.memory_space<vmem>>, vector<16xf32>,
      %scan3A_53 = arith.constant 0 : i32
      scf.yield %scan3A_53 : i32
    }
    %scan3A_7 = arith.constant 128 : i32
    %mul3A_8 = arith.constant 640 : i32
    %mul3A_9 = arith.muli %arg1, %mul3A_8 : i32
    %multiple_of3A = tpu.assume_multiple %mul3A_9, 640 : i32
    %add3A_10 = arith.constant 0 : i32
    %add3A_11 = arith.addi %multiple_of3A, %add3A_10 : i32
    "tpu.region"() ({
      %run_scoped3A = tpu.sem_alloc : memref<!tpu.dma_semaphore, #tpu.memory_space<semaphore_mem>>
      %dma_start3A = arith.constant 0 : i32
      %dma_start3A_28 = tpu.memref_slice %arg7[%add3A_11, %dma_start3A] : memref<10240x128xf32, #tpu.memory_space<vmem_shared>> -> memref<128x128xf32, #tpu.memory_space<vmem_shared>>
      %dma_start3A_29 = arith.constant 0 : i32
      %dma_start3A_30 = tpu.memref_slice %arg7[%add3A_11, %dma_start3A_29] : memref<10240x128xf32, #tpu.memory_space<vmem_shared>> -> memref<128x128xf32, #tpu.memory_space<vmem_shared>>
      tpu.enqueue_dma source(%arg11 : memref<128x128xf32, #tpu.memory_space<vmem>>) target(%dma_start3A_30 : memref<128x128xf32, #tpu.memory_space<vmem_shared>>) target_semaphore(%run_scoped3A : memref<!tpu.dma_semaphore, #tpu.memory_space<semaphore_mem>>)
      %dma_wait3A = arith.constant 0 : i32
      %dma_wait3A_31 = tpu.memref_slice %arg7[%add3A_11, %dma_wait3A] : memref<10240x128xf32, #tpu.memory_space<vmem_shared>> -> memref<128x128xf32, #tpu.memory_space<vmem_shared>>
      %dma_wait3A_32 = arith.constant 0 : i32
      %dma_wait3A_33 = tpu.memref_slice %arg7[%add3A_11, %dma_wait3A_32] : memref<10240x128xf32, #tpu.memory_space<vmem_shared>> -> memref<128x128xf32, #tpu.memory_space<vmem_shared>>
      tpu.wait_dma2 semaphore(%run_scoped3A : memref<!tpu.dma_semaphore, #tpu.memory_space<semaphore_mem>>) src(%arg11 : memref<128x128xf32, #tpu.memory_space<vmem>>) dst(%dma_wait3A_33 : memref<128x128xf32, #tpu.memory_space<vmem_shared>>)
      tpu.yield
    }) : () -> ()
    %add3A_12 = arith.constant 128 : i32
    %add3A_13 = arith.addi %multiple_of3A, %add3A_12 : i32
    "tpu.region"() ({
      %run_scoped3A = tpu.sem_alloc : memref<!tpu.dma_semaphore, #tpu.memory_space<semaphore_mem>>
      %dma_start3A = arith.constant 0 : i32
      %dma_start3A_28 = tpu.memref_slice %arg7[%add3A_13, %dma_start3A] : memref<10240x128xf32, #tpu.memory_space<vmem_shared>> -> memref<128x128xf32, #tpu.memory_space<vmem_shared>>
      %dma_start3A_29 = arith.constant 0 : i32
      %dma_start3A_30 = tpu.memref_slice %arg7[%add3A_13, %dma_start3A_29] : memref<10240x128xf32, #tpu.memory_space<vmem_shared>> -> memref<128x128xf32, #tpu.memory_space<vmem_shared>>
      tpu.enqueue_dma source(%arg11 : memref<128x128xf32, #tpu.memory_space<vmem>>) target(%dma_start3A_30 : memref<128x128xf32, #tpu.memory_space<vmem_shared>>) target_semaphore(%run_scoped3A : memref<!tpu.dma_semaphore, #tpu.memory_space<semaphore_mem>>)
      %dma_wait3A = arith.constant 0 : i32
      %dma_wait3A_31 = tpu.memref_slice %arg7[%add3A_13, %dma_wait3A] : memref<10240x128xf32, #tpu.memory_space<vmem_shared>> -> memref<128x128xf32, #tpu.memory_space<vmem_shared>>
      %dma_wait3A_32 = arith.constant 0 : i32
      %dma_wait3A_33 = tpu.memref_slice %arg7[%add3A_13, %dma_wait3A_32] : memref<10240x128xf32, #tpu.memory_space<vmem_shared>> -> memref<128x128xf32, #tpu.memory_space<vmem_shared>>
      tpu.wait_dma2 semaphore(%run_scoped3A : memref<!tpu.dma_semaphore, #tpu.memory_space<semaphore_mem>>) src(%arg11 : memref<128x128xf32, #tpu.memory_space<vmem>>) dst(%dma_wait3A_33 : memref<128x128xf32, #tpu.memory_space<vmem_shared>>)
      tpu.yield
    }) : () -> ()
    %add3A_14 = arith.constant 256 : i32
    %add3A_15 = arith.addi %multiple_of3A, %add3A_14 : i32
    "tpu.region"() ({
      %run_scoped3A = tpu.sem_alloc : memref<!tpu.dma_semaphore, #tpu.memory_space<semaphore_mem>>
      %dma_start3A = arith.constant 0 : i32
      %dma_start3A_28 = tpu.memref_slice %arg7[%add3A_15, %dma_start3A] : memref<10240x128xf32, #tpu.memory_space<vmem_shared>> -> memref<128x128xf32, #tpu.memory_space<vmem_shared>>
      %dma_start3A_29 = arith.constant 0 : i32
      %dma_start3A_30 = tpu.memref_slice %arg7[%add3A_15, %dma_start3A_29] : memref<10240x128xf32, #tpu.memory_space<vmem_shared>> -> memref<128x128xf32, #tpu.memory_space<vmem_shared>>
      tpu.enqueue_dma source(%arg11 : memref<128x128xf32, #tpu.memory_space<vmem>>) target(%dma_start3A_30 : memref<128x128xf32, #tpu.memory_space<vmem_shared>>) target_semaphore(%run_scoped3A : memref<!tpu.dma_semaphore, #tpu.memory_space<semaphore_mem>>)
      %dma_wait3A = arith.constant 0 : i32
      %dma_wait3A_31 = tpu.memref_slice %arg7[%add3A_15, %dma_wait3A] : memref<10240x128xf32, #tpu.memory_space<vmem_shared>> -> memref<128x128xf32, #tpu.memory_space<vmem_shared>>
      %dma_wait3A_32 = arith.constant 0 : i32
      %dma_wait3A_33 = tpu.memref_slice %arg7[%add3A_15, %dma_wait3A_32] : memref<10240x128xf32, #tpu.memory_space<vmem_shared>> -> memref<128x128xf32, #tpu.memory_space<vmem_shared>>
      tpu.wait_dma2 semaphore(%run_scoped3A : memref<!tpu.dma_semaphore, #tpu.memory_space<semaphore_mem>>) src(%arg11 : memref<128x128xf32, #tpu.memory_space<vmem>>) dst(%dma_wait3A_33 : memref<128x128xf32, #tpu.memory_space<vmem_shared>>)
      tpu.yield
    }) : () -> ()
    %add3A_16 = arith.constant 384 : i32
    %add3A_17 = arith.addi %multiple_of3A, %add3A_16 : i32
    "tpu.region"() ({
      %run_scoped3A = tpu.sem_alloc : memref<!tpu.dma_semaphore, #tpu.memory_space<semaphore_mem>>
      %dma_start3A = arith.constant 0 : i32
      %dma_start3A_28 = tpu.memref_slice %arg7[%add3A_17, %dma_start3A] : memref<10240x128xf32, #tpu.memory_space<vmem_shared>> -> memref<128x128xf32, #tpu.memory_space<vmem_shared>>
      %dma_start3A_29 = arith.constant 0 : i32
      %dma_start3A_30 = tpu.memref_slice %arg7[%add3A_17, %dma_start3A_29] : memref<10240x128xf32, #tpu.memory_space<vmem_shared>> -> memref<128x128xf32, #tpu.memory_space<vmem_shared>>
      tpu.enqueue_dma source(%arg11 : memref<128x128xf32, #tpu.memory_space<vmem>>) target(%dma_start3A_30 : memref<128x128xf32, #tpu.memory_space<vmem_shared>>) target_semaphore(%run_scoped3A : memref<!tpu.dma_semaphore, #tpu.memory_space<semaphore_mem>>)
      %dma_wait3A = arith.constant 0 : i32
      %dma_wait3A_31 = tpu.memref_slice %arg7[%add3A_17, %dma_wait3A] : memref<10240x128xf32, #tpu.memory_space<vmem_shared>> -> memref<128x128xf32, #tpu.memory_space<vmem_shared>>
      %dma_wait3A_32 = arith.constant 0 : i32
      %dma_wait3A_33 = tpu.memref_slice %arg7[%add3A_17, %dma_wait3A_32] : memref<10240x128xf32, #tpu.memory_space<vmem_shared>> -> memref<128x128xf32, #tpu.memory_space<vmem_shared>>
      tpu.wait_dma2 semaphore(%run_scoped3A : memref<!tpu.dma_semaphore, #tpu.memory_space<semaphore_mem>>) src(%arg11 : memref<128x128xf32, #tpu.memory_space<vmem>>) dst(%dma_wait3A_33 : memref<128x128xf32, #tpu.memory_space<vmem_shared>>)
      tpu.yield
    }) : () -> ()
    %add3A_18 = arith.constant 512 : i32
    %add3A_19 = arith.addi %multiple_of3A, %add3A_18 : i32
    "tpu.region"() ({
      %run_scoped3A = tpu.sem_alloc : memref<!tpu.dma_semaphore, #tpu.memory_space<semaphore_mem>>
      %dma_start3A = arith.constant 0 : i32
      %dma_start3A_28 = tpu.memref_slice %arg7[%add3A_19, %dma_start3A] : memref<10240x128xf32, #tpu.memory_space<vmem_shared>> -> memref<128x128xf32, #tpu.memory_space<vmem_shared>>
      %dma_start3A_29 = arith.constant 0 : i32
      %dma_start3A_30 = tpu.memref_slice %arg7[%add3A_19, %dma_start3A_29] : memref<10240x128xf32, #tpu.memory_space<vmem_shared>> -> memref<128x128xf32, #tpu.memory_space<vmem_shared>>
      tpu.enqueue_dma source(%arg11 : memref<128x128xf32, #tpu.memory_space<vmem>>) target(%dma_start3A_30 : memref<128x128xf32, #tpu.memory_space<vmem_shared>>) target_semaphore(%run_scoped3A : memref<!tpu.dma_semaphore, #tpu.memory_space<semaphore_mem>>)
      %dma_wait3A = arith.constant 0 : i32
      %dma_wait3A_31 = tpu.memref_slice %arg7[%add3A_19, %dma_wait3A] : memref<10240x128xf32, #tpu.memory_space<vmem_shared>> -> memref<128x128xf32, #tpu.memory_space<vmem_shared>>
      %dma_wait3A_32 = arith.constant 0 : i32
      %dma_wait3A_33 = tpu.memref_slice %arg7[%add3A_19, %dma_wait3A_32] : memref<10240x128xf32, #tpu.memory_space<vmem_shared>> -> memref<128x128xf32, #tpu.memory_space<vmem_shared>>
      tpu.wait_dma2 semaphore(%run_scoped3A : memref<!tpu.dma_semaphore, #tpu.memory_space<semaphore_mem>>) src(%arg11 : memref<128x128xf32, #tpu.memory_space<vmem>>) dst(%dma_wait3A_33 : memref<128x128xf32, #tpu.memory_space<vmem_shared>>)
      tpu.yield
    }) : () -> ()
    "tpu.region"() ({
      %run_scoped3A = tpu.sem_alloc : memref<!tpu.dma_semaphore, #tpu.memory_space<semaphore_mem>>
      %dma_start3A = arith.constant 0 : i32
      %dma_start3A_28 = arith.constant 0 : i32
      %dma_start3A_29 = tpu.memref_slice %arg2[%add3A, %dma_start3A, %dma_start3A_28] : memref<32x80x128xi32, #tpu.memory_space<hbm>> -> memref<1x80x128xi32, #tpu.memory_space<hbm>>
      %dma_start3A_30 = tpu.memref_squeeze %dma_start3A_29 : memref<1x80x128xi32, #tpu.memory_space<hbm>> -> memref<80x128xi32, #tpu.memory_space<hbm>>
      %dma_start3A_31 = arith.constant 0 : i32
      %dma_start3A_32 = arith.constant 0 : i32
      %dma_start3A_33 = tpu.memref_slice %arg2[%add3A, %dma_start3A_31, %dma_start3A_32] : memref<32x80x128xi32, #tpu.memory_space<hbm>> -> memref<1x80x128xi32, #tpu.memory_space<hbm>>
      %dma_start3A_34 = tpu.memref_squeeze %dma_start3A_33 : memref<1x80x128xi32, #tpu.memory_space<hbm>> -> memref<80x128xi32, #tpu.memory_space<hbm>>
      tpu.enqueue_dma source(%dma_start3A_34 : memref<80x128xi32, #tpu.memory_space<hbm>>) target(%arg8 : memref<80x128xi32, #tpu.memory_space<vmem>>) target_semaphore(%run_scoped3A : memref<!tpu.dma_semaphore, #tpu.memory_space<semaphore_mem>>)
      %dma_wait3A = arith.constant 0 : i32
      %dma_wait3A_35 = arith.constant 0 : i32
      %dma_wait3A_36 = tpu.memref_slice %arg2[%add3A, %dma_wait3A, %dma_wait3A_35] : memref<32x80x128xi32, #tpu.memory_space<hbm>> -> memref<1x80x128xi32, #tpu.memory_space<hbm>>
      %dma_wait3A_37 = tpu.memref_squeeze %dma_wait3A_36 : memref<1x80x128xi32, #tpu.memory_space<hbm>> -> memref<80x128xi32, #tpu.memory_space<hbm>>
      %dma_wait3A_38 = arith.constant 0 : i32
      %dma_wait3A_39 = arith.constant 0 : i32
      %dma_wait3A_40 = tpu.memref_slice %arg2[%add3A, %dma_wait3A_38, %dma_wait3A_39] : memref<32x80x128xi32, #tpu.memory_space<hbm>> -> memref<1x80x128xi32, #tpu.memory_space<hbm>>
      %dma_wait3A_41 = tpu.memref_squeeze %dma_wait3A_40 : memref<1x80x128xi32, #tpu.memory_space<hbm>> -> memref<80x128xi32, #tpu.memory_space<hbm>>
      tpu.wait_dma2 semaphore(%run_scoped3A : memref<!tpu.dma_semaphore, #tpu.memory_space<semaphore_mem>>) src(%dma_wait3A_41 : memref<80x128xi32, #tpu.memory_space<hbm>>) dst(%arg8 : memref<80x128xi32, #tpu.memory_space<vmem>>)
      tpu.yield
    }) : () -> ()
    "tpu.region"() ({
      %run_scoped3A = tpu.sem_alloc : memref<!tpu.dma_semaphore, #tpu.memory_space<semaphore_mem>>
      %dma_start3A = arith.constant 0 : i32
      %dma_start3A_28 = arith.constant 0 : i32
      %dma_start3A_29 = tpu.memref_slice %arg3[%add3A, %dma_start3A, %dma_start3A_28] : memref<32x80x128xi32, #tpu.memory_space<hbm>> -> memref<1x80x128xi32, #tpu.memory_space<hbm>>
      %dma_start3A_30 = tpu.memref_squeeze %dma_start3A_29 : memref<1x80x128xi32, #tpu.memory_space<hbm>> -> memref<80x128xi32, #tpu.memory_space<hbm>>
      %dma_start3A_31 = arith.constant 0 : i32
      %dma_start3A_32 = arith.constant 0 : i32
      %dma_start3A_33 = tpu.memref_slice %arg3[%add3A, %dma_start3A_31, %dma_start3A_32] : memref<32x80x128xi32, #tpu.memory_space<hbm>> -> memref<1x80x128xi32, #tpu.memory_space<hbm>>
      %dma_start3A_34 = tpu.memref_squeeze %dma_start3A_33 : memref<1x80x128xi32, #tpu.memory_space<hbm>> -> memref<80x128xi32, #tpu.memory_space<hbm>>
      tpu.enqueue_dma source(%dma_start3A_34 : memref<80x128xi32, #tpu.memory_space<hbm>>) target(%arg9 : memref<80x128xi32, #tpu.memory_space<vmem>>) target_semaphore(%run_scoped3A : memref<!tpu.dma_semaphore, #tpu.memory_space<semaphore_mem>>)
      %dma_wait3A = arith.constant 0 : i32
      %dma_wait3A_35 = arith.constant 0 : i32
      %dma_wait3A_36 = tpu.memref_slice %arg3[%add3A, %dma_wait3A, %dma_wait3A_35] : memref<32x80x128xi32, #tpu.memory_space<hbm>> -> memref<1x80x128xi32, #tpu.memory_space<hbm>>
      %dma_wait3A_37 = tpu.memref_squeeze %dma_wait3A_36 : memref<1x80x128xi32, #tpu.memory_space<hbm>> -> memref<80x128xi32, #tpu.memory_space<hbm>>
      %dma_wait3A_38 = arith.constant 0 : i32
      %dma_wait3A_39 = arith.constant 0 : i32
      %dma_wait3A_40 = tpu.memref_slice %arg3[%add3A, %dma_wait3A_38, %dma_wait3A_39] : memref<32x80x128xi32, #tpu.memory_space<hbm>> -> memref<1x80x128xi32, #tpu.memory_space<hbm>>
      %dma_wait3A_41 = tpu.memref_squeeze %dma_wait3A_40 : memref<1x80x128xi32, #tpu.memory_space<hbm>> -> memref<80x128xi32, #tpu.memory_space<hbm>>
      tpu.wait_dma2 semaphore(%run_scoped3A : memref<!tpu.dma_semaphore, #tpu.memory_space<semaphore_mem>>) src(%dma_wait3A_41 : memref<80x128xi32, #tpu.memory_space<hbm>>) dst(%arg9 : memref<80x128xi32, #tpu.memory_space<vmem>>)
      tpu.yield
    }) : () -> ()
    "tpu.region"() ({
      %run_scoped3A = tpu.sem_alloc : memref<!tpu.dma_semaphore, #tpu.memory_space<semaphore_mem>>
      %dma_start3A = arith.constant 0 : i32
      %dma_start3A_28 = arith.constant 0 : i32
      %dma_start3A_29 = tpu.memref_slice %arg4[%add3A, %dma_start3A, %dma_start3A_28] : memref<32x80x128xf32, #tpu.memory_space<hbm>> -> memref<1x80x128xf32, #tpu.memory_space<hbm>>
      %dma_start3A_30 = tpu.memref_squeeze %dma_start3A_29 : memref<1x80x128xf32, #tpu.memory_space<hbm>> -> memref<80x128xf32, #tpu.memory_space<hbm>>
      %dma_start3A_31 = arith.constant 0 : i32
      %dma_start3A_32 = arith.constant 0 : i32
      %dma_start3A_33 = tpu.memref_slice %arg4[%add3A, %dma_start3A_31, %dma_start3A_32] : memref<32x80x128xf32, #tpu.memory_space<hbm>> -> memref<1x80x128xf32, #tpu.memory_space<hbm>>
      %dma_start3A_34 = tpu.memref_squeeze %dma_start3A_33 : memref<1x80x128xf32, #tpu.memory_space<hbm>> -> memref<80x128xf32, #tpu.memory_space<hbm>>
      tpu.enqueue_dma source(%dma_start3A_34 : memref<80x128xf32, #tpu.memory_space<hbm>>) target(%arg10 : memref<80x128xf32, #tpu.memory_space<vmem>>) target_semaphore(%run_scoped3A : memref<!tpu.dma_semaphore, #tpu.memory_space<semaphore_mem>>)
      %dma_wait3A = arith.constant 0 : i32
      %dma_wait3A_35 = arith.constant 0 : i32
      %dma_wait3A_36 = tpu.memref_slice %arg4[%add3A, %dma_wait3A, %dma_wait3A_35] : memref<32x80x128xf32, #tpu.memory_space<hbm>> -> memref<1x80x128xf32, #tpu.memory_space<hbm>>
      %dma_wait3A_37 = tpu.memref_squeeze %dma_wait3A_36 : memref<1x80x128xf32, #tpu.memory_space<hbm>> -> memref<80x128xf32, #tpu.memory_space<hbm>>
      %dma_wait3A_38 = arith.constant 0 : i32
      %dma_wait3A_39 = arith.constant 0 : i32
      %dma_wait3A_40 = tpu.memref_slice %arg4[%add3A, %dma_wait3A_38, %dma_wait3A_39] : memref<32x80x128xf32, #tpu.memory_space<hbm>> -> memref<1x80x128xf32, #tpu.memory_space<hbm>>
      %dma_wait3A_41 = tpu.memref_squeeze %dma_wait3A_40 : memref<1x80x128xf32, #tpu.memory_space<hbm>> -> memref<80x128xf32, #tpu.memory_space<hbm>>
      tpu.wait_dma2 semaphore(%run_scoped3A : memref<!tpu.dma_semaphore, #tpu.memory_space<semaphore_mem>>) src(%dma_wait3A_41 : memref<80x128xf32, #tpu.memory_space<hbm>>) dst(%arg10 : memref<80x128xf32, #tpu.memory_space<vmem>>)
      tpu.yield
    }) : () -> ()
    %barrier3A = arith.constant 0 : index
    tpu.barrier barrier_id(%barrier3A)
    %scan3A_20 = arith.constant 0 : i32
    %scan3A_21 = arith.constant 0 : i32
    %scan3A_22 = arith.constant 80 : i32
    %scan3A_23 = arith.addi %scan3A_21, %scan3A_22 : i32
    %scan3A_24 = arith.constant 1 : i32
    %scan3A_25 = scf.for %scan3A_28 = %scan3A_21 to %scan3A_23 step %scan3A_24 iter_args(%scan3A_29 = %scan3A_20) -> (i32)  : i32 {
      %dma_start3A = arith.constant 0 : i32
      %dma_start3A_30 = tpu.memref_slice %arg8[%scan3A_28, %dma_start3A] : memref<80x128xi32, #tpu.memory_space<vmem>> -> memref<1x128xi32, #tpu.memory_space<vmem>>
      %dma_start3A_31 = tpu.memref_squeeze %dma_start3A_30 : memref<1x128xi32, #tpu.memory_space<vmem>> -> memref<128xi32, #tpu.memory_space<vmem>>
      %dma_start3A_32 = arith.constant 0 : i32
      %dma_start3A_33 = arith.constant 0 : i32
      %dma_start3A_34 = tpu.memref_slice %arg5[%dma_start3A_32, %dma_start3A_33] : memref<10000x128xf32, #tpu.memory_space<hbm>> -> memref<10000x128xf32, #tpu.memory_space<hbm>>
      tpu.enqueue_indirect_dma source(%dma_start3A_34 : memref<10000x128xf32, #tpu.memory_space<hbm>>) target(%arg11 : memref<128x128xf32, #tpu.memory_space<vmem>>) offsets(%dma_start3A_31 : memref<128xi32, #tpu.memory_space<vmem>>) semaphore(%arg12 : memref<!tpu.dma_semaphore, #tpu.memory_space<semaphore_mem>>)
      %dma_wait3A = arith.constant 0 : i32
      %dma_wait3A_35 = tpu.memref_slice %arg8[%scan3A_28, %dma_wait3A] : memref<80x128xi32, #tpu.memory_space<vmem>> -> memref<1x128xi32, #tpu.memory_space<vmem>>
      %dma_wait3A_36 = tpu.memref_squeeze %dma_wait3A_35 : memref<1x128xi32, #tpu.memory_space<vmem>> -> memref<128xi32, #tpu.memory_space<vmem>>
      %dma_wait3A_37 = arith.constant 0 : i32
      %dma_wait3A_38 = arith.constant 0 : i32
      %dma_wait3A_39 = tpu.memref_slice %arg5[%dma_wait3A_37, %dma_wait3A_38] : memref<10000x128xf32, #tpu.memory_space<hbm>> -> memref<10000x128xf32, #tpu.memory_space<hbm>>
      tpu.wait_indirect_dma semaphore(%arg12 : memref<!tpu.dma_semaphore, #tpu.memory_space<semaphore_mem>>) src(%dma_wait3A_39 : memref<10000x128xf32, #tpu.memory_space<hbm>>) dst(%arg11 : memref<128x128xf32, #tpu.memory_space<vmem>>)
      %broadcast_in_dim3A_40 = vector.broadcast %scan3A_28 : i32 to vector<16xi32>
      %scan3A_41 = arith.constant 0 : i32
      %scan3A_42 = arith.constant 0 : i32
      %scan3A_43 = arith.constant 128 : i32
      %scan3A_44 = arith.addi %scan3A_42, %scan3A_43 : i32
      %scan3A_45 = arith.constant 1 : i32
      %scan3A_46 = scf.for %scan3A_49 = %scan3A_42 to %scan3A_44 step %scan3A_45 iter_args(%scan3A_50 = %scan3A_41) -> (i32)  : i32 {
        %broadcast_in_dim3A_51 = vector.broadcast %scan3A_49 : i32 to vector<16xi32>
        %gather3A = tpu.vector_load_idx %arg10[%broadcast_in_dim3A_40, %broadcast_in_dim3A_51] : memref<80x128xf32, #tpu.memory_space<vmem>>[vector<16xi32>, vector<16xi32>], vector<16xf32>,
        %get3A = arith.index_cast %scan3A_49 : i32 to index
        %get3A_52 = arith.constant 0 : index
        %get3A_53 = tpu.vector_load %arg11[%get3A, %get3A_52] {strides = array<i32>} : memref<128x128xf32, #tpu.memory_space<vmem>>, vector<16xf32>,
        %mul3A_54 = arith.mulf %get3A_53, %gather3A : vector<16xf32>
        %swap3A = arith.index_cast %scan3A_49 : i32 to index
        %swap3A_55 = arith.constant 0 : index
        %swap3A_56 = tpu.vector_load %arg11[%swap3A, %swap3A_55] {strides = array<i32>} : memref<128x128xf32, #tpu.memory_space<vmem>>, vector<16xf32>,
        tpu.vector_store %arg11[%swap3A, %swap3A_55], %mul3A_54 {strides = array<i32>} : memref<128x128xf32, #tpu.memory_space<vmem>>, vector<16xf32>,
        %get3A_57 = arith.index_cast %scan3A_49 : i32 to index
        %get3A_58 = arith.constant 16 : index
        %get3A_59 = tpu.vector_load %arg11[%get3A_57, %get3A_58] {strides = array<i32>} : memref<128x128xf32, #tpu.memory_space<vmem>>, vector<16xf32>,
        %mul3A_60 = arith.mulf %get3A_59, %gather3A : vector<16xf32>
        %swap3A_61 = arith.index_cast %scan3A_49 : i32 to index
        %swap3A_62 = arith.constant 16 : index
        %swap3A_63 = tpu.vector_load %arg11[%swap3A_61, %swap3A_62] {strides = array<i32>} : memref<128x128xf32, #tpu.memory_space<vmem>>, vector<16xf32>,
        tpu.vector_store %arg11[%swap3A_61, %swap3A_62], %mul3A_60 {strides = array<i32>} : memref<128x128xf32, #tpu.memory_space<vmem>>, vector<16xf32>,
        %get3A_64 = arith.index_cast %scan3A_49 : i32 to index
        %get3A_65 = arith.constant 32 : index
        %get3A_66 = tpu.vector_load %arg11[%get3A_64, %get3A_65] {strides = array<i32>} : memref<128x128xf32, #tpu.memory_space<vmem>>, vector<16xf32>,
        %mul3A_67 = arith.mulf %get3A_66, %gather3A : vector<16xf32>
        %swap3A_68 = arith.index_cast %scan3A_49 : i32 to index
        %swap3A_69 = arith.constant 32 : index
        %swap3A_70 = tpu.vector_load %arg11[%swap3A_68, %swap3A_69] {strides = array<i32>} : memref<128x128xf32, #tpu.memory_space<vmem>>, vector<16xf32>,
        tpu.vector_store %arg11[%swap3A_68, %swap3A_69], %mul3A_67 {strides = array<i32>} : memref<128x128xf32, #tpu.memory_space<vmem>>, vector<16xf32>,
        %get3A_71 = arith.index_cast %scan3A_49 : i32 to index
        %get3A_72 = arith.constant 48 : index
        %get3A_73 = tpu.vector_load %arg11[%get3A_71, %get3A_72] {strides = array<i32>} : memref<128x128xf32, #tpu.memory_space<vmem>>, vector<16xf32>,
        %mul3A_74 = arith.mulf %get3A_73, %gather3A : vector<16xf32>
        %swap3A_75 = arith.index_cast %scan3A_49 : i32 to index
        %swap3A_76 = arith.constant 48 : index
        %swap3A_77 = tpu.vector_load %arg11[%swap3A_75, %swap3A_76] {strides = array<i32>} : memref<128x128xf32, #tpu.memory_space<vmem>>, vector<16xf32>,
        tpu.vector_store %arg11[%swap3A_75, %swap3A_76], %mul3A_74 {strides = array<i32>} : memref<128x128xf32, #tpu.memory_space<vmem>>, vector<16xf32>,
        %get3A_78 = arith.index_cast %scan3A_49 : i32 to index
        %get3A_79 = arith.constant 64 : index
        %get3A_80 = tpu.vector_load %arg11[%get3A_78, %get3A_79] {strides = array<i32>} : memref<128x128xf32, #tpu.memory_space<vmem>>, vector<16xf32>,
        %mul3A_81 = arith.mulf %get3A_80, %gather3A : vector<16xf32>
        %swap3A_82 = arith.index_cast %scan3A_49 : i32 to index
        %swap3A_83 = arith.constant 64 : index
        %swap3A_84 = tpu.vector_load %arg11[%swap3A_82, %swap3A_83] {strides = array<i32>} : memref<128x128xf32, #tpu.memory_space<vmem>>, vector<16xf32>,
        tpu.vector_store %arg11[%swap3A_82, %swap3A_83], %mul3A_81 {strides = array<i32>} : memref<128x128xf32, #tpu.memory_space<vmem>>, vector<16xf32>,
        %get3A_85 = arith.index_cast %scan3A_49 : i32 to index
        %get3A_86 = arith.constant 80 : index
        %get3A_87 = tpu.vector_load %arg11[%get3A_85, %get3A_86] {strides = array<i32>} : memref<128x128xf32, #tpu.memory_space<vmem>>, vector<16xf32>,
        %mul3A_88 = arith.mulf %get3A_87, %gather3A : vector<16xf32>
        %swap3A_89 = arith.index_cast %scan3A_49 : i32 to index
        %swap3A_90 = arith.constant 80 : index
        %swap3A_91 = tpu.vector_load %arg11[%swap3A_89, %swap3A_90] {strides = array<i32>} : memref<128x128xf32, #tpu.memory_space<vmem>>, vector<16xf32>,
        tpu.vector_store %arg11[%swap3A_89, %swap3A_90], %mul3A_88 {strides = array<i32>} : memref<128x128xf32, #tpu.memory_space<vmem>>, vector<16xf32>,
        %get3A_92 = arith.index_cast %scan3A_49 : i32 to index
        %get3A_93 = arith.constant 96 : index
        %get3A_94 = tpu.vector_load %arg11[%get3A_92, %get3A_93] {strides = array<i32>} : memref<128x128xf32, #tpu.memory_space<vmem>>, vector<16xf32>,
        %mul3A_95 = arith.mulf %get3A_94, %gather3A : vector<16xf32>
        %swap3A_96 = arith.index_cast %scan3A_49 : i32 to index
        %swap3A_97 = arith.constant 96 : index
        %swap3A_98 = tpu.vector_load %arg11[%swap3A_96, %swap3A_97] {strides = array<i32>} : memref<128x128xf32, #tpu.memory_space<vmem>>, vector<16xf32>,
        tpu.vector_store %arg11[%swap3A_96, %swap3A_97], %mul3A_95 {strides = array<i32>} : memref<128x128xf32, #tpu.memory_space<vmem>>, vector<16xf32>,
        %get3A_99 = arith.index_cast %scan3A_49 : i32 to index
        %get3A_100 = arith.constant 112 : index
        %get3A_101 = tpu.vector_load %arg11[%get3A_99, %get3A_100] {strides = array<i32>} : memref<128x128xf32, #tpu.memory_space<vmem>>, vector<16xf32>,
        %mul3A_102 = arith.mulf %get3A_101, %gather3A : vector<16xf32>
        %swap3A_103 = arith.index_cast %scan3A_49 : i32 to index
        %swap3A_104 = arith.constant 112 : index
        %swap3A_105 = tpu.vector_load %arg11[%swap3A_103, %swap3A_104] {strides = array<i32>} : memref<128x128xf32, #tpu.memory_space<vmem>>, vector<16xf32>,
        tpu.vector_store %arg11[%swap3A_103, %swap3A_104], %mul3A_102 {strides = array<i32>} : memref<128x128xf32, #tpu.memory_space<vmem>>, vector<16xf32>,
        %scan3A_106 = arith.constant 0 : i32
        scf.yield %scan3A_106 : i32
      }
      %scan3A_47 = arith.constant 128 : i32
      "tpu.region"() ({
        %run_scoped3A = tpu.sem_alloc : memref<!tpu.dma_semaphore, #tpu.memory_space<semaphore_mem>>
        %dma_start3A_49 = arith.constant 0 : i32
        %dma_start3A_50 = tpu.memref_slice %arg9[%scan3A_28, %dma_start3A_49] : memref<80x128xi32, #tpu.memory_space<vmem>> -> memref<1x128xi32, #tpu.memory_space<vmem>>
        %dma_start3A_51 = tpu.memref_squeeze %dma_start3A_50 : memref<1x128xi32, #tpu.memory_space<vmem>> -> memref<128xi32, #tpu.memory_space<vmem>>
        %dma_start3A_52 = arith.constant 0 : i32
        %dma_start3A_53 = arith.constant 0 : i32
        %dma_start3A_54 = tpu.memref_slice %arg7[%dma_start3A_52, %dma_start3A_53] : memref<10240x128xf32, #tpu.memory_space<vmem_shared>> -> memref<10240x128xf32, #tpu.memory_space<vmem_shared>>
        tpu.enqueue_indirect_dma source(%arg11 : memref<128x128xf32, #tpu.memory_space<vmem>>) target(%dma_start3A_54 : memref<10240x128xf32, #tpu.memory_space<vmem_shared>>) offsets(%dma_start3A_51 : memref<128xi32, #tpu.memory_space<vmem>>) semaphore(%run_scoped3A : memref<!tpu.dma_semaphore, #tpu.memory_space<semaphore_mem>>) {add = true}
        %dma_wait3A_55 = arith.constant 0 : i32
        %dma_wait3A_56 = tpu.memref_slice %arg9[%scan3A_28, %dma_wait3A_55] : memref<80x128xi32, #tpu.memory_space<vmem>> -> memref<1x128xi32, #tpu.memory_space<vmem>>
        %dma_wait3A_57 = tpu.memref_squeeze %dma_wait3A_56 : memref<1x128xi32, #tpu.memory_space<vmem>> -> memref<128xi32, #tpu.memory_space<vmem>>
        %dma_wait3A_58 = arith.constant 0 : i32
        %dma_wait3A_59 = arith.constant 0 : i32
        %dma_wait3A_60 = tpu.memref_slice %arg7[%dma_wait3A_58, %dma_wait3A_59] : memref<10240x128xf32, #tpu.memory_space<vmem_shared>> -> memref<10240x128xf32, #tpu.memory_space<vmem_shared>>
        tpu.wait_indirect_dma semaphore(%run_scoped3A : memref<!tpu.dma_semaphore, #tpu.memory_space<semaphore_mem>>) src(%arg11 : memref<128x128xf32, #tpu.memory_space<vmem>>) dst(%dma_wait3A_60 : memref<10240x128xf32, #tpu.memory_space<vmem_shared>>)
        tpu.yield
      }) : () -> ()
      %scan3A_48 = arith.constant 0 : i32
      scf.yield %scan3A_48 : i32
    }
    %scan3A_26 = arith.constant 80 : i32
    %barrier3A_27 = arith.constant 0 : index
    tpu.barrier barrier_id(%barrier3A_27)
    "tpu.region"() ({
      %run_scoped3A = tpu.sem_alloc : memref<!tpu.dma_semaphore, #tpu.memory_space<semaphore_mem>>
      %dma_start3A = arith.constant 0 : i32
      %dma_start3A_28 = tpu.memref_slice %arg6[%arg0, %multiple_of3A, %dma_start3A] : memref<2x10240x128xf32, #tpu.memory_space<hbm>> -> memref<1x640x128xf32, #tpu.memory_space<hbm>>
      %dma_start3A_29 = tpu.memref_squeeze %dma_start3A_28 : memref<1x640x128xf32, #tpu.memory_space<hbm>> -> memref<640x128xf32, #tpu.memory_space<hbm>>
      %dma_start3A_30 = arith.constant 0 : i32
      %dma_start3A_31 = tpu.memref_slice %arg7[%multiple_of3A, %dma_start3A_30] : memref<10240x128xf32, #tpu.memory_space<vmem_shared>> -> memref<640x128xf32, #tpu.memory_space<vmem_shared>>
      tpu.enqueue_dma source(%dma_start3A_31 : memref<640x128xf32, #tpu.memory_space<vmem_shared>>) target(%dma_start3A_29 : memref<640x128xf32, #tpu.memory_space<hbm>>) target_semaphore(%run_scoped3A : memref<!tpu.dma_semaphore, #tpu.memory_space<semaphore_mem>>)
      %dma_wait3A = arith.constant 0 : i32
      %dma_wait3A_32 = tpu.memref_slice %arg6[%arg0, %multiple_of3A, %dma_wait3A] : memref<2x10240x128xf32, #tpu.memory_space<hbm>> -> memref<1x640x128xf32, #tpu.memory_space<hbm>>
      %dma_wait3A_33 = tpu.memref_squeeze %dma_wait3A_32 : memref<1x640x128xf32, #tpu.memory_space<hbm>> -> memref<640x128xf32, #tpu.memory_space<hbm>>
      %dma_wait3A_34 = arith.constant 0 : i32
      %dma_wait3A_35 = tpu.memref_slice %arg7[%multiple_of3A, %dma_wait3A_34] : memref<10240x128xf32, #tpu.memory_space<vmem_shared>> -> memref<640x128xf32, #tpu.memory_space<vmem_shared>>
      tpu.wait_dma2 semaphore(%run_scoped3A : memref<!tpu.dma_semaphore, #tpu.memory_space<semaphore_mem>>) src(%dma_wait3A_35 : memref<640x128xf32, #tpu.memory_space<vmem_shared>>) dst(%dma_wait3A_33 : memref<640x128xf32, #tpu.memory_space<hbm>>)
      tpu.yield
    }) : () -> ()
    return
  }
}

module attributes {stable_mosaic.version = 14 : i64} {
  func.func @_combine_body(%arg0: i32, %arg1: memref<2x1000x128xf32, #tpu.memory_space<vmem>>, %arg2: memref<1000x128xf32, #tpu.memory_space<vmem>>, %arg3: memref<1000x128xf32, #tpu.memory_space<vmem>>, %arg4: memref<1000x128xf32, #tpu.memory_space<vmem>>) attributes {dimension_semantics = [#tpu.dimension_semantics<arbitrary>], iteration_bounds = array<i64: 10>, scalar_prefetch = 0 : i64, scratch_operands = 0 : i64, tpu.core_type = #tpu.core_type<tc>, window_params = [{transform_indices = @transform_0, window_bounds = array<i64: 2, 1000, 128>}, {transform_indices = @transform_1, window_bounds = array<i64: 1000, 128>}, {transform_indices = @transform_2, window_bounds = array<i64: 1000, 128>}, {transform_indices = @transform_3, window_bounds = array<i64: 1000, 128>}]} {
    %get3A = arith.constant 0 : index
    %get3A_0 = arith.constant 0 : index
    %get3A_1 = arith.constant 0 : index
    %get3A_2 = vector.load %arg1[%get3A, %get3A_0, %get3A_1] : memref<2x1000x128xf32, #tpu.memory_space<vmem>>, vector<2x1000x128xf32>
    %slice3A = vector.extract_strided_slice %get3A_2 {offsets = [0, 0, 0], sizes = [1, 1000, 128], strides = [1, 1, 1]} : vector<2x1000x128xf32> to vector<1x1000x128xf32>
    %squeeze3A = vector.shape_cast %slice3A : vector<1x1000x128xf32> to vector<1000x128xf32>
    %slice3A_3 = vector.extract_strided_slice %get3A_2 {offsets = [1, 0, 0], sizes = [1, 1000, 128], strides = [1, 1, 1]} : vector<2x1000x128xf32> to vector<1x1000x128xf32>
    %squeeze3A_4 = vector.shape_cast %slice3A_3 : vector<1x1000x128xf32> to vector<1000x128xf32>
    %add3A = arith.addf %squeeze3A, %squeeze3A_4 : vector<1000x128xf32>
    %swap3A = arith.constant 0 : index
    %swap3A_5 = arith.constant 0 : index
    %swap3A_6 = vector.load %arg3[%swap3A, %swap3A_5] : memref<1000x128xf32, #tpu.memory_space<vmem>>, vector<1000x128xf32>
    tpu.vector_store %arg3[%swap3A, %swap3A_5], %add3A {strides = array<i32>} : memref<1000x128xf32, #tpu.memory_space<vmem>>, vector<1000x128xf32>,
    %get3A_7 = arith.constant 0 : index
    %get3A_8 = arith.constant 0 : index
    %get3A_9 = vector.load %arg2[%get3A_7, %get3A_8] : memref<1000x128xf32, #tpu.memory_space<vmem>>, vector<1000x128xf32>
    %add3A_10 = arith.addf %get3A_9, %add3A : vector<1000x128xf32>
    %mul3A = arith.constant 1.000000e+00 : f32
    %mul3A_11 = vector.broadcast %mul3A : f32 to vector<1000x128xf32>
    %mul3A_12 = arith.mulf %add3A_10, %mul3A_11 : vector<1000x128xf32>
    %swap3A_13 = arith.constant 0 : index
    %swap3A_14 = arith.constant 0 : index
    %swap3A_15 = vector.load %arg4[%swap3A_13, %swap3A_14] : memref<1000x128xf32, #tpu.memory_space<vmem>>, vector<1000x128xf32>
    tpu.vector_store %arg4[%swap3A_13, %swap3A_14], %mul3A_12 {strides = array<i32>} : memref<1000x128xf32, #tpu.memory_space<vmem>>, vector<1000x128xf32>,
    return
  }
  func.func @transform_0(%arg0: i32) -> (i32, i32, i32) {
    %c0_i32 = arith.constant 0 : i32
    %c0_i32_0 = arith.constant 0 : i32
    %c0_i32_1 = arith.constant 0 : i32
    return %c0_i32, %arg0, %c0_i32_0 : i32, i32, i32
  }
  func.func @transform_1(%arg0: i32) -> (i32, i32) {
    %c0_i32 = arith.constant 0 : i32
    %c0_i32_0 = arith.constant 0 : i32
    return %arg0, %c0_i32 : i32, i32
  }
  func.func @transform_2(%arg0: i32) -> (i32, i32) {
    %c0_i32 = arith.constant 0 : i32
    %c0_i32_0 = arith.constant 0 : i32
    return %arg0, %c0_i32 : i32, i32
  }
  func.func @transform_3(%arg0: i32) -> (i32, i32) {
    %c0_i32 = arith.constant 0 : i32
    %c0_i32_0 = arith.constant 0 : i32
    return %arg0, %c0_i32 : i32, i32
  }
}

module attributes {stable_mosaic.version = 14 : i64} {
  func.func @_dis_body(%arg0: memref<2x80x128xf32, #tpu.memory_space<vmem>>, %arg1: memref<80x128xf32, #tpu.memory_space<vmem>>) attributes {dimension_semantics = [], scalar_prefetch = 0 : i64, scratch_operands = 0 : i64, tpu.core_type = #tpu.core_type<tc>} {
    %get3A = arith.constant 0 : index
    %get3A_0 = arith.constant 0 : index
    %get3A_1 = arith.constant 0 : index
    %get3A_2 = vector.load %arg0[%get3A, %get3A_0, %get3A_1] : memref<2x80x128xf32, #tpu.memory_space<vmem>>, vector<1x80x128xf32>
    %get3A_3 = vector.shape_cast %get3A_2 : vector<1x80x128xf32> to vector<80x128xf32>
    %get3A_4 = arith.constant 1 : index
    %get3A_5 = arith.constant 0 : index
    %get3A_6 = arith.constant 0 : index
    %get3A_7 = vector.load %arg0[%get3A_4, %get3A_5, %get3A_6] : memref<2x80x128xf32, #tpu.memory_space<vmem>>, vector<1x80x128xf32>
    %get3A_8 = vector.shape_cast %get3A_7 : vector<1x80x128xf32> to vector<80x128xf32>
    %add3A = arith.addf %get3A_3, %get3A_8 : vector<80x128xf32>
    %gt3A = arith.constant 0.000000e+00 : f32
    %gt3A_9 = vector.broadcast %gt3A : f32 to vector<80x128xf32>
    %gt3A_10 = arith.cmpf ogt, %add3A, %gt3A_9 : vector<80x128xf32>
    %jit3A = arith.constant 1.000000e+00 : f32
    %broadcast_in_dim3A = vector.broadcast %jit3A : f32 to vector<80x128xf32>
    %select_n3A = arith.select %gt3A_10, %add3A, %broadcast_in_dim3A : vector<80x128xi1>, vector<80x128xf32>
    %rsqrt3A = math.rsqrt %select_n3A : vector<80x128xf32>
    %jit3A_11 = arith.constant 0.000000e+00 : f32
    %broadcast_in_dim3A_12 = vector.broadcast %jit3A_11 : f32 to vector<80x128xf32>
    %select_n3A_13 = arith.select %gt3A_10, %rsqrt3A, %broadcast_in_dim3A_12 : vector<80x128xi1>, vector<80x128xf32>
    %swap3A = arith.constant 0 : index
    %swap3A_14 = arith.constant 0 : index
    %swap3A_15 = vector.load %arg1[%swap3A, %swap3A_14] : memref<80x128xf32, #tpu.memory_space<vmem>>, vector<80x128xf32>
    tpu.vector_store %arg1[%swap3A, %swap3A_14], %select_n3A_13 {strides = array<i32>} : memref<80x128xf32, #tpu.memory_space<vmem>>, vector<80x128xf32>,
    return
  }
}

module attributes {stable_mosaic.version = 14 : i64} {
  func.func @_combine_body(%arg0: i32, %arg1: memref<2x1000x128xf32, #tpu.memory_space<vmem>>, %arg2: memref<1000x128xf32, #tpu.memory_space<vmem>>, %arg3: memref<1000x128xf32, #tpu.memory_space<vmem>>, %arg4: memref<1000x128xf32, #tpu.memory_space<vmem>>) attributes {dimension_semantics = [#tpu.dimension_semantics<arbitrary>], iteration_bounds = array<i64: 10>, scalar_prefetch = 0 : i64, scratch_operands = 0 : i64, tpu.core_type = #tpu.core_type<tc>, window_params = [{transform_indices = @transform_0, window_bounds = array<i64: 2, 1000, 128>}, {transform_indices = @transform_1, window_bounds = array<i64: 1000, 128>}, {transform_indices = @transform_2, window_bounds = array<i64: 1000, 128>}, {transform_indices = @transform_3, window_bounds = array<i64: 1000, 128>}]} {
    %get3A = arith.constant 0 : index
    %get3A_0 = arith.constant 0 : index
    %get3A_1 = arith.constant 0 : index
    %get3A_2 = vector.load %arg1[%get3A, %get3A_0, %get3A_1] : memref<2x1000x128xf32, #tpu.memory_space<vmem>>, vector<2x1000x128xf32>
    %slice3A = vector.extract_strided_slice %get3A_2 {offsets = [0, 0, 0], sizes = [1, 1000, 128], strides = [1, 1, 1]} : vector<2x1000x128xf32> to vector<1x1000x128xf32>
    %squeeze3A = vector.shape_cast %slice3A : vector<1x1000x128xf32> to vector<1000x128xf32>
    %slice3A_3 = vector.extract_strided_slice %get3A_2 {offsets = [1, 0, 0], sizes = [1, 1000, 128], strides = [1, 1, 1]} : vector<2x1000x128xf32> to vector<1x1000x128xf32>
    %squeeze3A_4 = vector.shape_cast %slice3A_3 : vector<1x1000x128xf32> to vector<1000x128xf32>
    %add3A = arith.addf %squeeze3A, %squeeze3A_4 : vector<1000x128xf32>
    %swap3A = arith.constant 0 : index
    %swap3A_5 = arith.constant 0 : index
    %swap3A_6 = vector.load %arg3[%swap3A, %swap3A_5] : memref<1000x128xf32, #tpu.memory_space<vmem>>, vector<1000x128xf32>
    tpu.vector_store %arg3[%swap3A, %swap3A_5], %add3A {strides = array<i32>} : memref<1000x128xf32, #tpu.memory_space<vmem>>, vector<1000x128xf32>,
    %get3A_7 = arith.constant 0 : index
    %get3A_8 = arith.constant 0 : index
    %get3A_9 = vector.load %arg2[%get3A_7, %get3A_8] : memref<1000x128xf32, #tpu.memory_space<vmem>>, vector<1000x128xf32>
    %add3A_10 = arith.addf %get3A_9, %add3A : vector<1000x128xf32>
    %mul3A = arith.constant 2.500000e-01 : f32
    %mul3A_11 = vector.broadcast %mul3A : f32 to vector<1000x128xf32>
    %mul3A_12 = arith.mulf %add3A_10, %mul3A_11 : vector<1000x128xf32>
    %swap3A_13 = arith.constant 0 : index
    %swap3A_14 = arith.constant 0 : index
    %swap3A_15 = vector.load %arg4[%swap3A_13, %swap3A_14] : memref<1000x128xf32, #tpu.memory_space<vmem>>, vector<1000x128xf32>
    tpu.vector_store %arg4[%swap3A_13, %swap3A_14], %mul3A_12 {strides = array<i32>} : memref<1000x128xf32, #tpu.memory_space<vmem>>, vector<1000x128xf32>,
    return
  }
  func.func @transform_0(%arg0: i32) -> (i32, i32, i32) {
    %c0_i32 = arith.constant 0 : i32
    %c0_i32_0 = arith.constant 0 : i32
    %c0_i32_1 = arith.constant 0 : i32
    return %c0_i32, %arg0, %c0_i32_0 : i32, i32, i32
  }
  func.func @transform_1(%arg0: i32) -> (i32, i32) {
    %c0_i32 = arith.constant 0 : i32
    %c0_i32_0 = arith.constant 0 : i32
    return %arg0, %c0_i32 : i32, i32
  }
  func.func @transform_2(%arg0: i32) -> (i32, i32) {
    %c0_i32 = arith.constant 0 : i32
    %c0_i32_0 = arith.constant 0 : i32
    return %arg0, %c0_i32 : i32, i32
  }
  func.func @transform_3(%arg0: i32) -> (i32, i32) {
    %c0_i32 = arith.constant 0 : i32
    %c0_i32_0 = arith.constant 0 : i32
    return %arg0, %c0_i32 : i32, i32
  }
}

</mosaic_0001>

<sc_bundles>
// kernel: kernel.11.cloned.1.call-start
scs
__scs_entry_jumppad:
0x0: {  	(pc) =	sbr.rel $0x88, $3  }
0x1: {  	(tag) =	ssettag $0x0;
	lr =	simm.s32 $0x1  }
0x2: {  	[smem:$0x3F9E] =	sst lr;
	_ =	strace $0xD0000000  }
0x3: {  	_ = 	snop  }
0x4: {  	_ = 	snop  }
0x5: {  	_ = 	snop  }
0x6: {  	_ = 	snop  }
0x7: {  	_ = 	snop  }
__scs_overlays_trampoline_lowered:
0x8: {  	[smem:$0x3FAD] =	sst s0  }
0x9: {  	[smem:$0x3FAE] =	sst s1  }
0xa: {  	[smem:$0x3FAF] =	sst s2  }
0xb: {  	[smem:$0x3FB0] =	sst s3  }
0xc: {  	[smem:$0x3FB1] =	sst s4  }
0xd: {  	[smem:$0x3FB2] =	sst s5  }
0xe: {  	[smem:$0x3FB3] =	sst s6  }
0xf: {  	[smem:$0x3FB4] =	sst s7  }
0x10: {  	[smem:$0x3FB5] =	sst s8  }
0x11: {  	[smem:$0x3FB6] =	sst s9;
	s0 =	simm.s32 @!p0 $0x0  }
0x12: {  	s1 =	sld [smem:$0x3F9C];
	s0 =	simm.s32 @p0 $0x1  }
0x13: {  	[smem:$0x3FB7] =	sst s0;
	s0 =	simm.s32 @!p1 $0x0  }
0x14: {  	s2 =	sld [smem:$0x3F9B];
	s0 =	simm.s32 @p1 $0x1  }
0x15: {  	[smem:$0x3FB8] =	sst s0;
	s0 =	simm.s32 @!p2 $0x0  }
0x16: {  	s3 =	sld [smem:$0x3FDB];
	s0 =	simm.s32 @p2 $0x1  }
0x17: {  	s4 =	simm.s32 $0x1BF5;
	[smem:$0x3FBA] =	sst s0  }
0x18: {  	s0 =	sld [smem:$0x3F9D];
	_ =	swait.ge [sflag:s4], $0x0  }
0x19: {  	s7 =	sld [smem:$0x3F9E]  }
0x1a: {  	s8 =	sadd.s32 $0xFFFFE003, lr  }
0x1b: {  	s9 =	sadd.s32 $0xFFFFFEF7, lr;
	s5 =	simm.s32 $0xFFFFFFFF;
	p2 =	slt.u32 s8, $0xFFFFF086  }
0x1c: {  	p1 =	slt.u32 s9, $0xF7A;
	s5 =	simm.s32 @!p2 $0x0  }
0x1d: {  	s5 =	simm.s32 @p1 $0x1;
	p0 =	seq.s32 s7, s2  }
0x1e: {  	s7 =	smul.u32 @!p0 $0xF7A, s2;
	p2 =	seq.s32 @!p0 s5, $0x0  }
0x1f: {  	s9 =	smul.u32 $0xF7A, s1;
	s8 =	simm.s32 @!p0 $0x1BF5;
	p2 =	por !p2, p0  }
0x20: {  	[sflag:s8] =	ssyncset.s32 @!p0 $0xFFFFF086;
	s6 =	sadd.s32 @!p0 s3, s7;
	s7 =	simm.s32 @!p0 $0x108  }
0x21: {  	s3 =	sadd.s32 s3, s9;
	s6 =	sadd.s32 @!p0 $0x88, s6;
	s7 =	simm.s32 @p2 $0x1082  }
0x22: {  	[simem:s7], [sflag:s8] =	dma.local @!p0 [hbm:s6], $0xF7A  }
0x23: {  	s9 =	sor.u32 $0xD0000000, s2;
	s6 =	simm.s32 $0x108;
	_ =	swait.ge @!p0 [sflag:s8], $0x0  }
0x24: {  	s3 =	sadd.s32 $0x88, s3;
	s6 =	simm.s32 @!p1 $0x1082;
	[sflag:s4] =	ssyncset.s32 $0xFFFFF086  }
0x25: {  	[simem:s6], [sflag:s4] =	dma.local [hbm:s3], $0xF7A  }
0x26: {  	[smem:$0x3F9E] =	sst s1;
	(tag) =	ssettag s2;
	_ =	strace s9  }
0x27: {  	s1 =	sld [smem:$0x3FAE]  }
0x28: {  	s2 =	sld [smem:$0x3FAF]  }
0x29: {  	s4 =	sld [smem:$0x3FB1]  }
0x2a: {  	p0 =	seq.s32 s5, $0x0;
	s5 =	sld [smem:$0x3FB2]  }
0x2b: {  	s6 =	sld [smem:$0x3FB3]  }
0x2c: {  	s7 =	sld [smem:$0x3FB4]  }
0x2d: {  	s3 =	simm.s32 $0x108;
	s8 =	sld [smem:$0x3FB5]  }
0x2e: {  	s3 =	simm.s32 @!p0 $0x1082;
	s9 =	sld [smem:$0x3FB6]  }
0x2f: {  	lr =	sadd.s32 s0, s3;
	s0 =	sld [smem:$0x3FAD]  }
0x30: {  	s3 =	sld [smem:$0x3FB0]  }
0x31: {  	[smem:$0x3FB9] =	sst s10  }
0x32: {  	s10 =	sld [smem:$0x3FB7];
	_ =	sdelay $0x3  }
0x33: {  	p0 =	seq.s32 s10, $0x1;
	s10 =	sld [smem:$0x3FB9];
	_ =	sdelay $0x3  }
0x34: {  	[smem:$0x3FB9] =	sst s10  }
0x35: {  	s10 =	sld [smem:$0x3FB8];
	_ =	sdelay $0x3  }
0x36: {  	p1 =	seq.s32 s10, $0x1;
	s10 =	sld [smem:$0x3FB9];
	_ =	sdelay $0x3  }
0x37: {  	[smem:$0x3FB9] =	sst s10  }
0x38: {  	s10 =	sld [smem:$0x3FBA]  }
0x39: {  	_ = 	snop;
	(pc) =	sbr.ind lr, $3  }
0x3a: {  	_ = 	snop  }
0x3b: {  	_ = 	snop  }
0x3c: {  	p2 =	seq.s32 s10, $0x1;
	s10 =	sld [smem:$0x3FB9]  }
0x3d: {  	_ =	shalt  }
0x3e: {  	_ =	shalt  }
0x3f: {  	_ =	shalt  }
0x40: {  	_ =	shalt  }
0x41: {  	_ =	shalt  }
0x42: {  	_ =	shalt  }
0x43: {  	_ =	shalt  }
0x44: {  	_ =	shalt  }
0x45: {  	_ =	shalt  }
0x46: {  	_ =	shalt  }
0x47: {  	_ =	shalt  }
0x48: {  	_ =	shalt  }
0x49: {  	_ =	shalt  }
0x4a: {  	_ =	shalt  }
0x4b: {  	_ =	shalt  }
0x4c: {  	_ =	shalt  }
0x4d: {  	_ =	shalt  }
0x4e: {  	_ =	shalt  }
0x4f: {  	_ =	shalt  }
0x50: {  	_ =	shalt  }
0x51: {  	_ =	shalt  }
0x52: {  	_ =	shalt  }
0x53: {  	_ =	shalt  }
0x54: {  	_ =	shalt  }
0x55: {  	_ =	shalt  }
0x56: {  	_ =	shalt  }
0x57: {  	_ =	shalt  }
0x58: {  	_ =	shalt  }
0x59: {  	_ =	shalt  }
0x5a: {  	_ =	shalt  }
0x5b: {  	_ =	shalt  }
0x5c: {  	_ =	shalt  }
0x5d: {  	_ =	shalt  }
0x5e: {  	_ =	shalt  }
0x5f: {  	_ =	shalt  }
0x60: {  	_ =	shalt  }
0x61: {  	_ =	shalt  }
0x62: {  	_ =	shalt  }
0x63: {  	_ =	shalt  }
0x64: {  	_ =	shalt  }
0x65: {  	_ =	shalt  }
0x66: {  	_ =	shalt  }
0x67: {  	_ =	shalt  }
0x68: {  	_ =	shalt  }
0x69: {  	_ =	shalt  }
0x6a: {  	_ =	shalt  }
0x6b: {  	_ =	shalt  }
0x6c: {  	_ =	shalt  }
0x6d: {  	_ =	shalt  }
0x6e: {  	_ =	shalt  }
0x6f: {  	_ =	shalt  }
0x70: {  	_ =	shalt  }
0x71: {  	_ =	shalt  }
0x72: {  	_ =	shalt  }
0x73: {  	_ =	shalt  }
0x74: {  	_ =	shalt  }
0x75: {  	_ =	shalt  }
0x76: {  	_ =	shalt  }
0x77: {  	_ =	shalt  }
0x78: {  	_ =	shalt  }
0x79: {  	_ =	shalt  }
0x7a: {  	_ =	shalt  }
0x7b: {  	_ =	shalt  }
0x7c: {  	_ =	shalt  }
0x7d: {  	_ =	shalt  }
0x7e: {  	_ =	shalt  }
0x7f: {  	_ =	shalt  }
0x80: {  	_ =	shalt  }
0x81: {  	_ =	shalt  }
0x82: {  	_ =	shalt  }
0x83: {  	_ =	shalt  }
0x84: {  	_ =	shalt  }
0x85: {  	_ =	shalt  }
0x86: {  	_ =	shalt  }
0x87: {  	_ =	shalt  }
.Lfunc_end0:
.L_simem_size_0:
called_computation_lowered:
.L_overlay_start_0:
0x88: {  	s2 =	sld [smem:$0x3FD9]  }
0x89: {  	s3 =	sld [smem:$0x3FFE];
	_ =	sdelay $0x1  }
0x8a: {  	s1 =	srdreg.scid  }
0x8b: {  	s0 =	sand.u32 $0x1, s1  }
0x8c: {  	s16 =	sshll.u32 s0, $0xA;
	s2 =	sadd.s32 s3, s2  }
0x8d: {  	s2 =	sadd.s32 s2, s16  }
0x8e: {  	[smem:$0x3FC5] =	sst s2  }
0x8f: {  	_ = 	snop  }
0x90: {  	(tm) =	ssettm $0x1  }
0x91: {  	s17 =	sld [smem:$0x3FFB];
	_ =	sdelay $0x3  }
0x92: {  	_ =	strace s17  }
0x93: {  	s2 =	sld [smem:$0x3FFC];
	_ =	sdelay $0x3  }
0x94: {  	_ =	strace s2  }
0x95: {  	s2 =	sld [smem:$0x3FFD];
	_ =	sdelay $0x3  }
0x96: {  	_ =	strace s2  }
0x97: {  	_ =	strace $0x8FFFFFFF  }
0x98: {  	s18 =	sld [smem:$0x3FDB];
	_ =	sdelay $0x1  }
0x99: {  	s19 =	simm.s32 $_scs_section_size  }
0x9a: {  	s4 =	simm.s32 $_size__tile_overlayer_lowered;
	s5 =	simm.s32 $_tile_overlayer_lowered  }
0x9b: {  	s22 =	simm.s32 $0x1BFF;
	s21 =	sshll.u32 s5, $0x1;
	s2 =	sadd.s32 s19, s18  }
0x9c: {  	s6 =	simm.s32 $0x0;
	s20 =	sshll.u32 s4, $0x1;
	s4 =	sadd.s32 s21, s2  }
0x9d: {  	[timem:s6], [sflag:s22] =	dma.local [hbm:s4], s20  }
0x9e: {  	_ =	swait.ge [sflag:s22], s20  }
0x9f: {  	s3 =	ssub.s32 $0x0, s20;
	[sflag:s22] =	ssyncset.done $0x0  }
0xa0: {  	[sflag:s22] =	ssyncadd.s32 s3;
	_ =	sdelay $0x1  }
0xa1: {  	s23 =	simm.s32 $0x1B8B  }
0xa2: {  	_ =	swait.ge [sflag:s23], $0x1  }
0xa3: {  	[sflag:s23] =	ssyncset.done $0x0  }
0xa4: {  	s25 =	simm.s32 $0x1B8E;
	s24 =	sld [smem:$0x3FFE];
	[sflag:s23] =	ssyncadd.s32 $0xFFFFFFFF  }
0xa5: {  	s26 =	simm.s32 $execute0_lowered;
	[smem:$0x3FD2] =	sst s25  }
0xa6: {  	s4 =	sshll.u32 s26, $0x1;
	_ =	strace $0x80000046;
	[dreg:$0x1] =	wrdreg $0xFFFFFFFF  }
0xa7: {  	s28 =	simm.s32 $_size_execute0_lowered;
	s2 =	sadd.s32 s2, s4;
	[dreg:$0x0] =	wrdreg $0x0  }
0xa8: {  	s4 =	sshll.u32 s28, $0x1;
	[dreg:$0x2] =	wrdreg s2  }
0xa9: {  	[dreg:$0x3] =	wrdreg s4  }
0xaa: {  	[dreg:$0x4] =	wrdreg $0xC0  }
0xab: {  	_ =	task [dreg:s6], $0x5FFFF  }
0xac: {  	[dreg:$0x1] =	wrdreg $0xFFFFFFFF  }
0xad: {  	[dreg:$0x0] =	wrdreg $0x60  }
0xae: {  	[dreg:$0x2] =	wrdreg s24  }
0xaf: {  	[dreg:$0x3] =	wrdreg $0x0  }
0xb0: {  	[dreg:$0x4] =	wrdreg $0x9  }
0xb1: {  	_ =	task.clear_ibuf [dreg:s6], $0x5FFFF;
	_ =	strace $0x90000046  }
0xb2: {  	s29 =	simm.s32 $0x9;
	_ =	strace $0x80000048  }
0xb3: {  	_ =	swait.ge [sflag:s29], $0x1  }
0xb4: {  	[sflag:s29] =	ssyncadd.s32 $0xFFFFFFFF  }
0xb5: {  	_ =	strace $0x90000048  }
0xb6: {  	_ =	sfence  }
0xb7: {  	s30 =	sld [smem:$0x0];
	_ =	sdelay $0x2  }
0xb8: {  	s31 =	sshll.u32 s1, $0xD;
	s1 =	sshrl.u32 s1, $0x2  }
0xb9: {  	s3 =	sand.u32 $0x4000, s31;
	s1 =	sadd.s32 s1, s30  }
0xba: {  	s0 =	sor.u32 s3, s0;
	s1 =	sshll.u32 s1, $0x11  }
0xbb: {  	s0 =	sor.u32 s1, s0  }
0xbc: {  	s0 =	sadd.s32 $0x8F2B, s0  }
0xbd: {  	[sflag:s0] =	ssyncadd.remote.s32 $0x1  }
0xbe: {  	_ =	sfence.sel $0xFFFF  }
0xbf: {  	[dreg:$0x0] =	wrdreg $0xFFFFFFFF;
	(pc) =	sbr.abs _section_cstart, $3  }
0xc0: {  	[dreg:$0x1] =	wrdreg $0xFFFFFFFF  }
0xc1: {  	_ =	task.clear_ibuf [dreg:s6], $0x2FFFF;
	_ =	strace $0x9FFFFFFF  }
0xc2: {  	(tm) =	ssettm $0x7FFFFFFF  }
0xc3: {  	_ =	shalt  }
tec
execute0_lowered:
.L_overlay_start_1:
0x0: {  	(tag) =	ssettag $0x1  }
0x1: {  	s5 =	rddreg [dreg:$0x0]  }
0x2: {  	s0 =	srdreg.scid;
	s2 =	rddreg [dreg:$0x1]  }
0x3: {  	s3 =	simm.s32 $0x0;
	s13 =	simm.s32 $0x1;
	s14 =	simm.s32 $0x300  }
0x4: {  	s15 =	simm.s32 $0x80;
	s16 =	simm.s32 $0x280;
	s19 =	simm.s32 $0x20  }
0x5: {  	s20 =	simm.s32 $0x10;
	s4 =	sand.u32 $0x1, s0;
	s0 =	stileid.u32  }
0x6: {  	s21 =	simm.s32 $0x0;
	[smem:$0x7FF] =	sst s3;
	s7 =	smul.u32 $0x500, s0  }
0x7: {  	s1 =	sshll.u32 s4, $0x4;
	s8 =	sshll.u32 s4, $0x7;
	s9 =	smul.u32 $0xA00, s0  }
0x8: {  	s4 =	ssub.s32 $0x2, s4;
	s17 =	sshll.u32 s0, $0x6;
	s6 =	sor.u32 s0, s1  }
0x9: {  	s1 =	rddreg [dreg:$0x2];
	_ =	strace $0x80000047;
	s30 =	sshrl.u32 s4, $0x1  }
0xa: {  	s17 =	sor.u32 $0x1C01, s17;
	s6 =	smul.u32 $0x500, s6;
	s31 =	sshrl.u32 s9, $0x2  }
0xb: {  	s29 =	sor.u32 s8, s7;
	s12 =	ssub.s32 s4, s30;
	s4 =	sadd.s32 s31, s2  }
0xc: {  	s10 =	sadd.s32 s6, s5;
	s6 =	sshrl.u32 s29, $0x3;
	s7 =	sadd.s32 $0x180, s4  }
0xd: {  	s8 =	sadd.s32 $0x200, s4;
	s18 =	sshrl.u32 s4, $0x3;
	s11 =	sadd.s32 s6, s5  }
0xe: {  	s5 =	sadd.s32 $0x80, s4;
	s6 =	sadd.s32 $0x100, s4;
	s9 =	sadd.s32 $0x2400, s10  }
0xf: {  	v0 =	vimm.f32 $1.000000000e+00;
	v1 =	vimm.f32 $0.0e+00;
	s10 =	sadd.s32 $0xC400, s11;
	s11 =	smax.u32 s12, $0x1;
	s12 =	simm.s32 $0x2B00  }
.LBB2_1:
0x10: {  	[tilespmem:$0x280] =	vst v0  }
0x11: {  	[tilespmem:$0x2B00] =	vst v1  }
0x12: {  	[tilespmem:$0x290] =	vst v0  }
0x13: {  	[tilespmem:$0x2B10] =	vst v1  }
0x14: {  	[tilespmem:$0x2A0] =	vst v0  }
0x15: {  	[tilespmem:$0x2B20] =	vst v1  }
0x16: {  	[tilespmem:$0x2B0] =	vst v0  }
0x17: {  	[tilespmem:$0x2B30] =	vst v1  }
0x18: {  	[tilespmem:$0x2C0] =	vst v0  }
0x19: {  	[tilespmem:$0x2B40] =	vst v1  }
0x1a: {  	[tilespmem:$0x2D0] =	vst v0  }
0x1b: {  	[tilespmem:$0x2B50] =	vst v1  }
0x1c: {  	[tilespmem:$0x2E0] =	vst v0  }
0x1d: {  	[tilespmem:$0x2B60] =	vst v1  }
0x1e: {  	[tilespmem:$0x2F0] =	vst v0  }
0x1f: {  	[tilespmem:$0x2B70] =	vst v1  }
0x20: {  	[spmem:s4] =	stream.linear.scatter [tilespmem:s12], [sflag:$0x1], $0x80, $0x38;
	[tilespmem:$0x2B80] =	vst v63  }
0x21: {  	_ =	swait.ge [sflag:s13], $0x80  }
0x22: {  	[sflag:s13] =	ssyncset.done $0x0  }
0x23: {  	[sflag:s13] =	ssyncadd.s32 $0xFFFFFF80  }
0x24: {  	[spmem:s5] =	stream.linear.scatter [tilespmem:s12], [sflag:$0x1], $0x80, $0x38;
	[tilespmem:$0x2B80] =	vst v63  }
0x25: {  	_ =	swait.ge [sflag:s13], $0x80  }
0x26: {  	[sflag:s13] =	ssyncset.done $0x0  }
0x27: {  	[sflag:s13] =	ssyncadd.s32 $0xFFFFFF80  }
0x28: {  	[spmem:s6] =	stream.linear.scatter [tilespmem:s12], [sflag:$0x1], $0x80, $0x38;
	[tilespmem:$0x2B80] =	vst v63  }
0x29: {  	_ =	swait.ge [sflag:s13], $0x80  }
0x2a: {  	[sflag:s13] =	ssyncset.done $0x0  }
0x2b: {  	[sflag:s13] =	ssyncadd.s32 $0xFFFFFF80  }
0x2c: {  	[spmem:s7] =	stream.linear.scatter [tilespmem:s12], [sflag:$0x1], $0x80, $0x38;
	[tilespmem:$0x2B80] =	vst v63  }
0x2d: {  	_ =	swait.ge [sflag:s13], $0x80  }
0x2e: {  	[sflag:s13] =	ssyncset.done $0x0  }
0x2f: {  	[sflag:s13] =	ssyncadd.s32 $0xFFFFFF80  }
0x30: {  	[spmem:s8] =	stream.linear.scatter [tilespmem:s12], [sflag:$0x1], $0x80, $0x38;
	[tilespmem:$0x2B80] =	vst v63  }
0x31: {  	_ =	swait.ge [sflag:s13], $0x80  }
0x32: {  	[sflag:s13] =	ssyncset.done $0x0  }
0x33: {  	[sflag:s13] =	ssyncadd.s32 $0xFFFFFF80  }
0x34: {  	[bflag:$0x0] =	sbarrier.arrive $0xFFFF  }
0x35: {  	[tilespmem:s14], [sflag:$0x1] =	stream.linear.gather [hbm4b:s9+s3], $0x2800, $0x38;
	[tilespmem:$0x2B80] =	vst v63  }
0x36: {  	_ =	swait.ge [sflag:s13], $0x2800  }
0x37: {  	[sflag:s13] =	ssyncset.done $0x0  }
0x38: {  	s22 =	simm.s32 $0x300;
	[sflag:s13] =	ssyncadd.s32 $0xFFFFD800  }
0x39: {  	[spmem:s2] =	stream.indirect.scatter.add.f32 [tilespmem:s16], [sflag:$0x1], $0x1, s22, s15, $0xb8;
	[tilespmem:$0x2B80] =	vst v63  }
0x3a: {  	s22 =	simm.s32 $0x200;
	_ =	swait.ge [sflag:s13], $0x80  }
.LBB2_2:
0x3b: {  	s23 =	sshra.s32 s22, $0x2;
	[sflag:s13] =	ssyncset.done $0x0;
	p0 =	sne.s32 s22, $0x9E00  }
.Ltmp0:
0x3c: {  	s23 =	sadd.s32 $0x300, s23;
	[sflag:s13] =	ssyncadd.s32 $0xFFFFFF80;
	(pc) =	sbr.rel @p0 .LBB2_2-.Ltmp0, $3  }
0x3d: {  	[spmem:s2] =	stream.indirect.scatter.add.f32 [tilespmem:s16], [sflag:$0x1], $0x1, s23, s15, $0xb8;
	[tilespmem:$0x2B80] =	vst v63  }
0x3e: {  	s22 =	sadd.s32 $0x200, s22;
	_ =	sdelay $0x1  }
0x3f: {  	_ =	swait.ge [sflag:s13], $0x80  }
0x40: {  	[sflag:s13] =	ssyncset.done $0x0;
	s21 =	sadd.s32 $0x1, s21  }
0x41: {  	[sflag:s13] =	ssyncadd.s32 $0xFFFFFF80;
	p0 =	sne.s32 s21, s11  }
.Ltmp1:
0x42: {  	[bflag:$0x0] =	sbarrier.arrive $0xFFFF;
	(pc) =	sbr.rel @p0 .LBB2_1-.Ltmp1, $4  }
0x43: {  	[hbm:s10@s19], [sflag:s17] =	dma.strided [spmem:s18@s20], $0x50, s13, $0x10   }
0x44: {  	_ =	swait.ge [sflag:s13], $0x50  }
0x45: {  	[sflag:s13] =	ssyncset.done $0x0  }
0x46: {  	[sflag:s13] =	ssyncadd.s32 $0xFFFFFFB0  }
0x47: {  	_ =	sfence.sel $0x180000  }
0x48: {  	[bflag:$0x0] =	sbarrier.arrive $0xFFFF  }
0x49: {  	p0 =	sne.s32 s0, $0x0;
	_ =	strace $0x90000047  }
0x4a: {  	s0 =	sadd.s32 @!p0 $0x100000, s1;
	[bflag:$0x2] =	sbarrier.arrive $0xFFFF  }
0x4b: {  	[sflag:s0] =	ssyncadd.tile.s32 @!p0 $0x1;
	_ =	shalt  }
.Lfunc_end2:
_tile_overlayer_lowered:
.L_overlay_start_2:
0x4c: {  	(tag) =	ssettag $0x2  }
0x4d: {  	s0 =	rddreg [dreg:$0x0];
	s2 =	stileid.u32  }
0x4e: {  	s1 =	rddreg [dreg:$0x1];
	p0 =	sne.s32 s2, $0x0  }
0x4f: {  	s3 =	rddreg [dreg:$0x2];
	[bflag:$0x3] =	sbarrier.arrive $0xFFFF;
	s2 =	simm.s32 @!p0 $0x1C01  }
0x50: {  	[timem:s3], [sflag:s2] =	dma.local @!p0 [hbm:s0], s1  }
0x51: {  	s0 =	simm.s32 @!p0 $0x1  }
0x52: {  	_ =	swait.ge @!p0 [sflag:s0], s1  }
0x53: {  	s1 =	ssub.s32 @!p0 $0x0, s1;
	[sflag:s0] =	ssyncset.done @!p0 $0x0  }
0x54: {  	[sflag:s0] =	ssyncadd.s32 @!p0 s1  }
0x55: {  	[bflag:$0x3] =	sbarrier.arrive $0xFFFF  }
0x56: {  	_ =	shalt  }

// kernel: kernel.14.cloned.1.call-start
scs
__scs_entry_jumppad:
0x0: {  	(pc) =	sbr.rel $0x88, $3  }
0x1: {  	(tag) =	ssettag $0x0;
	lr =	simm.s32 $0x1  }
0x2: {  	[smem:$0x3F9E] =	sst lr;
	_ =	strace $0xD0000000  }
0x3: {  	_ = 	snop  }
0x4: {  	_ = 	snop  }
0x5: {  	_ = 	snop  }
0x6: {  	_ = 	snop  }
0x7: {  	_ = 	snop  }
__scs_overlays_trampoline_lowered:
0x8: {  	[smem:$0x3FAD] =	sst s0  }
0x9: {  	[smem:$0x3FAE] =	sst s1  }
0xa: {  	[smem:$0x3FAF] =	sst s2  }
0xb: {  	[smem:$0x3FB0] =	sst s3  }
0xc: {  	[smem:$0x3FB1] =	sst s4  }
0xd: {  	[smem:$0x3FB2] =	sst s5  }
0xe: {  	[smem:$0x3FB3] =	sst s6  }
0xf: {  	[smem:$0x3FB4] =	sst s7  }
0x10: {  	[smem:$0x3FB5] =	sst s8  }
0x11: {  	[smem:$0x3FB6] =	sst s9;
	s0 =	simm.s32 @!p0 $0x0  }
0x12: {  	s1 =	sld [smem:$0x3F9C];
	s0 =	simm.s32 @p0 $0x1  }
0x13: {  	[smem:$0x3FB7] =	sst s0;
	s0 =	simm.s32 @!p1 $0x0  }
0x14: {  	s2 =	sld [smem:$0x3F9B];
	s0 =	simm.s32 @p1 $0x1  }
0x15: {  	[smem:$0x3FB8] =	sst s0;
	s0 =	simm.s32 @!p2 $0x0  }
0x16: {  	s3 =	sld [smem:$0x3FDB];
	s0 =	simm.s32 @p2 $0x1  }
0x17: {  	s4 =	simm.s32 $0x1BF5;
	[smem:$0x3FBA] =	sst s0  }
0x18: {  	s0 =	sld [smem:$0x3F9D];
	_ =	swait.ge [sflag:s4], $0x0  }
0x19: {  	s7 =	sld [smem:$0x3F9E]  }
0x1a: {  	s8 =	sadd.s32 $0xFFFFE003, lr  }
0x1b: {  	s9 =	sadd.s32 $0xFFFFFEF7, lr;
	s5 =	simm.s32 $0xFFFFFFFF;
	p2 =	slt.u32 s8, $0xFFFFF086  }
0x1c: {  	p1 =	slt.u32 s9, $0xF7A;
	s5 =	simm.s32 @!p2 $0x0  }
0x1d: {  	s5 =	simm.s32 @p1 $0x1;
	p0 =	seq.s32 s7, s2  }
0x1e: {  	s7 =	smul.u32 @!p0 $0xF7A, s2;
	p2 =	seq.s32 @!p0 s5, $0x0  }
0x1f: {  	s9 =	smul.u32 $0xF7A, s1;
	s8 =	simm.s32 @!p0 $0x1BF5;
	p2 =	por !p2, p0  }
0x20: {  	[sflag:s8] =	ssyncset.s32 @!p0 $0xFFFFF086;
	s6 =	sadd.s32 @!p0 s3, s7;
	s7 =	simm.s32 @!p0 $0x108  }
0x21: {  	s3 =	sadd.s32 s3, s9;
	s6 =	sadd.s32 @!p0 $0x88, s6;
	s7 =	simm.s32 @p2 $0x1082  }
0x22: {  	[simem:s7], [sflag:s8] =	dma.local @!p0 [hbm:s6], $0xF7A  }
0x23: {  	s9 =	sor.u32 $0xD0000000, s2;
	s6 =	simm.s32 $0x108;
	_ =	swait.ge @!p0 [sflag:s8], $0x0  }
0x24: {  	s3 =	sadd.s32 $0x88, s3;
	s6 =	simm.s32 @!p1 $0x1082;
	[sflag:s4] =	ssyncset.s32 $0xFFFFF086  }
0x25: {  	[simem:s6], [sflag:s4] =	dma.local [hbm:s3], $0xF7A  }
0x26: {  	[smem:$0x3F9E] =	sst s1;
	(tag) =	ssettag s2;
	_ =	strace s9  }
0x27: {  	s1 =	sld [smem:$0x3FAE]  }
0x28: {  	s2 =	sld [smem:$0x3FAF]  }
0x29: {  	s4 =	sld [smem:$0x3FB1]  }
0x2a: {  	p0 =	seq.s32 s5, $0x0;
	s5 =	sld [smem:$0x3FB2]  }
0x2b: {  	s6 =	sld [smem:$0x3FB3]  }
0x2c: {  	s7 =	sld [smem:$0x3FB4]  }
0x2d: {  	s3 =	simm.s32 $0x108;
	s8 =	sld [smem:$0x3FB5]  }
0x2e: {  	s3 =	simm.s32 @!p0 $0x1082;
	s9 =	sld [smem:$0x3FB6]  }
0x2f: {  	lr =	sadd.s32 s0, s3;
	s0 =	sld [smem:$0x3FAD]  }
0x30: {  	s3 =	sld [smem:$0x3FB0]  }
0x31: {  	[smem:$0x3FB9] =	sst s10  }
0x32: {  	s10 =	sld [smem:$0x3FB7];
	_ =	sdelay $0x3  }
0x33: {  	p0 =	seq.s32 s10, $0x1;
	s10 =	sld [smem:$0x3FB9];
	_ =	sdelay $0x3  }
0x34: {  	[smem:$0x3FB9] =	sst s10  }
0x35: {  	s10 =	sld [smem:$0x3FB8];
	_ =	sdelay $0x3  }
0x36: {  	p1 =	seq.s32 s10, $0x1;
	s10 =	sld [smem:$0x3FB9];
	_ =	sdelay $0x3  }
0x37: {  	[smem:$0x3FB9] =	sst s10  }
0x38: {  	s10 =	sld [smem:$0x3FBA]  }
0x39: {  	_ = 	snop;
	(pc) =	sbr.ind lr, $3  }
0x3a: {  	_ = 	snop  }
0x3b: {  	_ = 	snop  }
0x3c: {  	p2 =	seq.s32 s10, $0x1;
	s10 =	sld [smem:$0x3FB9]  }
0x3d: {  	_ =	shalt  }
0x3e: {  	_ =	shalt  }
0x3f: {  	_ =	shalt  }
0x40: {  	_ =	shalt  }
0x41: {  	_ =	shalt  }
0x42: {  	_ =	shalt  }
0x43: {  	_ =	shalt  }
0x44: {  	_ =	shalt  }
0x45: {  	_ =	shalt  }
0x46: {  	_ =	shalt  }
0x47: {  	_ =	shalt  }
0x48: {  	_ =	shalt  }
0x49: {  	_ =	shalt  }
0x4a: {  	_ =	shalt  }
0x4b: {  	_ =	shalt  }
0x4c: {  	_ =	shalt  }
0x4d: {  	_ =	shalt  }
0x4e: {  	_ =	shalt  }
0x4f: {  	_ =	shalt  }
0x50: {  	_ =	shalt  }
0x51: {  	_ =	shalt  }
0x52: {  	_ =	shalt  }
0x53: {  	_ =	shalt  }
0x54: {  	_ =	shalt  }
0x55: {  	_ =	shalt  }
0x56: {  	_ =	shalt  }
0x57: {  	_ =	shalt  }
0x58: {  	_ =	shalt  }
0x59: {  	_ =	shalt  }
0x5a: {  	_ =	shalt  }
0x5b: {  	_ =	shalt  }
0x5c: {  	_ =	shalt  }
0x5d: {  	_ =	shalt  }
0x5e: {  	_ =	shalt  }
0x5f: {  	_ =	shalt  }
0x60: {  	_ =	shalt  }
0x61: {  	_ =	shalt  }
0x62: {  	_ =	shalt  }
0x63: {  	_ =	shalt  }
0x64: {  	_ =	shalt  }
0x65: {  	_ =	shalt  }
0x66: {  	_ =	shalt  }
0x67: {  	_ =	shalt  }
0x68: {  	_ =	shalt  }
0x69: {  	_ =	shalt  }
0x6a: {  	_ =	shalt  }
0x6b: {  	_ =	shalt  }
0x6c: {  	_ =	shalt  }
0x6d: {  	_ =	shalt  }
0x6e: {  	_ =	shalt  }
0x6f: {  	_ =	shalt  }
0x70: {  	_ =	shalt  }
0x71: {  	_ =	shalt  }
0x72: {  	_ =	shalt  }
0x73: {  	_ =	shalt  }
0x74: {  	_ =	shalt  }
0x75: {  	_ =	shalt  }
0x76: {  	_ =	shalt  }
0x77: {  	_ =	shalt  }
0x78: {  	_ =	shalt  }
0x79: {  	_ =	shalt  }
0x7a: {  	_ =	shalt  }
0x7b: {  	_ =	shalt  }
0x7c: {  	_ =	shalt  }
0x7d: {  	_ =	shalt  }
0x7e: {  	_ =	shalt  }
0x7f: {  	_ =	shalt  }
0x80: {  	_ =	shalt  }
0x81: {  	_ =	shalt  }
0x82: {  	_ =	shalt  }
0x83: {  	_ =	shalt  }
0x84: {  	_ =	shalt  }
0x85: {  	_ =	shalt  }
0x86: {  	_ =	shalt  }
0x87: {  	_ =	shalt  }
.Lfunc_end0:
.L_simem_size_0:
called_computation.1_lowered:
.L_overlay_start_0:
0x88: {  	s2 =	sld [smem:$0x3FD9]  }
0x89: {  	s3 =	sld [smem:$0x3FFE];
	_ =	sdelay $0x1  }
0x8a: {  	s1 =	srdreg.scid  }
0x8b: {  	s0 =	sand.u32 $0x1, s1  }
0x8c: {  	s14 =	sshll.u32 s0, $0xA;
	s2 =	sadd.s32 s3, s2  }
0x8d: {  	s2 =	sadd.s32 s2, s14  }
0x8e: {  	[smem:$0x3FC5] =	sst s2  }
0x8f: {  	_ = 	snop  }
0x90: {  	s2 =	sld [smem:$0x3FD0];
	_ =	sdelay $0x2  }
0x91: {  	s15 =	simm.s32 $0xA;
	s4 =	simm.s32 $0x10  }
0x92: {  	[smem:s4], [sflag:s15] =	dma.local [hbm:s2], $0x1  }
0x93: {  	_ =	swait.eq [sflag:s15], $0x1  }
0x94: {  	[sflag:s15] =	ssyncset.done $0x0  }
0x95: {  	s16 =	sld [smem:$0x10];
	[sflag:s15] =	ssyncadd.s32 $0xFFFFFFFF  }
0x96: {  	s17 =	sld [smem:$0x11];
	(tm) =	ssettm $0x1  }
0x97: {  	s18 =	sld [smem:$0x3FFB];
	_ =	sdelay $0x3  }
0x98: {  	_ =	strace s18  }
0x99: {  	s4 =	sld [smem:$0x3FFC];
	_ =	sdelay $0x3  }
0x9a: {  	_ =	strace s4  }
0x9b: {  	s4 =	sld [smem:$0x3FFD];
	_ =	sdelay $0x3  }
0x9c: {  	_ =	strace s4  }
0x9d: {  	_ =	strace $0x8FFFFFFF  }
0x9e: {  	s19 =	sld [smem:$0x3FDB];
	_ =	sdelay $0x1  }
0x9f: {  	s5 =	simm.s32 $_scs_section_size  }
0xa0: {  	s6 =	simm.s32 $_size__tile_overlayer_lowered;
	s7 =	simm.s32 $_tile_overlayer_lowered  }
0xa1: {  	s22 =	simm.s32 $0x1BFF;
	s21 =	sshll.u32 s7, $0x1;
	s4 =	sadd.s32 s5, s19  }
0xa2: {  	s8 =	simm.s32 $0x0;
	s20 =	sshll.u32 s6, $0x1;
	s6 =	sadd.s32 s21, s4  }
0xa3: {  	[timem:s8], [sflag:s22] =	dma.local [hbm:s6], s20  }
0xa4: {  	_ =	swait.ge [sflag:s22], s20  }
0xa5: {  	s5 =	ssub.s32 $0x0, s20;
	[sflag:s22] =	ssyncset.done $0x0  }
0xa6: {  	[sflag:s22] =	ssyncadd.s32 s5;
	_ =	sdelay $0x1  }
0xa7: {  	s23 =	simm.s32 $0x1B8B  }
0xa8: {  	_ =	swait.ge [sflag:s23], $0x1  }
0xa9: {  	[sflag:s23] =	ssyncset.done $0x0  }
0xaa: {  	s25 =	simm.s32 $0x1B8E;
	s24 =	sld [smem:$0x3FFE];
	[sflag:s23] =	ssyncadd.s32 $0xFFFFFFFF  }
0xab: {  	s26 =	simm.s32 $execute0_lowered;
	[smem:$0x3FD2] =	sst s25  }
0xac: {  	s6 =	sshll.u32 s26, $0x1;
	_ =	strace $0x80000049;
	[dreg:$0x1] =	wrdreg $0xFFFFFFFF  }
0xad: {  	s28 =	simm.s32 $_size_execute0_lowered;
	s4 =	sadd.s32 s4, s6;
	[dreg:$0x0] =	wrdreg $0x0  }
0xae: {  	s6 =	sshll.u32 s28, $0x1;
	[dreg:$0x2] =	wrdreg s4  }
0xaf: {  	[dreg:$0x3] =	wrdreg s6  }
0xb0: {  	[dreg:$0x4] =	wrdreg $0xC0  }
0xb1: {  	_ =	task [dreg:s8], $0x5FFFF  }
0xb2: {  	[dreg:$0x1] =	wrdreg $0xFFFFFFFF  }
0xb3: {  	[dreg:$0x0] =	wrdreg $0x60  }
0xb4: {  	[dreg:$0x2] =	wrdreg s16  }
0xb5: {  	[dreg:$0x3] =	wrdreg s24  }
0xb6: {  	[dreg:$0x4] =	wrdreg s17  }
0xb7: {  	[dreg:$0x5] =	wrdreg $0x9  }
0xb8: {  	_ =	task.clear_ibuf [dreg:s8], $0x6FFFF;
	_ =	strace $0x90000049  }
0xb9: {  	s29 =	simm.s32 $0x9;
	_ =	strace $0x8000004B  }
0xba: {  	_ =	swait.ge [sflag:s29], $0x1  }
0xbb: {  	[sflag:s29] =	ssyncadd.s32 $0xFFFFFFFF  }
0xbc: {  	_ =	strace $0x9000004B  }
0xbd: {  	_ =	sfence  }
0xbe: {  	s30 =	sld [smem:$0x0];
	_ =	sdelay $0x2  }
0xbf: {  	s31 =	sshll.u32 s1, $0xD;
	s1 =	sshrl.u32 s1, $0x2  }
0xc0: {  	s3 =	sand.u32 $0x4000, s31;
	s1 =	sadd.s32 s1, s30  }
0xc1: {  	s0 =	sor.u32 s3, s0;
	s1 =	sshll.u32 s1, $0x11  }
0xc2: {  	s0 =	sor.u32 s1, s0  }
0xc3: {  	s0 =	sadd.s32 $0x8F2B, s0  }
0xc4: {  	[sflag:s0] =	ssyncadd.remote.s32 $0x1  }
0xc5: {  	_ =	sfence.sel $0xFFFF  }
0xc6: {  	[dreg:$0x0] =	wrdreg $0xFFFFFFFF;
	(pc) =	sbr.abs _section_cstart, $3  }
0xc7: {  	[dreg:$0x1] =	wrdreg $0xFFFFFFFF  }
0xc8: {  	_ =	task.clear_ibuf [dreg:s8], $0x2FFFF;
	_ =	strace $0x9FFFFFFF  }
0xc9: {  	(tm) =	ssettm $0x7FFFFFFF  }
tec
execute0_lowered:
.L_overlay_start_1:
0x0: {  	(tag) =	ssettag $0x1  }
0x1: {  	s4 =	rddreg [dreg:$0x0]  }
0x2: {  	s0 =	srdreg.scid;
	s5 =	rddreg [dreg:$0x1]  }
0x3: {  	s6 =	rddreg [dreg:$0x2];
	s1 =	stileid.u32  }
0x4: {  	s2 =	simm.s32 $0x0;
	s10 =	simm.s32 $0x1;
	s11 =	simm.s32 $0x2800  }
0x5: {  	s12 =	simm.s32 $0x5000;
	s13 =	simm.s32 $0xA000;
	s3 =	sand.u32 $0x1, s0  }
0x6: {  	s14 =	simm.s32 $0x0;
	s7 =	sshll.u32 s3, $0x4;
	s8 =	ssub.s32 $0x2, s3  }
0x7: {  	s0 =	rddreg [dreg:$0x3];
	s7 =	sor.u32 s1, s7;
	s31 =	sshrl.u32 s8, $0x1  }
0x8: {  	[smem:$0x7FF] =	sst s2;
	s7 =	smul.u32 $0x500, s7;
	s8 =	ssub.s32 s8, s31  }
0x9: {  	_ =	strace $0x8000004A;
	s3 =	sadd.s32 $0xC400, s5;
	s8 =	smax.u32 s8, $0x1  }
0xa: {  	s9 =	sadd.s32 s7, s5;
	s4 =	sadd.s32 s4, s7;
	s6 =	sadd.s32 s6, s7  }
0xb: {  	s5 =	sadd.s32 $0x2400, s9;
	s7 =	sadd.s32 $0xCA00, s9;
	s9 =	simm.s32 $0x7800  }
.LBB2_1:
0xc: {  	[tilespmem:s9], [sflag:$0x1] =	stream.linear.gather [hbm4b:s3+s2], $0x2800, $0x38;
	[tilespmem:$0xC800] =	vst v63  }
0xd: {  	_ =	swait.ge [sflag:s10], $0x2800  }
0xe: {  	[sflag:s10] =	ssyncset.done $0x0  }
0xf: {  	[sflag:s10] =	ssyncadd.s32 $0xFFFFD800  }
0x10: {  	[tilespmem:s2], [sflag:$0x1] =	stream.linear.gather [hbm4b:s4+s2], $0x2800, $0x38;
	[tilespmem:$0xC800] =	vst v63  }
0x11: {  	_ =	swait.ge [sflag:s10], $0x2800  }
0x12: {  	[sflag:s10] =	ssyncset.done $0x0  }
0x13: {  	[sflag:s10] =	ssyncadd.s32 $0xFFFFD800  }
0x14: {  	[tilespmem:s11], [sflag:$0x1] =	stream.linear.gather [hbm4b:s5+s2], $0x2800, $0x38;
	[tilespmem:$0xC800] =	vst v63  }
0x15: {  	_ =	swait.ge [sflag:s10], $0x2800  }
0x16: {  	[sflag:s10] =	ssyncset.done $0x0  }
0x17: {  	[sflag:s10] =	ssyncadd.s32 $0xFFFFD800  }
0x18: {  	[tilespmem:s12], [sflag:$0x1] =	stream.linear.gather [hbm4b:s6+s2], $0x2800, $0x38;
	[tilespmem:$0xC800] =	vst v63  }
0x19: {  	_ =	swait.ge [sflag:s10], $0x2800  }
0x1a: {  	[sflag:s10] =	ssyncset.done $0x0  }
0x1b: {  	s15 =	simm.s32 $0x0;
	[sflag:s10] =	ssyncadd.s32 $0xFFFFD800  }
0x1c: {  	v0 =	vld [tilespmem:s15+$0x5000];
	_ =	sdelay $0x4  }
0x1d: {  	v1 =	vld [tilespmem:s15+$0x0];
	v0 =	vsub.f32 $0.0e+00, v0  }
0x1e: {  	v2 =	vld [tilespmem:s15+$0x2800]  }
0x1f: {  	v0 =	vmul.f32 $1.442695020e+00, v0;
	_ =	sdelay $0x1  }
0x20: {  	(erf) = vpow2.f32 v0;
	_ =	sdelay $0x1  }
0x21: {  	v0 =	vld [tilespmem:s15+$0x5010];
	_ =	sdelay $0x1  }
0x22: {  	v1 =	vld.idx.msk [tilespmem:v1+s9+$0x0], $0xffff  }
0x23: {  	v2 =	vld.idx.msk [tilespmem:v2+s9+$0x0], $0xffff;
	_ =	sdelay $0x1  }
0x24: {  	v4 =	vld [tilespmem:s15+$0x10];
	v0 =	vsub.f32 $0.0e+00, v0  }
0x25: {  	v5 =	vld [tilespmem:s15+$0x2810]  }
0x26: {  	v0 =	vmul.f32 $1.442695020e+00, v0;
	v7 =	vpop (erf)  }
0x27: {  	v1 =	vmul.f32 v2, v1;
	v2 =	vadd.f32 $1.000000000e+00, v7  }
0x28: {  	(erf) = vpow2.f32 v0  }
0x29: {  	v1 =	vmul.f32 v2, v1  }
0x2a: {  	v3 =	vld [tilespmem:s15+$0x5020]  }
0x2b: {  	[tilespmem:s15+$0xA000] =	vst v1  }
0x2c: {  	v1 =	vld.idx.msk [tilespmem:v4+s9+$0x0], $0xffff  }
0x2d: {  	v4 =	vld.idx.msk [tilespmem:v5+s9+$0x0], $0xffff;
	_ =	sdelay $0x1  }
0x2e: {  	v3 =	vsub.f32 $0.0e+00, v3;
	v5 =	vld [tilespmem:s15+$0x20]  }
0x2f: {  	v9 =	vld [tilespmem:s15+$0x2820]  }
0x30: {  	v3 =	vmul.f32 $1.442695020e+00, v3;
	v10 =	vpop (erf)  }
0x31: {  	v1 =	vmul.f32 v4, v1;
	v4 =	vadd.f32 $1.000000000e+00, v10  }
0x32: {  	(erf) = vpow2.f32 v3  }
0x33: {  	v1 =	vmul.f32 v4, v1  }
0x34: {  	v6 =	vld [tilespmem:s15+$0x5030]  }
0x35: {  	[tilespmem:s15+$0xA010] =	vst v1  }
0x36: {  	v1 =	vld.idx.msk [tilespmem:v5+s9+$0x0], $0xffff  }
0x37: {  	v3 =	vld.idx.msk [tilespmem:v9+s9+$0x0], $0xffff;
	_ =	sdelay $0x1  }
0x38: {  	v4 =	vsub.f32 $0.0e+00, v6;
	v5 =	vld [tilespmem:s15+$0x30]  }
0x39: {  	v6 =	vld [tilespmem:s15+$0x2830]  }
0x3a: {  	v4 =	vmul.f32 $1.442695020e+00, v4;
	v62 =	vpop (erf)  }
0x3b: {  	v1 =	vmul.f32 v3, v1;
	v3 =	vadd.f32 $1.000000000e+00, v62  }
0x3c: {  	(erf) = vpow2.f32 v4  }
0x3d: {  	v1 =	vmul.f32 v3, v1  }
0x3e: {  	v8 =	vld [tilespmem:s15+$0x5040]  }
0x3f: {  	[tilespmem:s15+$0xA020] =	vst v1  }
0x40: {  	v1 =	vld.idx.msk [tilespmem:v5+s9+$0x0], $0xffff  }
0x41: {  	v3 =	vld.idx.msk [tilespmem:v6+s9+$0x0], $0xffff;
	_ =	sdelay $0x1  }
0x42: {  	v4 =	vsub.f32 $0.0e+00, v8;
	v5 =	vld [tilespmem:s15+$0x40]  }
0x43: {  	v6 =	vld [tilespmem:s15+$0x2840]  }
0x44: {  	v4 =	vmul.f32 $1.442695020e+00, v4;
	v63 =	vpop (erf)  }
0x45: {  	v1 =	vmul.f32 v3, v1;
	v3 =	vadd.f32 $1.000000000e+00, v63  }
0x46: {  	(erf) = vpow2.f32 v4  }
0x47: {  	v1 =	vmul.f32 v3, v1  }
0x48: {  	v7 =	vld [tilespmem:s15+$0x5050]  }
0x49: {  	[tilespmem:s15+$0xA030] =	vst v1  }
0x4a: {  	v1 =	vld.idx.msk [tilespmem:v5+s9+$0x0], $0xffff  }
0x4b: {  	v3 =	vld.idx.msk [tilespmem:v6+s9+$0x0], $0xffff;
	_ =	sdelay $0x1  }
0x4c: {  	v4 =	vsub.f32 $0.0e+00, v7;
	v5 =	vld [tilespmem:s15+$0x50]  }
0x4d: {  	v6 =	vld [tilespmem:s15+$0x2850]  }
0x4e: {  	v4 =	vmul.f32 $1.442695020e+00, v4;
	v7 =	vpop (erf)  }
0x4f: {  	v1 =	vmul.f32 v3, v1;
	v3 =	vadd.f32 $1.000000000e+00, v7  }
0x50: {  	(erf) = vpow2.f32 v4  }
0x51: {  	v1 =	vmul.f32 v3, v1  }
0x52: {  	v0 =	vld [tilespmem:s15+$0x5060]  }
0x53: {  	[tilespmem:s15+$0xA040] =	vst v1  }
0x54: {  	v1 =	vld.idx.msk [tilespmem:v5+s9+$0x0], $0xffff  }
0x55: {  	v3 =	vld.idx.msk [tilespmem:v6+s9+$0x0], $0xffff;
	_ =	sdelay $0x1  }
0x56: {  	v0 =	vsub.f32 $0.0e+00, v0;
	v4 =	vld [tilespmem:s15+$0x60]  }
0x57: {  	v5 =	vld [tilespmem:s15+$0x2860]  }
0x58: {  	v2 =	vld [tilespmem:s15+$0x5070];
	v0 =	vmul.f32 $1.442695020e+00, v0;
	v6 =	vpop (erf)  }
0x59: {  	v1 =	vmul.f32 v3, v1;
	v3 =	vadd.f32 $1.000000000e+00, v6  }
0x5a: {  	(erf) = vpow2.f32 v0  }
0x5b: {  	v0 =	vmul.f32 v3, v1;
	_ =	sdelay $0x1  }
0x5c: {  	v1 =	vsub.f32 $0.0e+00, v2;
	[tilespmem:s15+$0xA050] =	vst v0  }
0x5d: {  	v0 =	vld.idx.msk [tilespmem:v4+s9+$0x0], $0xffff  }
0x5e: {  	v1 =	vmul.f32 $1.442695020e+00, v1;
	v2 =	vld.idx.msk [tilespmem:v5+s9+$0x0], $0xffff;
	_ =	sdelay $0x1  }
0x5f: {  	(erf) = vpow2.f32 v1;
	v1 =	vld [tilespmem:s15+$0x2870]  }
0x60: {  	v3 =	vld [tilespmem:s15+$0x70]  }
0x61: {  	v4 =	vpop (erf)  }
0x62: {  	v0 =	vmul.f32 v2, v0;
	v2 =	vadd.f32 $1.000000000e+00, v4;
	_ =	sdelay $0x1  }
0x63: {  	v0 =	vmul.f32 v2, v0  }
0x64: {  	s18 =	simm.s32 $0x80  }
0x65: {  	v4 =	vld [tilespmem:s18+$0x5000];
	[tilespmem:s15+$0xA060] =	vst v0  }
0x66: {  	v1 =	vld.idx.msk [tilespmem:v1+s9+$0x0], $0xffff  }
0x67: {  	v3 =	vld.idx.msk [tilespmem:v3+s9+$0x0], $0xffff;
	v0 =	vpop (erf)  }
0x68: {  	s16 =	simm.s32 $0x400;
	v2 =	vld [tilespmem:s18+$0x5010];
	v0 =	vadd.f32 $1.000000000e+00, v0  }
.LBB2_2:
0x69: {  	p0 =	sne.s32 s16, $0x9E00;
	v5 =	vld [tilespmem:s18+$0x5020];
	s17 =	smov.u32 s16;
	s16 =	sadd.s32 $0x200, s16  }
0x6a: {  	v6 =	vld [tilespmem:s18+$0x0]  }
0x6b: {  	v4 =	vsub.f32 $0.0e+00, v4;
	v7 =	vld [tilespmem:s18+$0x2800]  }
0x6c: {  	v8 =	vld [tilespmem:s18+$0x5030]  }
0x6d: {  	v4 =	vmul.f32 $1.442695020e+00, v4;
	v1 =	vmul.f32 v1, v3;
	v2 =	vsub.f32 $0.0e+00, v2;
	v9 =	vld [tilespmem:s18+$0x5040]  }
0x6e: {  	v3 =	vsub.f32 $0.0e+00, v5;
	v5 =	vld [tilespmem:s18+$0x5050]  }
0x6f: {  	v0 =	vmul.f32 v0, v1;
	v10 =	vld [tilespmem:s18+$0x5060];
	(erf) = vpow2.f32 v4  }
0x70: {  	v1 =	vmul.f32 $1.442695020e+00, v2;
	v2 =	vmul.f32 $1.442695020e+00, v3;
	v3 =	vld [tilespmem:s18+$0x5070]  }
0x71: {  	v4 =	vsub.f32 $0.0e+00, v8;
	[tilespmem:s15+$0xA070] =	vst v0;
	s15 =	smov.u32 s18  }
0x72: {  	v0 =	vld.idx.msk [tilespmem:v6+s9+$0x0], $0xffff;
	v6 =	vsub.f32 $0.0e+00, v9;
	(erf) = vpow2.f32 v1  }
0x73: {  	v1 =	vld.idx.msk [tilespmem:v7+s9+$0x0], $0xffff;
	v4 =	vmul.f32 $1.442695020e+00, v4;
	v5 =	vsub.f32 $0.0e+00, v5;
	(erf) = vpow2.f32 v2  }
0x74: {  	v2 =	vmul.f32 $1.442695020e+00, v6;
	v6 =	vsub.f32 $0.0e+00, v10  }
0x75: {  	v7 =	vmul.f32 $1.442695020e+00, v5;
	v3 =	vsub.f32 $0.0e+00, v3;
	(erf) = vpow2.f32 v4  }
0x76: {  	v4 =	vld [tilespmem:s15+$0x10];
	v6 =	vmul.f32 $1.442695020e+00, v6;
	(erf) = vpow2.f32 v2  }
0x77: {  	v2 =	vld [tilespmem:s15+$0x2810];
	v3 =	vmul.f32 $1.442695020e+00, v3;
	(erf) = vpow2.f32 v7  }
0x78: {  	v5 =	vpop (erf);
	(erf) = vpow2.f32 v6  }
0x79: {  	v0 =	vmul.f32 v1, v0;
	v5 =	vadd.f32 $1.000000000e+00, v5;
	(erf) = vpow2.f32 v3;
	_ =	sdelay $0x1  }
0x7a: {  	v0 =	vmul.f32 v5, v0;
	v1 =	vpop (erf)  }
0x7b: {  	v3 =	vpop (erf)  }
0x7c: {  	[tilespmem:s15+$0xA000] =	vst v0  }
0x7d: {  	v0 =	vld.idx.msk [tilespmem:v4+s9+$0x0], $0xffff;
	v4 =	vpop (erf)  }
0x7e: {  	v2 =	vld.idx.msk [tilespmem:v2+s9+$0x0], $0xffff;
	v5 =	vpop (erf)  }
0x7f: {  	v6 =	vpop (erf)  }
0x80: {  	v7 =	vpop (erf)  }
0x81: {  	v8 =	vld [tilespmem:s15+$0x20];
	v9 =	vpop (erf)  }
0x82: {  	v10 =	vld [tilespmem:s15+$0x2820];
	_ =	sdelay $0x1  }
0x83: {  	v1 =	vadd.f32 $1.000000000e+00, v1;
	v0 =	vmul.f32 v2, v0;
	_ =	sdelay $0x1  }
0x84: {  	v0 =	vmul.f32 v1, v0;
	_ =	sdelay $0x1  }
0x85: {  	[tilespmem:s15+$0xA010] =	vst v0  }
0x86: {  	v0 =	vld.idx.msk [tilespmem:v8+s9+$0x0], $0xffff  }
0x87: {  	v1 =	vld.idx.msk [tilespmem:v10+s9+$0x0], $0xffff;
	_ =	sdelay $0x2  }
0x88: {  	v2 =	vld [tilespmem:s15+$0x30]  }
0x89: {  	v8 =	vld [tilespmem:s15+$0x2830];
	_ =	sdelay $0x1  }
0x8a: {  	v0 =	vmul.f32 v1, v0;
	v1 =	vadd.f32 $1.000000000e+00, v3;
	_ =	sdelay $0x1  }
0x8b: {  	v0 =	vmul.f32 v1, v0;
	_ =	sdelay $0x1  }
0x8c: {  	[tilespmem:s15+$0xA020] =	vst v0  }
0x8d: {  	v0 =	vld.idx.msk [tilespmem:v2+s9+$0x0], $0xffff  }
0x8e: {  	v1 =	vld.idx.msk [tilespmem:v8+s9+$0x0], $0xffff;
	_ =	sdelay $0x2  }
0x8f: {  	v2 =	vld [tilespmem:s15+$0x40]  }
0x90: {  	v3 =	vld [tilespmem:s15+$0x2840];
	_ =	sdelay $0x1  }
0x91: {  	v0 =	vmul.f32 v1, v0;
	v1 =	vadd.f32 $1.000000000e+00, v4;
	_ =	sdelay $0x1  }
0x92: {  	v0 =	vmul.f32 v1, v0;
	_ =	sdelay $0x1  }
0x93: {  	[tilespmem:s15+$0xA030] =	vst v0  }
0x94: {  	v0 =	vld.idx.msk [tilespmem:v2+s9+$0x0], $0xffff  }
0x95: {  	v1 =	vld.idx.msk [tilespmem:v3+s9+$0x0], $0xffff;
	_ =	sdelay $0x2  }
0x96: {  	v2 =	vld [tilespmem:s15+$0x50]  }
0x97: {  	v3 =	vld [tilespmem:s15+$0x2850];
	_ =	sdelay $0x1  }
0x98: {  	v0 =	vmul.f32 v1, v0;
	v1 =	vadd.f32 $1.000000000e+00, v5;
	_ =	sdelay $0x1  }
0x99: {  	v0 =	vmul.f32 v1, v0;
	_ =	sdelay $0x1  }
0x9a: {  	[tilespmem:s15+$0xA040] =	vst v0  }
0x9b: {  	v0 =	vld.idx.msk [tilespmem:v2+s9+$0x0], $0xffff  }
0x9c: {  	v1 =	vld.idx.msk [tilespmem:v3+s9+$0x0], $0xffff;
	_ =	sdelay $0x2  }
0x9d: {  	v2 =	vld [tilespmem:s15+$0x60]  }
0x9e: {  	v3 =	vld [tilespmem:s15+$0x2860];
	_ =	sdelay $0x1  }
0x9f: {  	v0 =	vmul.f32 v1, v0;
	v1 =	vadd.f32 $1.000000000e+00, v6;
	_ =	sdelay $0x1  }
0xa0: {  	v0 =	vmul.f32 v1, v0;
	_ =	sdelay $0x1  }
0xa1: {  	[tilespmem:s15+$0xA050] =	vst v0  }
0xa2: {  	v0 =	vld.idx.msk [tilespmem:v2+s9+$0x0], $0xffff  }
0xa3: {  	v1 =	vld.idx.msk [tilespmem:v3+s9+$0x0], $0xffff;
	_ =	sdelay $0x1  }
0xa4: {  	v2 =	vld [tilespmem:s15+$0x2870]  }
0xa5: {  	v3 =	vld [tilespmem:s15+$0x70];
	_ =	sdelay $0x2  }
0xa6: {  	v0 =	vmul.f32 v1, v0;
	v1 =	vadd.f32 $1.000000000e+00, v7;
	_ =	sdelay $0x1  }
0xa7: {  	v0 =	vmul.f32 v1, v0  }
.Ltmp0:
0xa8: {  	s18 =	sshra.s32 s17, $0x2;
	(pc) =	sbr.rel @p0 .LBB2_2-.Ltmp0, $4  }
0xa9: {  	v4 =	vld [tilespmem:s18+$0x5000];
	[tilespmem:s15+$0xA060] =	vst v0;
	v0 =	vadd.f32 $1.000000000e+00, v9  }
0xaa: {  	v1 =	vld.idx.msk [tilespmem:v2+s9+$0x0], $0xffff  }
0xab: {  	v3 =	vld.idx.msk [tilespmem:v3+s9+$0x0], $0xffff  }
0xac: {  	v2 =	vld [tilespmem:s18+$0x5010]  }
0xad: {  	_ = 	snop  }
0xae: {  	v6 =	vld [tilespmem:s18+$0x0];
	v4 =	vsub.f32 $0.0e+00, v4  }
0xaf: {  	v7 =	vld [tilespmem:s18+$0x2800]  }
0xb0: {  	v5 =	vld [tilespmem:s18+$0x5020];
	v4 =	vmul.f32 $1.442695020e+00, v4  }
0xb1: {  	v8 =	vld [tilespmem:s18+$0x5030];
	v1 =	vmul.f32 v1, v3  }
0xb2: {  	v9 =	vld [tilespmem:s18+$0x5040];
	(erf) = vpow2.f32 v4  }
0xb3: {  	v23 =	vld [tilespmem:s18+$0x5050];
	v0 =	vmul.f32 v0, v1  }
0xb4: {  	v24 =	vld [tilespmem:s18+$0x5060]  }
0xb5: {  	v25 =	vld [tilespmem:s18+$0x5070];
	[tilespmem:s15+$0xA070] =	vst v0  }
0xb6: {  	v0 =	vld.idx.msk [tilespmem:v6+s9+$0x0], $0xffff  }
0xb7: {  	v26 =	vld.idx.msk [tilespmem:v7+s9+$0x0], $0xffff;
	_ =	sdelay $0x1  }
0xb8: {  	v2 =	vsub.f32 $0.0e+00, v2;
	v27 =	vld [tilespmem:s18+$0x10]  }
0xb9: {  	v10 =	vld [tilespmem:s18+$0x2810]  }
0xba: {  	v2 =	vmul.f32 $1.442695020e+00, v2;
	v11 =	vpop (erf)  }
0xbb: {  	v0 =	vmul.f32 v26, v0;
	v28 =	vadd.f32 $1.000000000e+00, v11  }
0xbc: {  	(erf) = vpow2.f32 v2  }
0xbd: {  	v0 =	vmul.f32 v28, v0;
	_ =	sdelay $0x1  }
0xbe: {  	[tilespmem:s18+$0xA000] =	vst v0  }
0xbf: {  	v0 =	vld.idx.msk [tilespmem:v27+s9+$0x0], $0xffff  }
0xc0: {  	v29 =	vld.idx.msk [tilespmem:v10+s9+$0x0], $0xffff;
	_ =	sdelay $0x1  }
0xc1: {  	v5 =	vsub.f32 $0.0e+00, v5;
	v30 =	vld [tilespmem:s18+$0x20]  }
0xc2: {  	v31 =	vld [tilespmem:s18+$0x2820]  }
0xc3: {  	v5 =	vmul.f32 $1.442695020e+00, v5;
	v32 =	vpop (erf)  }
0xc4: {  	v33 =	vadd.f32 $1.000000000e+00, v32;
	v0 =	vmul.f32 v29, v0  }
0xc5: {  	(erf) = vpow2.f32 v5  }
0xc6: {  	v0 =	vmul.f32 v33, v0;
	_ =	sdelay $0x1  }
0xc7: {  	[tilespmem:s18+$0xA010] =	vst v0  }
0xc8: {  	v0 =	vld.idx.msk [tilespmem:v30+s9+$0x0], $0xffff  }
0xc9: {  	v34 =	vld.idx.msk [tilespmem:v31+s9+$0x0], $0xffff;
	_ =	sdelay $0x1  }
0xca: {  	v35 =	vsub.f32 $0.0e+00, v8;
	v36 =	vld [tilespmem:s18+$0x30]  }
0xcb: {  	v37 =	vld [tilespmem:s18+$0x2830]  }
0xcc: {  	v5 =	vmul.f32 $1.442695020e+00, v35;
	v38 =	vpop (erf)  }
0xcd: {  	v39 =	vadd.f32 $1.000000000e+00, v38;
	v0 =	vmul.f32 v34, v0  }
0xce: {  	(erf) = vpow2.f32 v5  }
0xcf: {  	v0 =	vmul.f32 v39, v0;
	_ =	sdelay $0x1  }
0xd0: {  	[tilespmem:s18+$0xA020] =	vst v0  }
0xd1: {  	v0 =	vld.idx.msk [tilespmem:v36+s9+$0x0], $0xffff  }
0xd2: {  	v40 =	vld.idx.msk [tilespmem:v37+s9+$0x0], $0xffff;
	_ =	sdelay $0x1  }
0xd3: {  	v41 =	vsub.f32 $0.0e+00, v9;
	v42 =	vld [tilespmem:s18+$0x40]  }
0xd4: {  	v43 =	vld [tilespmem:s18+$0x2840]  }
0xd5: {  	v5 =	vmul.f32 $1.442695020e+00, v41;
	v44 =	vpop (erf)  }
0xd6: {  	v45 =	vadd.f32 $1.000000000e+00, v44;
	v0 =	vmul.f32 v40, v0  }
0xd7: {  	(erf) = vpow2.f32 v5  }
0xd8: {  	v0 =	vmul.f32 v45, v0;
	_ =	sdelay $0x1  }
0xd9: {  	[tilespmem:s18+$0xA030] =	vst v0  }
0xda: {  	v0 =	vld.idx.msk [tilespmem:v42+s9+$0x0], $0xffff  }
0xdb: {  	v46 =	vld.idx.msk [tilespmem:v43+s9+$0x0], $0xffff;
	_ =	sdelay $0x1  }
0xdc: {  	v3 =	vsub.f32 $0.0e+00, v23;
	v47 =	vld [tilespmem:s18+$0x50]  }
0xdd: {  	v48 =	vld [tilespmem:s18+$0x2850]  }
0xde: {  	v3 =	vmul.f32 $1.442695020e+00, v3;
	v49 =	vpop (erf)  }
0xdf: {  	v50 =	vadd.f32 $1.000000000e+00, v49;
	v0 =	vmul.f32 v46, v0  }
0xe0: {  	(erf) = vpow2.f32 v3  }
0xe1: {  	v0 =	vmul.f32 v50, v0;
	_ =	sdelay $0x1  }
0xe2: {  	[tilespmem:s18+$0xA040] =	vst v0  }
0xe3: {  	v0 =	vld.idx.msk [tilespmem:v47+s9+$0x0], $0xffff  }
0xe4: {  	v51 =	vld.idx.msk [tilespmem:v48+s9+$0x0], $0xffff;
	_ =	sdelay $0x1  }
0xe5: {  	v52 =	vsub.f32 $0.0e+00, v24;
	v53 =	vld [tilespmem:s18+$0x60]  }
0xe6: {  	v54 =	vld [tilespmem:s18+$0x2860]  }
0xe7: {  	v3 =	vmul.f32 $1.442695020e+00, v52;
	v55 =	vpop (erf)  }
0xe8: {  	v56 =	vadd.f32 $1.000000000e+00, v55;
	v0 =	vmul.f32 v51, v0  }
0xe9: {  	(erf) = vpow2.f32 v3  }
0xea: {  	v0 =	vmul.f32 v56, v0;
	_ =	sdelay $0x1  }
0xeb: {  	[tilespmem:s18+$0xA050] =	vst v0  }
0xec: {  	v0 =	vld.idx.msk [tilespmem:v53+s9+$0x0], $0xffff  }
0xed: {  	v57 =	vld.idx.msk [tilespmem:v54+s9+$0x0], $0xffff;
	_ =	sdelay $0x1  }
0xee: {  	v1 =	vsub.f32 $0.0e+00, v25;
	v58 =	vld [tilespmem:s18+$0x2870]  }
0xef: {  	v59 =	vld [tilespmem:s18+$0x70]  }
0xf0: {  	v1 =	vmul.f32 $1.442695020e+00, v1;
	v60 =	vpop (erf)  }
0xf1: {  	v61 =	vadd.f32 $1.000000000e+00, v60;
	v0 =	vmul.f32 v57, v0  }
0xf2: {  	(erf) = vpow2.f32 v1  }
0xf3: {  	v0 =	vmul.f32 v61, v0;
	_ =	sdelay $0x1  }
0xf4: {  	[tilespmem:s18+$0xA060] =	vst v0  }
0xf5: {  	v0 =	vld.idx.msk [tilespmem:v58+s9+$0x0], $0xffff  }
0xf6: {  	v62 =	vld.idx.msk [tilespmem:v59+s9+$0x0], $0xffff;
	_ =	sdelay $0x3  }
0xf7: {  	v63 =	vpop (erf)  }
0xf8: {  	v2 =	vadd.f32 $1.000000000e+00, v63;
	v0 =	vmul.f32 v0, v62;
	_ =	sdelay $0x1  }
0xf9: {  	s14 =	sadd.s32 $0x1, s14;
	v0 =	vmul.f32 v2, v0  }
0xfa: {  	p0 =	sne.s32 s14, s8  }
.Ltmp1:
0xfb: {  	[tilespmem:s18+$0xA070] =	vst v0;
	(pc) =	sbr.rel @p0 .LBB2_1-.Ltmp1, $4  }
0xfc: {  	[hbm4b:s7+s2] =	stream.linear.scatter [tilespmem:s13], [sflag:$0x1], $0x2800, $0x38;
	[tilespmem:$0xC800] =	vst v63  }
0xfd: {  	_ =	swait.ge [sflag:s10], $0x2800  }
0xfe: {  	[sflag:s10] =	ssyncset.done $0x0  }
0xff: {  	[sflag:s10] =	ssyncadd.s32 $0xFFFFD800  }
0x100: {  	_ =	sfence.sel $0x180000  }
0x101: {  	[bflag:$0x0] =	sbarrier.arrive $0xFFFF  }
0x102: {  	p0 =	sne.s32 s1, $0x0;
	_ =	strace $0x9000004A  }
0x103: {  	s0 =	sadd.s32 @!p0 $0x100000, s0;
	[bflag:$0x2] =	sbarrier.arrive $0xFFFF  }
0x104: {  	[sflag:s0] =	ssyncadd.tile.s32 @!p0 $0x1;
	_ =	shalt  }
.Lfunc_end2:
_tile_overlayer_lowered:
.L_overlay_start_2:
0x105: {  	(tag) =	ssettag $0x2  }
0x106: {  	s0 =	rddreg [dreg:$0x0];
	s2 =	stileid.u32  }
0x107: {  	s1 =	rddreg [dreg:$0x1];
	p0 =	sne.s32 s2, $0x0  }
0x108: {  	s3 =	rddreg [dreg:$0x2];
	[bflag:$0x3] =	sbarrier.arrive $0xFFFF;
	s2 =	simm.s32 @!p0 $0x1C01  }
0x109: {  	[timem:s3], [sflag:s2] =	dma.local @!p0 [hbm:s0], s1  }
0x10a: {  	s0 =	simm.s32 @!p0 $0x1  }
0x10b: {  	_ =	swait.ge @!p0 [sflag:s0], s1  }
0x10c: {  	s1 =	ssub.s32 @!p0 $0x0, s1;
	[sflag:s0] =	ssyncset.done @!p0 $0x0  }
0x10d: {  	[sflag:s0] =	ssyncadd.s32 @!p0 s1  }
0x10e: {  	[bflag:$0x3] =	sbarrier.arrive $0xFFFF  }
0x10f: {  	_ =	shalt  }

// kernel: kernel.17.cloned.1.call-start
scs
__scs_entry_jumppad:
0x0: {  	(pc) =	sbr.rel $0x88, $3  }
0x1: {  	(tag) =	ssettag $0x0;
	lr =	simm.s32 $0x1  }
0x2: {  	[smem:$0x3F9E] =	sst lr;
	_ =	strace $0xD0000000  }
0x3: {  	_ = 	snop  }
0x4: {  	_ = 	snop  }
0x5: {  	_ = 	snop  }
0x6: {  	_ = 	snop  }
0x7: {  	_ = 	snop  }
__scs_overlays_trampoline_lowered:
0x8: {  	[smem:$0x3FAD] =	sst s0  }
0x9: {  	[smem:$0x3FAE] =	sst s1  }
0xa: {  	[smem:$0x3FAF] =	sst s2  }
0xb: {  	[smem:$0x3FB0] =	sst s3  }
0xc: {  	[smem:$0x3FB1] =	sst s4  }
0xd: {  	[smem:$0x3FB2] =	sst s5  }
0xe: {  	[smem:$0x3FB3] =	sst s6  }
0xf: {  	[smem:$0x3FB4] =	sst s7  }
0x10: {  	[smem:$0x3FB5] =	sst s8  }
0x11: {  	[smem:$0x3FB6] =	sst s9;
	s0 =	simm.s32 @!p0 $0x0  }
0x12: {  	s1 =	sld [smem:$0x3F9C];
	s0 =	simm.s32 @p0 $0x1  }
0x13: {  	[smem:$0x3FB7] =	sst s0;
	s0 =	simm.s32 @!p1 $0x0  }
0x14: {  	s2 =	sld [smem:$0x3F9B];
	s0 =	simm.s32 @p1 $0x1  }
0x15: {  	[smem:$0x3FB8] =	sst s0;
	s0 =	simm.s32 @!p2 $0x0  }
0x16: {  	s3 =	sld [smem:$0x3FDB];
	s0 =	simm.s32 @p2 $0x1  }
0x17: {  	s4 =	simm.s32 $0x1BF5;
	[smem:$0x3FBA] =	sst s0  }
0x18: {  	s0 =	sld [smem:$0x3F9D];
	_ =	swait.ge [sflag:s4], $0x0  }
0x19: {  	s7 =	sld [smem:$0x3F9E]  }
0x1a: {  	s8 =	sadd.s32 $0xFFFFE003, lr  }
0x1b: {  	s9 =	sadd.s32 $0xFFFFFEF7, lr;
	s5 =	simm.s32 $0xFFFFFFFF;
	p2 =	slt.u32 s8, $0xFFFFF086  }
0x1c: {  	p1 =	slt.u32 s9, $0xF7A;
	s5 =	simm.s32 @!p2 $0x0  }
0x1d: {  	s5 =	simm.s32 @p1 $0x1;
	p0 =	seq.s32 s7, s2  }
0x1e: {  	s7 =	smul.u32 @!p0 $0xF7A, s2;
	p2 =	seq.s32 @!p0 s5, $0x0  }
0x1f: {  	s9 =	smul.u32 $0xF7A, s1;
	s8 =	simm.s32 @!p0 $0x1BF5;
	p2 =	por !p2, p0  }
0x20: {  	[sflag:s8] =	ssyncset.s32 @!p0 $0xFFFFF086;
	s6 =	sadd.s32 @!p0 s3, s7;
	s7 =	simm.s32 @!p0 $0x108  }
0x21: {  	s3 =	sadd.s32 s3, s9;
	s6 =	sadd.s32 @!p0 $0x88, s6;
	s7 =	simm.s32 @p2 $0x1082  }
0x22: {  	[simem:s7], [sflag:s8] =	dma.local @!p0 [hbm:s6], $0xF7A  }
0x23: {  	s9 =	sor.u32 $0xD0000000, s2;
	s6 =	simm.s32 $0x108;
	_ =	swait.ge @!p0 [sflag:s8], $0x0  }
0x24: {  	s3 =	sadd.s32 $0x88, s3;
	s6 =	simm.s32 @!p1 $0x1082;
	[sflag:s4] =	ssyncset.s32 $0xFFFFF086  }
0x25: {  	[simem:s6], [sflag:s4] =	dma.local [hbm:s3], $0xF7A  }
0x26: {  	[smem:$0x3F9E] =	sst s1;
	(tag) =	ssettag s2;
	_ =	strace s9  }
0x27: {  	s1 =	sld [smem:$0x3FAE]  }
0x28: {  	s2 =	sld [smem:$0x3FAF]  }
0x29: {  	s4 =	sld [smem:$0x3FB1]  }
0x2a: {  	p0 =	seq.s32 s5, $0x0;
	s5 =	sld [smem:$0x3FB2]  }
0x2b: {  	s6 =	sld [smem:$0x3FB3]  }
0x2c: {  	s7 =	sld [smem:$0x3FB4]  }
0x2d: {  	s3 =	simm.s32 $0x108;
	s8 =	sld [smem:$0x3FB5]  }
0x2e: {  	s3 =	simm.s32 @!p0 $0x1082;
	s9 =	sld [smem:$0x3FB6]  }
0x2f: {  	lr =	sadd.s32 s0, s3;
	s0 =	sld [smem:$0x3FAD]  }
0x30: {  	s3 =	sld [smem:$0x3FB0]  }
0x31: {  	[smem:$0x3FB9] =	sst s10  }
0x32: {  	s10 =	sld [smem:$0x3FB7];
	_ =	sdelay $0x3  }
0x33: {  	p0 =	seq.s32 s10, $0x1;
	s10 =	sld [smem:$0x3FB9];
	_ =	sdelay $0x3  }
0x34: {  	[smem:$0x3FB9] =	sst s10  }
0x35: {  	s10 =	sld [smem:$0x3FB8];
	_ =	sdelay $0x3  }
0x36: {  	p1 =	seq.s32 s10, $0x1;
	s10 =	sld [smem:$0x3FB9];
	_ =	sdelay $0x3  }
0x37: {  	[smem:$0x3FB9] =	sst s10  }
0x38: {  	s10 =	sld [smem:$0x3FBA]  }
0x39: {  	_ = 	snop;
	(pc) =	sbr.ind lr, $3  }
0x3a: {  	_ = 	snop  }
0x3b: {  	_ = 	snop  }
0x3c: {  	p2 =	seq.s32 s10, $0x1;
	s10 =	sld [smem:$0x3FB9]  }
0x3d: {  	_ =	shalt  }
0x3e: {  	_ =	shalt  }
0x3f: {  	_ =	shalt  }
0x40: {  	_ =	shalt  }
0x41: {  	_ =	shalt  }
0x42: {  	_ =	shalt  }
0x43: {  	_ =	shalt  }
0x44: {  	_ =	shalt  }
0x45: {  	_ =	shalt  }
0x46: {  	_ =	shalt  }
0x47: {  	_ =	shalt  }
0x48: {  	_ =	shalt  }
0x49: {  	_ =	shalt  }
0x4a: {  	_ =	shalt  }
0x4b: {  	_ =	shalt  }
0x4c: {  	_ =	shalt  }
0x4d: {  	_ =	shalt  }
0x4e: {  	_ =	shalt  }
0x4f: {  	_ =	shalt  }
0x50: {  	_ =	shalt  }
0x51: {  	_ =	shalt  }
0x52: {  	_ =	shalt  }
0x53: {  	_ =	shalt  }
0x54: {  	_ =	shalt  }
0x55: {  	_ =	shalt  }
0x56: {  	_ =	shalt  }
0x57: {  	_ =	shalt  }
0x58: {  	_ =	shalt  }
0x59: {  	_ =	shalt  }
0x5a: {  	_ =	shalt  }
0x5b: {  	_ =	shalt  }
0x5c: {  	_ =	shalt  }
0x5d: {  	_ =	shalt  }
0x5e: {  	_ =	shalt  }
0x5f: {  	_ =	shalt  }
0x60: {  	_ =	shalt  }
0x61: {  	_ =	shalt  }
0x62: {  	_ =	shalt  }
0x63: {  	_ =	shalt  }
0x64: {  	_ =	shalt  }
0x65: {  	_ =	shalt  }
0x66: {  	_ =	shalt  }
0x67: {  	_ =	shalt  }
0x68: {  	_ =	shalt  }
0x69: {  	_ =	shalt  }
0x6a: {  	_ =	shalt  }
0x6b: {  	_ =	shalt  }
0x6c: {  	_ =	shalt  }
0x6d: {  	_ =	shalt  }
0x6e: {  	_ =	shalt  }
0x6f: {  	_ =	shalt  }
0x70: {  	_ =	shalt  }
0x71: {  	_ =	shalt  }
0x72: {  	_ =	shalt  }
0x73: {  	_ =	shalt  }
0x74: {  	_ =	shalt  }
0x75: {  	_ =	shalt  }
0x76: {  	_ =	shalt  }
0x77: {  	_ =	shalt  }
0x78: {  	_ =	shalt  }
0x79: {  	_ =	shalt  }
0x7a: {  	_ =	shalt  }
0x7b: {  	_ =	shalt  }
0x7c: {  	_ =	shalt  }
0x7d: {  	_ =	shalt  }
0x7e: {  	_ =	shalt  }
0x7f: {  	_ =	shalt  }
0x80: {  	_ =	shalt  }
0x81: {  	_ =	shalt  }
0x82: {  	_ =	shalt  }
0x83: {  	_ =	shalt  }
0x84: {  	_ =	shalt  }
0x85: {  	_ =	shalt  }
0x86: {  	_ =	shalt  }
0x87: {  	_ =	shalt  }
.Lfunc_end0:
.L_simem_size_0:
called_computation.2_lowered:
.L_overlay_start_0:
0x88: {  	s2 =	sld [smem:$0x3FD9]  }
0x89: {  	s3 =	sld [smem:$0x3FFE];
	_ =	sdelay $0x1  }
0x8a: {  	s1 =	srdreg.scid  }
0x8b: {  	s0 =	sand.u32 $0x1, s1  }
0x8c: {  	s14 =	sshll.u32 s0, $0xA;
	s2 =	sadd.s32 s3, s2  }
0x8d: {  	s2 =	sadd.s32 s2, s14  }
0x8e: {  	[smem:$0x3FC5] =	sst s2  }
0x8f: {  	_ = 	snop  }
0x90: {  	s2 =	sld [smem:$0x3FD0];
	_ =	sdelay $0x2  }
0x91: {  	s4 =	simm.s32 $0xA;
	s5 =	simm.s32 $0x10;
	s15 =	sld [smem:$0x3FC7]  }
0x92: {  	[smem:s5], [sflag:s4] =	dma.local [hbm:s2], $0x1  }
0x93: {  	_ =	swait.eq [sflag:s4], $0x1  }
0x94: {  	[sflag:s4] =	ssyncset.done $0x0  }
0x95: {  	[sflag:s4] =	ssyncadd.s32 $0xFFFFFFFF  }
0x96: {  	s16 =	sld [smem:$0x10];
	(tm) =	ssettm $0x1  }
0x97: {  	s17 =	sld [smem:$0x3FFB];
	_ =	sdelay $0x3  }
0x98: {  	_ =	strace s17  }
0x99: {  	s4 =	sld [smem:$0x3FFC];
	_ =	sdelay $0x3  }
0x9a: {  	_ =	strace s4  }
0x9b: {  	s4 =	sld [smem:$0x3FFD];
	_ =	sdelay $0x3  }
0x9c: {  	_ =	strace s4  }
0x9d: {  	_ =	strace $0x8FFFFFFF  }
0x9e: {  	s18 =	sld [smem:$0x3FDB];
	_ =	sdelay $0x1  }
0x9f: {  	s19 =	simm.s32 $_scs_section_size  }
0xa0: {  	s6 =	simm.s32 $_size__tile_overlayer_lowered;
	s7 =	simm.s32 $_tile_overlayer_lowered  }
0xa1: {  	s22 =	simm.s32 $0x1BFF;
	s21 =	sshll.u32 s7, $0x1;
	s4 =	sadd.s32 s19, s18  }
0xa2: {  	s8 =	simm.s32 $0x0;
	s20 =	sshll.u32 s6, $0x1;
	s6 =	sadd.s32 s21, s4  }
0xa3: {  	[timem:s8], [sflag:s22] =	dma.local [hbm:s6], s20  }
0xa4: {  	_ =	swait.ge [sflag:s22], s20  }
0xa5: {  	s5 =	ssub.s32 $0x0, s20;
	[sflag:s22] =	ssyncset.done $0x0  }
0xa6: {  	[sflag:s22] =	ssyncadd.s32 s5;
	_ =	sdelay $0x1  }
0xa7: {  	s23 =	simm.s32 $0x1B8B  }
0xa8: {  	_ =	swait.ge [sflag:s23], $0x1  }
0xa9: {  	[sflag:s23] =	ssyncset.done $0x0  }
0xaa: {  	s25 =	simm.s32 $0x1B8E;
	s24 =	sld [smem:$0x3FFE];
	[sflag:s23] =	ssyncadd.s32 $0xFFFFFFFF  }
0xab: {  	s26 =	simm.s32 $execute0_lowered;
	[smem:$0x3FD2] =	sst s25  }
0xac: {  	s6 =	sshll.u32 s26, $0x1;
	_ =	strace $0x8000004C;
	[dreg:$0x1] =	wrdreg $0xFFFFFFFF  }
0xad: {  	s28 =	simm.s32 $_size_execute0_lowered;
	s4 =	sadd.s32 s4, s6;
	[dreg:$0x0] =	wrdreg $0x0  }
0xae: {  	s6 =	sshll.u32 s28, $0x1;
	[dreg:$0x2] =	wrdreg s4  }
0xaf: {  	[dreg:$0x3] =	wrdreg s6  }
0xb0: {  	[dreg:$0x4] =	wrdreg $0xC0  }
0xb1: {  	_ =	task [dreg:s8], $0x5FFFF  }
0xb2: {  	[dreg:$0x1] =	wrdreg $0xFFFFFFFF  }
0xb3: {  	[dreg:$0x0] =	wrdreg $0x60  }
0xb4: {  	[dreg:$0x2] =	wrdreg s16  }
0xb5: {  	[dreg:$0x3] =	wrdreg s24  }
0xb6: {  	[dreg:$0x4] =	wrdreg s15  }
0xb7: {  	[dreg:$0x5] =	wrdreg $0x0  }
0xb8: {  	[dreg:$0x6] =	wrdreg $0x9  }
0xb9: {  	_ =	task.clear_ibuf [dreg:s8], $0x7FFFF;
	_ =	strace $0x9000004C  }
0xba: {  	s29 =	simm.s32 $0x9;
	_ =	strace $0x8000004E  }
0xbb: {  	_ =	swait.ge [sflag:s29], $0x1  }
0xbc: {  	[sflag:s29] =	ssyncadd.s32 $0xFFFFFFFF  }
0xbd: {  	_ =	strace $0x9000004E  }
0xbe: {  	_ =	sfence  }
0xbf: {  	s30 =	sld [smem:$0x0];
	_ =	sdelay $0x2  }
0xc0: {  	s31 =	sshll.u32 s1, $0xD;
	s1 =	sshrl.u32 s1, $0x2  }
0xc1: {  	s3 =	sand.u32 $0x4000, s31;
	s1 =	sadd.s32 s1, s30  }
0xc2: {  	s0 =	sor.u32 s3, s0;
	s1 =	sshll.u32 s1, $0x11  }
0xc3: {  	s0 =	sor.u32 s1, s0  }
0xc4: {  	s0 =	sadd.s32 $0x8F2B, s0  }
0xc5: {  	[sflag:s0] =	ssyncadd.remote.s32 $0x1  }
0xc6: {  	_ =	sfence.sel $0xFFFF  }
0xc7: {  	[dreg:$0x0] =	wrdreg $0xFFFFFFFF;
	(pc) =	sbr.abs _section_cstart, $3  }
0xc8: {  	[dreg:$0x1] =	wrdreg $0xFFFFFFFF  }
0xc9: {  	_ =	task.clear_ibuf [dreg:s8], $0x2FFFF;
	_ =	strace $0x9FFFFFFF  }
0xca: {  	(tm) =	ssettm $0x7FFFFFFF  }
0xcb: {  	_ =	shalt  }
tec
execute0_lowered:
.L_overlay_start_1:
0x0: {  	(tag) =	ssettag $0x1  }
0x1: {  	s10 =	rddreg [dreg:$0x0]  }
0x2: {  	s6 =	rddreg [dreg:$0x1]  }
0x3: {  	s2 =	rddreg [dreg:$0x2]  }
0x4: {  	s0 =	srdreg.scid;
	s3 =	rddreg [dreg:$0x3];
	s4 =	simm.s32 $0x0  }
0x5: {  	s15 =	simm.s32 $0x1B800;
	s16 =	simm.s32 $0x2;
	s17 =	simm.s32 $0x14000  }
0x6: {  	s18 =	simm.s32 $0x16800;
	s19 =	simm.s32 $0x19000;
	s5 =	sand.u32 $0x1, s0  }
0x7: {  	s20 =	simm.s32 $0x80;
	s0 =	stileid.u32;
	s7 =	smul.u32 $0x140000, s5  }
0x8: {  	s21 =	simm.s32 $0x1;
	s1 =	sshll.u32 s5, $0x4;
	s8 =	smul.u32 $0x14000, s0  }
0x9: {  	s9 =	smul.u32 $0x50000, s0;
	s29 =	ssub.s32 $0x2, s5;
	s1 =	sor.u32 s0, s1  }
0xa: {  	[smem:$0x7FF] =	sst s4;
	s31 =	sshrl.u32 s29, $0x1;
	s11 =	smul.u32 $0x500, s1  }
0xb: {  	s1 =	rddreg [dreg:$0x4];
	_ =	strace $0x8000004D;
	s7 =	sadd.s32 s8, s7  }
0xc: {  	s30 =	sshrl.u32 s9, $0x2;
	s14 =	ssub.s32 s29, s31;
	s7 =	sshrl.u32 s7, $0x3  }
0xd: {  	s5 =	sadd.s32 s30, s3;
	s14 =	smax.u32 s14, $0x1;
	s12 =	sadd.s32 s11, s6  }
0xe: {  	s13 =	sadd.s32 s7, s6;
	s6 =	sadd.s32 $0x4000, s5;
	s7 =	sadd.s32 $0x8000, s5  }
0xf: {  	s8 =	sadd.s32 $0xC000, s5;
	s9 =	sadd.s32 $0x10000, s5;
	s10 =	sadd.s32 s10, s11  }
0x10: {  	v0 =	vimm.f32 $0.0e+00;
	s11 =	sadd.s32 $0x2400, s12;
	s12 =	sadd.s32 $0xCA00, s12;
	s13 =	sadd.s32 $0x16A00, s13  }
.LBB2_1:
0x11: {  	s22 =	simm.s32 $0x0;
	s23 =	simm.s32 $0x200  }
.LBB2_2:
0x12: {  	p0 =	sne.s32 s23, $0xFE00;
	[tilespmem:s22+$0x1B870] =	vst v0  }
0x13: {  	[tilespmem:s22+$0x1B800] =	vst v0  }
0x14: {  	[tilespmem:s22+$0x1B810] =	vst v0  }
.Ltmp0:
0x15: {  	[tilespmem:s22+$0x1B820] =	vst v0;
	(pc) =	sbr.rel @p0 .LBB2_2-.Ltmp0, $4  }
0x16: {  	[tilespmem:s22+$0x1B830] =	vst v0  }
0x17: {  	[tilespmem:s22+$0x1B840] =	vst v0  }
0x18: {  	[tilespmem:s22+$0x1B850] =	vst v0  }
0x19: {  	[tilespmem:s22+$0x1B860] =	vst v0;
	s22 =	sshra.s32 s23, $0x2;
	s23 =	sadd.s32 $0x200, s23  }
0x1a: {  	[tilespmem:s22+$0x1B870] =	vst v0  }
0x1b: {  	[tilespmem:s22+$0x1B800] =	vst v0  }
0x1c: {  	[tilespmem:s22+$0x1B810] =	vst v0  }
0x1d: {  	[tilespmem:s22+$0x1B820] =	vst v0  }
0x1e: {  	[tilespmem:s22+$0x1B830] =	vst v0  }
0x1f: {  	[tilespmem:s22+$0x1B840] =	vst v0  }
0x20: {  	[tilespmem:s22+$0x1B850] =	vst v0  }
0x21: {  	[tilespmem:s22+$0x1B860] =	vst v0  }
0x22: {  	[spmem:s5] =	stream.linear.scatter [tilespmem:s15], [sflag:$0x2], $0x4000, $0x38;
	[tilespmem:$0x1F800] =	vst v63  }
0x23: {  	_ =	swait.ge [sflag:s16], $0x4000  }
0x24: {  	[sflag:s16] =	ssyncset.done $0x0  }
0x25: {  	[sflag:s16] =	ssyncadd.s32 $0xFFFFC000  }
0x26: {  	[spmem:s6] =	stream.linear.scatter [tilespmem:s15], [sflag:$0x2], $0x4000, $0x38;
	[tilespmem:$0x1F800] =	vst v63  }
0x27: {  	_ =	swait.ge [sflag:s16], $0x4000  }
0x28: {  	[sflag:s16] =	ssyncset.done $0x0  }
0x29: {  	[sflag:s16] =	ssyncadd.s32 $0xFFFFC000  }
0x2a: {  	[spmem:s7] =	stream.linear.scatter [tilespmem:s15], [sflag:$0x2], $0x4000, $0x38;
	[tilespmem:$0x1F800] =	vst v63  }
0x2b: {  	_ =	swait.ge [sflag:s16], $0x4000  }
0x2c: {  	[sflag:s16] =	ssyncset.done $0x0  }
0x2d: {  	[sflag:s16] =	ssyncadd.s32 $0xFFFFC000  }
0x2e: {  	[spmem:s8] =	stream.linear.scatter [tilespmem:s15], [sflag:$0x2], $0x4000, $0x38;
	[tilespmem:$0x1F800] =	vst v63  }
0x2f: {  	_ =	swait.ge [sflag:s16], $0x4000  }
0x30: {  	[sflag:s16] =	ssyncset.done $0x0  }
0x31: {  	[sflag:s16] =	ssyncadd.s32 $0xFFFFC000  }
0x32: {  	[spmem:s9] =	stream.linear.scatter [tilespmem:s15], [sflag:$0x2], $0x4000, $0x38;
	[tilespmem:$0x1F800] =	vst v63  }
0x33: {  	_ =	swait.ge [sflag:s16], $0x4000  }
0x34: {  	[sflag:s16] =	ssyncset.done $0x0  }
0x35: {  	s22 =	simm.s32 $0x0;
	[sflag:s16] =	ssyncadd.s32 $0xFFFFC000  }
0x36: {  	[tilespmem:s17], [sflag:$0x2] =	stream.linear.gather [hbm4b:s10+s22], $0x2800, $0x38;
	[tilespmem:$0x1F800] =	vst v63  }
0x37: {  	_ =	swait.ge [sflag:s16], $0x2800  }
0x38: {  	[sflag:s16] =	ssyncset.done $0x0  }
0x39: {  	[sflag:s16] =	ssyncadd.s32 $0xFFFFD800  }
0x3a: {  	[tilespmem:s18], [sflag:$0x2] =	stream.linear.gather [hbm4b:s11+s22], $0x2800, $0x38;
	[tilespmem:$0x1F800] =	vst v63  }
0x3b: {  	_ =	swait.ge [sflag:s16], $0x2800  }
0x3c: {  	[sflag:s16] =	ssyncset.done $0x0  }
0x3d: {  	[sflag:s16] =	ssyncadd.s32 $0xFFFFD800  }
0x3e: {  	[tilespmem:s19], [sflag:$0x2] =	stream.linear.gather [hbm4b:s12+s22], $0x2800, $0x38;
	[tilespmem:$0x1F800] =	vst v63  }
0x3f: {  	_ =	swait.ge [sflag:s16], $0x2800  }
0x40: {  	[sflag:s16] =	ssyncset.done $0x0  }
0x41: {  	[sflag:s16] =	ssyncadd.s32 $0xFFFFD800  }
0x42: {  	s23 =	simm.s32 $0x0;
	[bflag:$0x0] =	sbarrier.arrive $0xFFFF  }
.LBB2_4:
0x43: {  	s24 =	sshll.u32 s23, $0x7;
	v2 =	vmov s22  }
0x44: {  	s25 =	sadd.s32 $0x14000, s24;
	v1 =	vmov s24;
	v2 =	vand.u32 $0x7F, v2  }
0x45: {  	[tilespmem:s15], [sflag:$0x1] =	stream.indirect.gather [hbm4b:s2+s20], $0x80, s25, s20, $0xb8;
	v2 =	vadd.s32 v1, v2;
	[tilespmem:$0x1F800] =	vst v63  }
0x46: {  	_ =	swait.ge [sflag:s21], $0x4000;
	v2 =	vbroadcast v2, $0x0  }
0x47: {  	[sflag:s21] =	ssyncset.done $0x0  }
0x48: {  	s25 =	simm.s32 $0x1B840;
	[sflag:s21] =	ssyncadd.s32 $0xFFFFC000  }
0x49: {  	v6 =	vld [tilespmem:s25+$0x30]  }
0x4a: {  	v9 =	vld [tilespmem:s25+$0x10]  }
0x4b: {  	v7 =	vld [tilespmem:s25+$0xFFFFFFC0]  }
0x4c: {  	v3 =	vld.idx.msk [tilespmem:v2+s19+$0x0], $0xffff  }
0x4d: {  	v12 =	vld [tilespmem:s25+$0xFFFFFFE0]  }
0x4e: {  	v4 =	vld [tilespmem:s25+$0x20]  }
0x4f: {  	v5 =	vld [tilespmem:s25+$0xFFFFFFD0]  }
0x50: {  	v2 =	vld [tilespmem:s25+$0xFFFFFFF0]  }
0x51: {  	v10 =	vmul.f32 v6, v3;
	v6 =	vld [tilespmem:s25+$0x0]  }
0x52: {  	s26 =	simm.s32 $0x1;
	v8 =	vmul.f32 v7, v3  }
0x53: {  	s28 =	simm.s32 $0x2;
	v11 =	vmov s26;
	s26 =	simm.s32 $0x1B840;
	v7 =	vmul.f32 v12, v3;
	v9 =	vmul.f32 v9, v3  }
.LBB2_5:
0x54: {  	p0 =	sne.s32 s28, $0x7F  }
0x55: {  	v11 =	vand.u32 $0x7F, v11;
	v5 =	vmul.f32 v5, v3;
	v4 =	vmul.f32 v4, v3;
	[tilespmem:s25+$0x30] =	vst v10;
	s26 =	sadd.s32 $0x80, s26;
	s29 =	smov.u32 s28;
	s28 =	sadd.s32 $0x1, s28  }
0x56: {  	v10 =	vadd.s32 v1, v11;
	[tilespmem:s25+$0xFFFFFFC0] =	vst v8;
	v8 =	vmul.f32 v2, v3;
	v3 =	vmul.f32 v6, v3  }
0x57: {  	v6 =	vbroadcast v10, $0x0;
	[tilespmem:s25+$0x10] =	vst v9  }
0x58: {  	[tilespmem:s25+$0xFFFFFFE0] =	vst v7  }
0x59: {  	v2 =	vld [tilespmem:s26+$0xFFFFFFF0];
	[tilespmem:s25+$0xFFFFFFF0] =	vst v8  }
0x5a: {  	v7 =	vld [tilespmem:s26+$0x30];
	[tilespmem:s25+$0x0] =	vst v3  }
0x5b: {  	v9 =	vld [tilespmem:s26+$0x10];
	[tilespmem:s25+$0x20] =	vst v4  }
0x5c: {  	v8 =	vld [tilespmem:s26+$0xFFFFFFC0];
	[tilespmem:s25+$0xFFFFFFD0] =	vst v5;
	s25 =	smov.u32 s26  }
0x5d: {  	v3 =	vld.idx.msk [tilespmem:v6+s19+$0x0], $0xffff  }
0x5e: {  	v12 =	vld [tilespmem:s26+$0xFFFFFFE0]  }
0x5f: {  	v4 =	vld [tilespmem:s26+$0x20]  }
.Ltmp1:
0x60: {  	v5 =	vld [tilespmem:s26+$0xFFFFFFD0];
	(pc) =	sbr.rel @p0 .LBB2_5-.Ltmp1, $3  }
0x61: {  	v6 =	vld [tilespmem:s26+$0x0];
	_ =	sdelay $0x1  }
0x62: {  	v8 =	vmul.f32 v8, v3;
	v10 =	vmul.f32 v7, v3  }
0x63: {  	v11 =	vmov s29;
	v9 =	vmul.f32 v9, v3;
	v7 =	vmul.f32 v12, v3  }
0x64: {  	[tilespmem:s25+$0x30] =	vst v10;
	v58 =	vand.u32 $0x7F, v11  }
0x65: {  	[tilespmem:s25+$0xFFFFFFC0] =	vst v8;
	v1 =	vadd.s32 v1, v58  }
0x66: {  	v2 =	vmul.f32 v2, v3;
	[tilespmem:s25+$0x10] =	vst v9;
	v1 =	vbroadcast v1, $0x0  }
0x67: {  	s26 =	sadd.s32 $0x80, s26;
	[tilespmem:s25+$0xFFFFFFE0] =	vst v7;
	v6 =	vmul.f32 v6, v3  }
0x68: {  	v4 =	vmul.f32 v4, v3;
	v3 =	vmul.f32 v5, v3;
	v7 =	vld [tilespmem:s26+$0xFFFFFFF0];
	[tilespmem:s25+$0xFFFFFFF0] =	vst v2  }
0x69: {  	v2 =	vld [tilespmem:s26+$0x30];
	[tilespmem:s25+$0x0] =	vst v6  }
0x6a: {  	v60 =	vld [tilespmem:s26+$0xFFFFFFC0];
	[tilespmem:s25+$0xFFFFFFD0] =	vst v3  }
0x6b: {  	v59 =	vld [tilespmem:s26+$0x10];
	[tilespmem:s25+$0x20] =	vst v4  }
0x6c: {  	v1 =	vld.idx.msk [tilespmem:v1+s19+$0x0], $0xffff;
	_ =	sdelay $0x2  }
0x6d: {  	v6 =	vld [tilespmem:s26+$0x0]  }
0x6e: {  	v3 =	vld [tilespmem:s26+$0xFFFFFFE0]  }
0x6f: {  	v2 =	vmul.f32 v2, v1  }
0x70: {  	v61 =	vld [tilespmem:s26+$0x20];
	v4 =	vmul.f32 v60, v1  }
0x71: {  	v62 =	vld [tilespmem:s26+$0xFFFFFFD0];
	v5 =	vmul.f32 v59, v1;
	[tilespmem:s26+$0x30] =	vst v2  }
0x72: {  	v63 =	vmul.f32 v6, v1;
	[tilespmem:s26+$0xFFFFFFC0] =	vst v4  }
0x73: {  	v2 =	vmul.f32 v3, v1;
	[tilespmem:s26+$0x10] =	vst v5  }
0x74: {  	v3 =	vmul.f32 v7, v1;
	[tilespmem:s26+$0x0] =	vst v63  }
0x75: {  	[tilespmem:s26+$0xFFFFFFE0] =	vst v2;
	v2 =	vmul.f32 v61, v1  }
0x76: {  	s23 =	sadd.s32 $0x1, s23;
	[tilespmem:s26+$0xFFFFFFF0] =	vst v3;
	v1 =	vmul.f32 v62, v1  }
0x77: {  	p0 =	sne.s32 s23, $0x50;
	[tilespmem:s26+$0x20] =	vst v2  }
.Ltmp2:
0x78: {  	s24 =	sadd.s32 $0x16800, s24;
	[tilespmem:s26+$0xFFFFFFD0] =	vst v1;
	(pc) =	sbr.rel @p0 .LBB2_4-.Ltmp2, $4  }
0x79: {  	[spmem:s3] =	stream.indirect.scatter.add.f32 [tilespmem:s15], [sflag:$0x2], $0x80, s24, s20, $0xb8;
	[tilespmem:$0x1F800] =	vst v63  }
0x7a: {  	_ =	swait.ge [sflag:s16], $0x4000  }
0x7b: {  	[sflag:s16] =	ssyncset.done $0x0  }
0x7c: {  	[sflag:s16] =	ssyncadd.s32 $0xFFFFC000  }
0x7d: {  	s4 =	sadd.s32 $0x1, s4  }
0x7e: {  	s22 =	sshll.u32 s0, $0x6;
	[bflag:$0x0] =	sbarrier.arrive $0xFFFF;
	p0 =	sne.s32 s4, s14  }
.Ltmp3:
0x7f: {  	s23 =	sshrl.u32 s5, $0x3;
	s22 =	sor.u32 $0x1C02, s22;
	(pc) =	sbr.rel @p0 .LBB2_1-.Ltmp3, $4  }
0x80: {  	[hbm:s13], [sflag:s22] =	dma.local [spmem:s23], $0x2800  }
0x81: {  	_ =	swait.ge [sflag:s16], $0x2800  }
0x82: {  	[sflag:s16] =	ssyncset.done $0x0  }
0x83: {  	[sflag:s16] =	ssyncadd.s32 $0xFFFFD800  }
0x84: {  	_ =	sfence.sel $0x180000  }
0x85: {  	[bflag:$0x0] =	sbarrier.arrive $0xFFFF  }
0x86: {  	p0 =	sne.s32 s0, $0x0;
	_ =	strace $0x9000004D  }
0x87: {  	s0 =	sadd.s32 @!p0 $0x100000, s1;
	[bflag:$0x2] =	sbarrier.arrive $0xFFFF  }
0x88: {  	[sflag:s0] =	ssyncadd.tile.s32 @!p0 $0x1;
	_ =	shalt  }
.Lfunc_end2:
_tile_overlayer_lowered:
.L_overlay_start_2:
0x89: {  	(tag) =	ssettag $0x2  }
0x8a: {  	s0 =	rddreg [dreg:$0x0];
	s2 =	stileid.u32  }
0x8b: {  	s1 =	rddreg [dreg:$0x1];
	p0 =	sne.s32 s2, $0x0  }
0x8c: {  	s3 =	rddreg [dreg:$0x2];
	[bflag:$0x3] =	sbarrier.arrive $0xFFFF;
	s2 =	simm.s32 @!p0 $0x1C02  }
0x8d: {  	[timem:s3], [sflag:s2] =	dma.local @!p0 [hbm:s0], s1  }
0x8e: {  	s0 =	simm.s32 @!p0 $0x2  }
0x8f: {  	_ =	swait.ge @!p0 [sflag:s0], s1  }
0x90: {  	s1 =	ssub.s32 @!p0 $0x0, s1;
	[sflag:s0] =	ssyncset.done @!p0 $0x0  }
0x91: {  	[sflag:s0] =	ssyncadd.s32 @!p0 s1  }
0x92: {  	[bflag:$0x3] =	sbarrier.arrive $0xFFFF  }
0x93: {  	_ =	shalt  }

// kernel: kernel.20.cloned.1.call-start
scs
__scs_entry_jumppad:
0x0: {  	(pc) =	sbr.rel $0x88, $3  }
0x1: {  	(tag) =	ssettag $0x0;
	lr =	simm.s32 $0x1  }
0x2: {  	[smem:$0x3F9E] =	sst lr;
	_ =	strace $0xD0000000  }
0x3: {  	_ = 	snop  }
0x4: {  	_ = 	snop  }
0x5: {  	_ = 	snop  }
0x6: {  	_ = 	snop  }
0x7: {  	_ = 	snop  }
__scs_overlays_trampoline_lowered:
0x8: {  	[smem:$0x3FAD] =	sst s0  }
0x9: {  	[smem:$0x3FAE] =	sst s1  }
0xa: {  	[smem:$0x3FAF] =	sst s2  }
0xb: {  	[smem:$0x3FB0] =	sst s3  }
0xc: {  	[smem:$0x3FB1] =	sst s4  }
0xd: {  	[smem:$0x3FB2] =	sst s5  }
0xe: {  	[smem:$0x3FB3] =	sst s6  }
0xf: {  	[smem:$0x3FB4] =	sst s7  }
0x10: {  	[smem:$0x3FB5] =	sst s8  }
0x11: {  	[smem:$0x3FB6] =	sst s9;
	s0 =	simm.s32 @!p0 $0x0  }
0x12: {  	s1 =	sld [smem:$0x3F9C];
	s0 =	simm.s32 @p0 $0x1  }
0x13: {  	[smem:$0x3FB7] =	sst s0;
	s0 =	simm.s32 @!p1 $0x0  }
0x14: {  	s2 =	sld [smem:$0x3F9B];
	s0 =	simm.s32 @p1 $0x1  }
0x15: {  	[smem:$0x3FB8] =	sst s0;
	s0 =	simm.s32 @!p2 $0x0  }
0x16: {  	s3 =	sld [smem:$0x3FDB];
	s0 =	simm.s32 @p2 $0x1  }
0x17: {  	s4 =	simm.s32 $0x1BF5;
	[smem:$0x3FBA] =	sst s0  }
0x18: {  	s0 =	sld [smem:$0x3F9D];
	_ =	swait.ge [sflag:s4], $0x0  }
0x19: {  	s7 =	sld [smem:$0x3F9E]  }
0x1a: {  	s8 =	sadd.s32 $0xFFFFE003, lr  }
0x1b: {  	s9 =	sadd.s32 $0xFFFFFEF7, lr;
	s5 =	simm.s32 $0xFFFFFFFF;
	p2 =	slt.u32 s8, $0xFFFFF086  }
0x1c: {  	p1 =	slt.u32 s9, $0xF7A;
	s5 =	simm.s32 @!p2 $0x0  }
0x1d: {  	s5 =	simm.s32 @p1 $0x1;
	p0 =	seq.s32 s7, s2  }
0x1e: {  	s7 =	smul.u32 @!p0 $0xF7A, s2;
	p2 =	seq.s32 @!p0 s5, $0x0  }
0x1f: {  	s9 =	smul.u32 $0xF7A, s1;
	s8 =	simm.s32 @!p0 $0x1BF5;
	p2 =	por !p2, p0  }
0x20: {  	[sflag:s8] =	ssyncset.s32 @!p0 $0xFFFFF086;
	s6 =	sadd.s32 @!p0 s3, s7;
	s7 =	simm.s32 @!p0 $0x108  }
0x21: {  	s3 =	sadd.s32 s3, s9;
	s6 =	sadd.s32 @!p0 $0x88, s6;
	s7 =	simm.s32 @p2 $0x1082  }
0x22: {  	[simem:s7], [sflag:s8] =	dma.local @!p0 [hbm:s6], $0xF7A  }
0x23: {  	s9 =	sor.u32 $0xD0000000, s2;
	s6 =	simm.s32 $0x108;
	_ =	swait.ge @!p0 [sflag:s8], $0x0  }
0x24: {  	s3 =	sadd.s32 $0x88, s3;
	s6 =	simm.s32 @!p1 $0x1082;
	[sflag:s4] =	ssyncset.s32 $0xFFFFF086  }
0x25: {  	[simem:s6], [sflag:s4] =	dma.local [hbm:s3], $0xF7A  }
0x26: {  	[smem:$0x3F9E] =	sst s1;
	(tag) =	ssettag s2;
	_ =	strace s9  }
0x27: {  	s1 =	sld [smem:$0x3FAE]  }
0x28: {  	s2 =	sld [smem:$0x3FAF]  }
0x29: {  	s4 =	sld [smem:$0x3FB1]  }
0x2a: {  	p0 =	seq.s32 s5, $0x0;
	s5 =	sld [smem:$0x3FB2]  }
0x2b: {  	s6 =	sld [smem:$0x3FB3]  }
0x2c: {  	s7 =	sld [smem:$0x3FB4]  }
0x2d: {  	s3 =	simm.s32 $0x108;
	s8 =	sld [smem:$0x3FB5]  }
0x2e: {  	s3 =	simm.s32 @!p0 $0x1082;
	s9 =	sld [smem:$0x3FB6]  }
0x2f: {  	lr =	sadd.s32 s0, s3;
	s0 =	sld [smem:$0x3FAD]  }
0x30: {  	s3 =	sld [smem:$0x3FB0]  }
0x31: {  	[smem:$0x3FB9] =	sst s10  }
0x32: {  	s10 =	sld [smem:$0x3FB7];
	_ =	sdelay $0x3  }
0x33: {  	p0 =	seq.s32 s10, $0x1;
	s10 =	sld [smem:$0x3FB9];
	_ =	sdelay $0x3  }
0x34: {  	[smem:$0x3FB9] =	sst s10  }
0x35: {  	s10 =	sld [smem:$0x3FB8];
	_ =	sdelay $0x3  }
0x36: {  	p1 =	seq.s32 s10, $0x1;
	s10 =	sld [smem:$0x3FB9];
	_ =	sdelay $0x3  }
0x37: {  	[smem:$0x3FB9] =	sst s10  }
0x38: {  	s10 =	sld [smem:$0x3FBA]  }
0x39: {  	_ = 	snop;
	(pc) =	sbr.ind lr, $3  }
0x3a: {  	_ = 	snop  }
0x3b: {  	_ = 	snop  }
0x3c: {  	p2 =	seq.s32 s10, $0x1;
	s10 =	sld [smem:$0x3FB9]  }
0x3d: {  	_ =	shalt  }
0x3e: {  	_ =	shalt  }
0x3f: {  	_ =	shalt  }
0x40: {  	_ =	shalt  }
0x41: {  	_ =	shalt  }
0x42: {  	_ =	shalt  }
0x43: {  	_ =	shalt  }
0x44: {  	_ =	shalt  }
0x45: {  	_ =	shalt  }
0x46: {  	_ =	shalt  }
0x47: {  	_ =	shalt  }
0x48: {  	_ =	shalt  }
0x49: {  	_ =	shalt  }
0x4a: {  	_ =	shalt  }
0x4b: {  	_ =	shalt  }
0x4c: {  	_ =	shalt  }
0x4d: {  	_ =	shalt  }
0x4e: {  	_ =	shalt  }
0x4f: {  	_ =	shalt  }
0x50: {  	_ =	shalt  }
0x51: {  	_ =	shalt  }
0x52: {  	_ =	shalt  }
0x53: {  	_ =	shalt  }
0x54: {  	_ =	shalt  }
0x55: {  	_ =	shalt  }
0x56: {  	_ =	shalt  }
0x57: {  	_ =	shalt  }
0x58: {  	_ =	shalt  }
0x59: {  	_ =	shalt  }
0x5a: {  	_ =	shalt  }
0x5b: {  	_ =	shalt  }
0x5c: {  	_ =	shalt  }
0x5d: {  	_ =	shalt  }
0x5e: {  	_ =	shalt  }
0x5f: {  	_ =	shalt  }
0x60: {  	_ =	shalt  }
0x61: {  	_ =	shalt  }
0x62: {  	_ =	shalt  }
0x63: {  	_ =	shalt  }
0x64: {  	_ =	shalt  }
0x65: {  	_ =	shalt  }
0x66: {  	_ =	shalt  }
0x67: {  	_ =	shalt  }
0x68: {  	_ =	shalt  }
0x69: {  	_ =	shalt  }
0x6a: {  	_ =	shalt  }
0x6b: {  	_ =	shalt  }
0x6c: {  	_ =	shalt  }
0x6d: {  	_ =	shalt  }
0x6e: {  	_ =	shalt  }
0x6f: {  	_ =	shalt  }
0x70: {  	_ =	shalt  }
0x71: {  	_ =	shalt  }
0x72: {  	_ =	shalt  }
0x73: {  	_ =	shalt  }
0x74: {  	_ =	shalt  }
0x75: {  	_ =	shalt  }
0x76: {  	_ =	shalt  }
0x77: {  	_ =	shalt  }
0x78: {  	_ =	shalt  }
0x79: {  	_ =	shalt  }
0x7a: {  	_ =	shalt  }
0x7b: {  	_ =	shalt  }
0x7c: {  	_ =	shalt  }
0x7d: {  	_ =	shalt  }
0x7e: {  	_ =	shalt  }
0x7f: {  	_ =	shalt  }
0x80: {  	_ =	shalt  }
0x81: {  	_ =	shalt  }
0x82: {  	_ =	shalt  }
0x83: {  	_ =	shalt  }
0x84: {  	_ =	shalt  }
0x85: {  	_ =	shalt  }
0x86: {  	_ =	shalt  }
0x87: {  	_ =	shalt  }
.Lfunc_end0:
.L_simem_size_0:
called_computation.3_lowered:
.L_overlay_start_0:
0x88: {  	s2 =	sld [smem:$0x3FD9]  }
0x89: {  	s3 =	sld [smem:$0x3FFE];
	_ =	sdelay $0x1  }
0x8a: {  	s1 =	srdreg.scid  }
0x8b: {  	s0 =	sand.u32 $0x1, s1  }
0x8c: {  	s14 =	sshll.u32 s0, $0xA;
	s2 =	sadd.s32 s3, s2  }
0x8d: {  	s2 =	sadd.s32 s2, s14  }
0x8e: {  	[smem:$0x3FC5] =	sst s2  }
0x8f: {  	_ = 	snop  }
0x90: {  	s2 =	sld [smem:$0x3FD0];
	_ =	sdelay $0x2  }
0x91: {  	s15 =	simm.s32 $0xA;
	s4 =	simm.s32 $0x10  }
0x92: {  	[smem:s4], [sflag:s15] =	dma.local [hbm:s2], $0x1  }
0x93: {  	_ =	swait.eq [sflag:s15], $0x1  }
0x94: {  	[sflag:s15] =	ssyncset.done $0x0  }
0x95: {  	s16 =	sld [smem:$0x10];
	[sflag:s15] =	ssyncadd.s32 $0xFFFFFFFF  }
0x96: {  	s17 =	sld [smem:$0x11];
	(tm) =	ssettm $0x1  }
0x97: {  	s18 =	sld [smem:$0x3FFB];
	_ =	sdelay $0x3  }
0x98: {  	_ =	strace s18  }
0x99: {  	s4 =	sld [smem:$0x3FFC];
	_ =	sdelay $0x3  }
0x9a: {  	_ =	strace s4  }
0x9b: {  	s4 =	sld [smem:$0x3FFD];
	_ =	sdelay $0x3  }
0x9c: {  	_ =	strace s4  }
0x9d: {  	_ =	strace $0x8FFFFFFF  }
0x9e: {  	s19 =	sld [smem:$0x3FDB];
	_ =	sdelay $0x1  }
0x9f: {  	s5 =	simm.s32 $_scs_section_size  }
0xa0: {  	s6 =	simm.s32 $_size__tile_overlayer_lowered;
	s7 =	simm.s32 $_tile_overlayer_lowered  }
0xa1: {  	s22 =	simm.s32 $0x1BFF;
	s21 =	sshll.u32 s7, $0x1;
	s4 =	sadd.s32 s5, s19  }
0xa2: {  	s8 =	simm.s32 $0x0;
	s20 =	sshll.u32 s6, $0x1;
	s6 =	sadd.s32 s21, s4  }
0xa3: {  	[timem:s8], [sflag:s22] =	dma.local [hbm:s6], s20  }
0xa4: {  	_ =	swait.ge [sflag:s22], s20  }
0xa5: {  	s5 =	ssub.s32 $0x0, s20;
	[sflag:s22] =	ssyncset.done $0x0  }
0xa6: {  	[sflag:s22] =	ssyncadd.s32 s5;
	_ =	sdelay $0x1  }
0xa7: {  	s23 =	simm.s32 $0x1B8B  }
0xa8: {  	_ =	swait.ge [sflag:s23], $0x1  }
0xa9: {  	[sflag:s23] =	ssyncset.done $0x0  }
0xaa: {  	s25 =	simm.s32 $0x1B8E;
	s24 =	sld [smem:$0x3FFE];
	[sflag:s23] =	ssyncadd.s32 $0xFFFFFFFF  }
0xab: {  	s26 =	simm.s32 $execute0_lowered;
	[smem:$0x3FD2] =	sst s25  }
0xac: {  	s6 =	sshll.u32 s26, $0x1;
	_ =	strace $0x8000004F;
	[dreg:$0x1] =	wrdreg $0xFFFFFFFF  }
0xad: {  	s28 =	simm.s32 $_size_execute0_lowered;
	s4 =	sadd.s32 s4, s6;
	[dreg:$0x0] =	wrdreg $0x0  }
0xae: {  	s6 =	sshll.u32 s28, $0x1;
	[dreg:$0x2] =	wrdreg s4  }
0xaf: {  	[dreg:$0x3] =	wrdreg s6  }
0xb0: {  	[dreg:$0x4] =	wrdreg $0xC0  }
0xb1: {  	_ =	task [dreg:s8], $0x5FFFF  }
0xb2: {  	[dreg:$0x1] =	wrdreg $0xFFFFFFFF  }
0xb3: {  	[dreg:$0x0] =	wrdreg $0x60  }
0xb4: {  	[dreg:$0x2] =	wrdreg s16  }
0xb5: {  	[dreg:$0x3] =	wrdreg s24  }
0xb6: {  	[dreg:$0x4] =	wrdreg s17  }
0xb7: {  	[dreg:$0x5] =	wrdreg $0x0  }
0xb8: {  	[dreg:$0x6] =	wrdreg $0x9  }
0xb9: {  	_ =	task.clear_ibuf [dreg:s8], $0x7FFFF;
	_ =	strace $0x9000004F  }
0xba: {  	s29 =	simm.s32 $0x9;
	_ =	strace $0x80000051  }
0xbb: {  	_ =	swait.ge [sflag:s29], $0x1  }
0xbc: {  	[sflag:s29] =	ssyncadd.s32 $0xFFFFFFFF  }
0xbd: {  	_ =	strace $0x90000051  }
0xbe: {  	_ =	sfence  }
0xbf: {  	s30 =	sld [smem:$0x0];
	_ =	sdelay $0x2  }
0xc0: {  	s31 =	sshll.u32 s1, $0xD;
	s1 =	sshrl.u32 s1, $0x2  }
0xc1: {  	s3 =	sand.u32 $0x4000, s31;
	s1 =	sadd.s32 s1, s30  }
0xc2: {  	s0 =	sor.u32 s3, s0;
	s1 =	sshll.u32 s1, $0x11  }
0xc3: {  	s0 =	sor.u32 s1, s0  }
0xc4: {  	s0 =	sadd.s32 $0x8F2B, s0  }
0xc5: {  	[sflag:s0] =	ssyncadd.remote.s32 $0x1  }
0xc6: {  	_ =	sfence.sel $0xFFFF  }
0xc7: {  	[dreg:$0x0] =	wrdreg $0xFFFFFFFF;
	(pc) =	sbr.abs _section_cstart, $3  }
0xc8: {  	[dreg:$0x1] =	wrdreg $0xFFFFFFFF  }
0xc9: {  	_ =	task.clear_ibuf [dreg:s8], $0x2FFFF;
	_ =	strace $0x9FFFFFFF  }
0xca: {  	(tm) =	ssettm $0x7FFFFFFF  }
0xcb: {  	_ =	shalt  }
tec
execute0_lowered:
.L_overlay_start_1:
0x0: {  	(tag) =	ssettag $0x1  }
0x1: {  	s10 =	rddreg [dreg:$0x0]  }
0x2: {  	s6 =	rddreg [dreg:$0x1]  }
0x3: {  	s2 =	rddreg [dreg:$0x2]  }
0x4: {  	s0 =	srdreg.scid;
	s3 =	rddreg [dreg:$0x3];
	s4 =	simm.s32 $0x0  }
0x5: {  	s15 =	simm.s32 $0x1B800;
	s16 =	simm.s32 $0x2;
	s17 =	simm.s32 $0x14000  }
0x6: {  	s18 =	simm.s32 $0x16800;
	s19 =	simm.s32 $0x19000;
	s5 =	sand.u32 $0x1, s0  }
0x7: {  	s20 =	simm.s32 $0x80;
	s0 =	stileid.u32;
	s7 =	smul.u32 $0x140000, s5  }
0x8: {  	s21 =	simm.s32 $0x1;
	s1 =	sshll.u32 s5, $0x4;
	s8 =	smul.u32 $0x14000, s0  }
0x9: {  	s9 =	smul.u32 $0x50000, s0;
	s29 =	ssub.s32 $0x2, s5;
	s1 =	sor.u32 s0, s1  }
0xa: {  	[smem:$0x7FF] =	sst s4;
	s31 =	sshrl.u32 s29, $0x1;
	s11 =	smul.u32 $0x500, s1  }
0xb: {  	s1 =	rddreg [dreg:$0x4];
	_ =	strace $0x80000050;
	s7 =	sadd.s32 s8, s7  }
0xc: {  	s30 =	sshrl.u32 s9, $0x2;
	s14 =	ssub.s32 s29, s31;
	s7 =	sshrl.u32 s7, $0x3  }
0xd: {  	s5 =	sadd.s32 s30, s3;
	s14 =	smax.u32 s14, $0x1;
	s12 =	sadd.s32 s11, s6  }
0xe: {  	s13 =	sadd.s32 s7, s6;
	s6 =	sadd.s32 $0x4000, s5;
	s7 =	sadd.s32 $0x8000, s5  }
0xf: {  	s8 =	sadd.s32 $0xC000, s5;
	s9 =	sadd.s32 $0x10000, s5;
	s10 =	sadd.s32 s10, s11  }
0x10: {  	v0 =	vimm.f32 $0.0e+00;
	s11 =	sadd.s32 $0x2400, s12;
	s12 =	sadd.s32 $0xCA00, s12;
	s13 =	sadd.s32 $0x16A00, s13  }
.LBB2_1:
0x11: {  	s22 =	simm.s32 $0x0;
	s23 =	simm.s32 $0x200  }
.LBB2_2:
0x12: {  	p0 =	sne.s32 s23, $0xFE00;
	[tilespmem:s22+$0x1B870] =	vst v0  }
0x13: {  	[tilespmem:s22+$0x1B800] =	vst v0  }
0x14: {  	[tilespmem:s22+$0x1B810] =	vst v0  }
.Ltmp0:
0x15: {  	[tilespmem:s22+$0x1B820] =	vst v0;
	(pc) =	sbr.rel @p0 .LBB2_2-.Ltmp0, $4  }
0x16: {  	[tilespmem:s22+$0x1B830] =	vst v0  }
0x17: {  	[tilespmem:s22+$0x1B840] =	vst v0  }
0x18: {  	[tilespmem:s22+$0x1B850] =	vst v0  }
0x19: {  	[tilespmem:s22+$0x1B860] =	vst v0;
	s22 =	sshra.s32 s23, $0x2;
	s23 =	sadd.s32 $0x200, s23  }
0x1a: {  	[tilespmem:s22+$0x1B870] =	vst v0  }
0x1b: {  	[tilespmem:s22+$0x1B800] =	vst v0  }
0x1c: {  	[tilespmem:s22+$0x1B810] =	vst v0  }
0x1d: {  	[tilespmem:s22+$0x1B820] =	vst v0  }
0x1e: {  	[tilespmem:s22+$0x1B830] =	vst v0  }
0x1f: {  	[tilespmem:s22+$0x1B840] =	vst v0  }
0x20: {  	[tilespmem:s22+$0x1B850] =	vst v0  }
0x21: {  	[tilespmem:s22+$0x1B860] =	vst v0  }
0x22: {  	[spmem:s5] =	stream.linear.scatter [tilespmem:s15], [sflag:$0x2], $0x4000, $0x38;
	[tilespmem:$0x1F800] =	vst v63  }
0x23: {  	_ =	swait.ge [sflag:s16], $0x4000  }
0x24: {  	[sflag:s16] =	ssyncset.done $0x0  }
0x25: {  	[sflag:s16] =	ssyncadd.s32 $0xFFFFC000  }
0x26: {  	[spmem:s6] =	stream.linear.scatter [tilespmem:s15], [sflag:$0x2], $0x4000, $0x38;
	[tilespmem:$0x1F800] =	vst v63  }
0x27: {  	_ =	swait.ge [sflag:s16], $0x4000  }
0x28: {  	[sflag:s16] =	ssyncset.done $0x0  }
0x29: {  	[sflag:s16] =	ssyncadd.s32 $0xFFFFC000  }
0x2a: {  	[spmem:s7] =	stream.linear.scatter [tilespmem:s15], [sflag:$0x2], $0x4000, $0x38;
	[tilespmem:$0x1F800] =	vst v63  }
0x2b: {  	_ =	swait.ge [sflag:s16], $0x4000  }
0x2c: {  	[sflag:s16] =	ssyncset.done $0x0  }
0x2d: {  	[sflag:s16] =	ssyncadd.s32 $0xFFFFC000  }
0x2e: {  	[spmem:s8] =	stream.linear.scatter [tilespmem:s15], [sflag:$0x2], $0x4000, $0x38;
	[tilespmem:$0x1F800] =	vst v63  }
0x2f: {  	_ =	swait.ge [sflag:s16], $0x4000  }
0x30: {  	[sflag:s16] =	ssyncset.done $0x0  }
0x31: {  	[sflag:s16] =	ssyncadd.s32 $0xFFFFC000  }
0x32: {  	[spmem:s9] =	stream.linear.scatter [tilespmem:s15], [sflag:$0x2], $0x4000, $0x38;
	[tilespmem:$0x1F800] =	vst v63  }
0x33: {  	_ =	swait.ge [sflag:s16], $0x4000  }
0x34: {  	[sflag:s16] =	ssyncset.done $0x0  }
0x35: {  	s22 =	simm.s32 $0x0;
	[sflag:s16] =	ssyncadd.s32 $0xFFFFC000  }
0x36: {  	[tilespmem:s17], [sflag:$0x2] =	stream.linear.gather [hbm4b:s10+s22], $0x2800, $0x38;
	[tilespmem:$0x1F800] =	vst v63  }
0x37: {  	_ =	swait.ge [sflag:s16], $0x2800  }
0x38: {  	[sflag:s16] =	ssyncset.done $0x0  }
0x39: {  	[sflag:s16] =	ssyncadd.s32 $0xFFFFD800  }
0x3a: {  	[tilespmem:s18], [sflag:$0x2] =	stream.linear.gather [hbm4b:s11+s22], $0x2800, $0x38;
	[tilespmem:$0x1F800] =	vst v63  }
0x3b: {  	_ =	swait.ge [sflag:s16], $0x2800  }
0x3c: {  	[sflag:s16] =	ssyncset.done $0x0  }
0x3d: {  	[sflag:s16] =	ssyncadd.s32 $0xFFFFD800  }
0x3e: {  	[tilespmem:s19], [sflag:$0x2] =	stream.linear.gather [hbm4b:s12+s22], $0x2800, $0x38;
	[tilespmem:$0x1F800] =	vst v63  }
0x3f: {  	_ =	swait.ge [sflag:s16], $0x2800  }
0x40: {  	[sflag:s16] =	ssyncset.done $0x0  }
0x41: {  	[sflag:s16] =	ssyncadd.s32 $0xFFFFD800  }
0x42: {  	s23 =	simm.s32 $0x0;
	[bflag:$0x0] =	sbarrier.arrive $0xFFFF  }
.LBB2_4:
0x43: {  	s24 =	sshll.u32 s23, $0x7;
	v2 =	vmov s22  }
0x44: {  	s25 =	sadd.s32 $0x14000, s24;
	v1 =	vmov s24;
	v2 =	vand.u32 $0x7F, v2  }
0x45: {  	[tilespmem:s15], [sflag:$0x1] =	stream.indirect.gather [hbm4b:s2+s20], $0x80, s25, s20, $0xb8;
	v2 =	vadd.s32 v1, v2;
	[tilespmem:$0x1F800] =	vst v63  }
0x46: {  	_ =	swait.ge [sflag:s21], $0x4000;
	v2 =	vbroadcast v2, $0x0  }
0x47: {  	[sflag:s21] =	ssyncset.done $0x0  }
0x48: {  	s25 =	simm.s32 $0x1B840;
	[sflag:s21] =	ssyncadd.s32 $0xFFFFC000  }
0x49: {  	v6 =	vld [tilespmem:s25+$0x30]  }
0x4a: {  	v9 =	vld [tilespmem:s25+$0x10]  }
0x4b: {  	v7 =	vld [tilespmem:s25+$0xFFFFFFC0]  }
0x4c: {  	v3 =	vld.idx.msk [tilespmem:v2+s19+$0x0], $0xffff  }
0x4d: {  	v12 =	vld [tilespmem:s25+$0xFFFFFFE0]  }
0x4e: {  	v4 =	vld [tilespmem:s25+$0x20]  }
0x4f: {  	v5 =	vld [tilespmem:s25+$0xFFFFFFD0]  }
0x50: {  	v2 =	vld [tilespmem:s25+$0xFFFFFFF0]  }
0x51: {  	v10 =	vmul.f32 v6, v3;
	v6 =	vld [tilespmem:s25+$0x0]  }
0x52: {  	s26 =	simm.s32 $0x1;
	v8 =	vmul.f32 v7, v3  }
0x53: {  	s28 =	simm.s32 $0x2;
	v11 =	vmov s26;
	s26 =	simm.s32 $0x1B840;
	v7 =	vmul.f32 v12, v3;
	v9 =	vmul.f32 v9, v3  }
.LBB2_5:
0x54: {  	p0 =	sne.s32 s28, $0x7F  }
0x55: {  	v11 =	vand.u32 $0x7F, v11;
	v5 =	vmul.f32 v5, v3;
	v4 =	vmul.f32 v4, v3;
	[tilespmem:s25+$0x30] =	vst v10;
	s26 =	sadd.s32 $0x80, s26;
	s29 =	smov.u32 s28;
	s28 =	sadd.s32 $0x1, s28  }
0x56: {  	v10 =	vadd.s32 v1, v11;
	[tilespmem:s25+$0xFFFFFFC0] =	vst v8;
	v8 =	vmul.f32 v2, v3;
	v3 =	vmul.f32 v6, v3  }
0x57: {  	v6 =	vbroadcast v10, $0x0;
	[tilespmem:s25+$0x10] =	vst v9  }
0x58: {  	[tilespmem:s25+$0xFFFFFFE0] =	vst v7  }
0x59: {  	v2 =	vld [tilespmem:s26+$0xFFFFFFF0];
	[tilespmem:s25+$0xFFFFFFF0] =	vst v8  }
0x5a: {  	v7 =	vld [tilespmem:s26+$0x30];
	[tilespmem:s25+$0x0] =	vst v3  }
0x5b: {  	v9 =	vld [tilespmem:s26+$0x10];
	[tilespmem:s25+$0x20] =	vst v4  }
0x5c: {  	v8 =	vld [tilespmem:s26+$0xFFFFFFC0];
	[tilespmem:s25+$0xFFFFFFD0] =	vst v5;
	s25 =	smov.u32 s26  }
0x5d: {  	v3 =	vld.idx.msk [tilespmem:v6+s19+$0x0], $0xffff  }
0x5e: {  	v12 =	vld [tilespmem:s26+$0xFFFFFFE0]  }
0x5f: {  	v4 =	vld [tilespmem:s26+$0x20]  }
.Ltmp1:
0x60: {  	v5 =	vld [tilespmem:s26+$0xFFFFFFD0];
	(pc) =	sbr.rel @p0 .LBB2_5-.Ltmp1, $3  }
0x61: {  	v6 =	vld [tilespmem:s26+$0x0];
	_ =	sdelay $0x1  }
0x62: {  	v8 =	vmul.f32 v8, v3;
	v10 =	vmul.f32 v7, v3  }
0x63: {  	v11 =	vmov s29;
	v9 =	vmul.f32 v9, v3;
	v7 =	vmul.f32 v12, v3  }
0x64: {  	[tilespmem:s25+$0x30] =	vst v10;
	v58 =	vand.u32 $0x7F, v11  }
0x65: {  	[tilespmem:s25+$0xFFFFFFC0] =	vst v8;
	v1 =	vadd.s32 v1, v58  }
0x66: {  	v2 =	vmul.f32 v2, v3;
	[tilespmem:s25+$0x10] =	vst v9;
	v1 =	vbroadcast v1, $0x0  }
0x67: {  	s26 =	sadd.s32 $0x80, s26;
	[tilespmem:s25+$0xFFFFFFE0] =	vst v7;
	v6 =	vmul.f32 v6, v3  }
0x68: {  	v4 =	vmul.f32 v4, v3;
	v3 =	vmul.f32 v5, v3;
	v7 =	vld [tilespmem:s26+$0xFFFFFFF0];
	[tilespmem:s25+$0xFFFFFFF0] =	vst v2  }
0x69: {  	v2 =	vld [tilespmem:s26+$0x30];
	[tilespmem:s25+$0x0] =	vst v6  }
0x6a: {  	v60 =	vld [tilespmem:s26+$0xFFFFFFC0];
	[tilespmem:s25+$0xFFFFFFD0] =	vst v3  }
0x6b: {  	v59 =	vld [tilespmem:s26+$0x10];
	[tilespmem:s25+$0x20] =	vst v4  }
0x6c: {  	v1 =	vld.idx.msk [tilespmem:v1+s19+$0x0], $0xffff;
	_ =	sdelay $0x2  }
0x6d: {  	v6 =	vld [tilespmem:s26+$0x0]  }
0x6e: {  	v3 =	vld [tilespmem:s26+$0xFFFFFFE0]  }
0x6f: {  	v2 =	vmul.f32 v2, v1  }
0x70: {  	v61 =	vld [tilespmem:s26+$0x20];
	v4 =	vmul.f32 v60, v1  }
0x71: {  	v62 =	vld [tilespmem:s26+$0xFFFFFFD0];
	v5 =	vmul.f32 v59, v1;
	[tilespmem:s26+$0x30] =	vst v2  }
0x72: {  	v63 =	vmul.f32 v6, v1;
	[tilespmem:s26+$0xFFFFFFC0] =	vst v4  }
0x73: {  	v2 =	vmul.f32 v3, v1;
	[tilespmem:s26+$0x10] =	vst v5  }
0x74: {  	v3 =	vmul.f32 v7, v1;
	[tilespmem:s26+$0x0] =	vst v63  }
0x75: {  	[tilespmem:s26+$0xFFFFFFE0] =	vst v2;
	v2 =	vmul.f32 v61, v1  }
0x76: {  	s23 =	sadd.s32 $0x1, s23;
	[tilespmem:s26+$0xFFFFFFF0] =	vst v3;
	v1 =	vmul.f32 v62, v1  }
0x77: {  	p0 =	sne.s32 s23, $0x50;
	[tilespmem:s26+$0x20] =	vst v2  }
.Ltmp2:
0x78: {  	s24 =	sadd.s32 $0x16800, s24;
	[tilespmem:s26+$0xFFFFFFD0] =	vst v1;
	(pc) =	sbr.rel @p0 .LBB2_4-.Ltmp2, $4  }
0x79: {  	[spmem:s3] =	stream.indirect.scatter.add.f32 [tilespmem:s15], [sflag:$0x2], $0x80, s24, s20, $0xb8;
	[tilespmem:$0x1F800] =	vst v63  }
0x7a: {  	_ =	swait.ge [sflag:s16], $0x4000  }
0x7b: {  	[sflag:s16] =	ssyncset.done $0x0  }
0x7c: {  	[sflag:s16] =	ssyncadd.s32 $0xFFFFC000  }
0x7d: {  	s4 =	sadd.s32 $0x1, s4  }
0x7e: {  	s22 =	sshll.u32 s0, $0x6;
	[bflag:$0x0] =	sbarrier.arrive $0xFFFF;
	p0 =	sne.s32 s4, s14  }
.Ltmp3:
0x7f: {  	s23 =	sshrl.u32 s5, $0x3;
	s22 =	sor.u32 $0x1C02, s22;
	(pc) =	sbr.rel @p0 .LBB2_1-.Ltmp3, $4  }
0x80: {  	[hbm:s13], [sflag:s22] =	dma.local [spmem:s23], $0x2800  }
0x81: {  	_ =	swait.ge [sflag:s16], $0x2800  }
0x82: {  	[sflag:s16] =	ssyncset.done $0x0  }
0x83: {  	[sflag:s16] =	ssyncadd.s32 $0xFFFFD800  }
0x84: {  	_ =	sfence.sel $0x180000  }
0x85: {  	[bflag:$0x0] =	sbarrier.arrive $0xFFFF  }
0x86: {  	p0 =	sne.s32 s0, $0x0;
	_ =	strace $0x90000050  }
0x87: {  	s0 =	sadd.s32 @!p0 $0x100000, s1;
	[bflag:$0x2] =	sbarrier.arrive $0xFFFF  }
0x88: {  	[sflag:s0] =	ssyncadd.tile.s32 @!p0 $0x1;
	_ =	shalt  }
.Lfunc_end2:
_tile_overlayer_lowered:
.L_overlay_start_2:
0x89: {  	(tag) =	ssettag $0x2  }
0x8a: {  	s0 =	rddreg [dreg:$0x0];
	s2 =	stileid.u32  }
0x8b: {  	s1 =	rddreg [dreg:$0x1];
	p0 =	sne.s32 s2, $0x0  }
0x8c: {  	s3 =	rddreg [dreg:$0x2];
	[bflag:$0x3] =	sbarrier.arrive $0xFFFF;
	s2 =	simm.s32 @!p0 $0x1C02  }
0x8d: {  	[timem:s3], [sflag:s2] =	dma.local @!p0 [hbm:s0], s1  }
0x8e: {  	s0 =	simm.s32 @!p0 $0x2  }
0x8f: {  	_ =	swait.ge @!p0 [sflag:s0], s1  }
0x90: {  	s1 =	ssub.s32 @!p0 $0x0, s1;
	[sflag:s0] =	ssyncset.done @!p0 $0x0  }
0x91: {  	[sflag:s0] =	ssyncadd.s32 @!p0 s1  }
0x92: {  	[bflag:$0x3] =	sbarrier.arrive $0xFFFF  }
0x93: {  	_ =	shalt  }

// kernel: kernel.23.cloned.1.call-start
scs
__scs_entry_jumppad:
0x0: {  	(pc) =	sbr.rel $0x88, $3  }
0x1: {  	(tag) =	ssettag $0x0;
	lr =	simm.s32 $0x1  }
0x2: {  	[smem:$0x3F9E] =	sst lr;
	_ =	strace $0xD0000000  }
0x3: {  	_ = 	snop  }
0x4: {  	_ = 	snop  }
0x5: {  	_ = 	snop  }
0x6: {  	_ = 	snop  }
0x7: {  	_ = 	snop  }
__scs_overlays_trampoline_lowered:
0x8: {  	[smem:$0x3FAD] =	sst s0  }
0x9: {  	[smem:$0x3FAE] =	sst s1  }
0xa: {  	[smem:$0x3FAF] =	sst s2  }
0xb: {  	[smem:$0x3FB0] =	sst s3  }
0xc: {  	[smem:$0x3FB1] =	sst s4  }
0xd: {  	[smem:$0x3FB2] =	sst s5  }
0xe: {  	[smem:$0x3FB3] =	sst s6  }
0xf: {  	[smem:$0x3FB4] =	sst s7  }
0x10: {  	[smem:$0x3FB5] =	sst s8  }
0x11: {  	[smem:$0x3FB6] =	sst s9;
	s0 =	simm.s32 @!p0 $0x0  }
0x12: {  	s1 =	sld [smem:$0x3F9C];
	s0 =	simm.s32 @p0 $0x1  }
0x13: {  	[smem:$0x3FB7] =	sst s0;
	s0 =	simm.s32 @!p1 $0x0  }
0x14: {  	s2 =	sld [smem:$0x3F9B];
	s0 =	simm.s32 @p1 $0x1  }
0x15: {  	[smem:$0x3FB8] =	sst s0;
	s0 =	simm.s32 @!p2 $0x0  }
0x16: {  	s3 =	sld [smem:$0x3FDB];
	s0 =	simm.s32 @p2 $0x1  }
0x17: {  	s4 =	simm.s32 $0x1BF5;
	[smem:$0x3FBA] =	sst s0  }
0x18: {  	s0 =	sld [smem:$0x3F9D];
	_ =	swait.ge [sflag:s4], $0x0  }
0x19: {  	s7 =	sld [smem:$0x3F9E]  }
0x1a: {  	s8 =	sadd.s32 $0xFFFFE003, lr  }
0x1b: {  	s9 =	sadd.s32 $0xFFFFFEF7, lr;
	s5 =	simm.s32 $0xFFFFFFFF;
	p2 =	slt.u32 s8, $0xFFFFF086  }
0x1c: {  	p1 =	slt.u32 s9, $0xF7A;
	s5 =	simm.s32 @!p2 $0x0  }
0x1d: {  	s5 =	simm.s32 @p1 $0x1;
	p0 =	seq.s32 s7, s2  }
0x1e: {  	s7 =	smul.u32 @!p0 $0xF7A, s2;
	p2 =	seq.s32 @!p0 s5, $0x0  }
0x1f: {  	s9 =	smul.u32 $0xF7A, s1;
	s8 =	simm.s32 @!p0 $0x1BF5;
	p2 =	por !p2, p0  }
0x20: {  	[sflag:s8] =	ssyncset.s32 @!p0 $0xFFFFF086;
	s6 =	sadd.s32 @!p0 s3, s7;
	s7 =	simm.s32 @!p0 $0x108  }
0x21: {  	s3 =	sadd.s32 s3, s9;
	s6 =	sadd.s32 @!p0 $0x88, s6;
	s7 =	simm.s32 @p2 $0x1082  }
0x22: {  	[simem:s7], [sflag:s8] =	dma.local @!p0 [hbm:s6], $0xF7A  }
0x23: {  	s9 =	sor.u32 $0xD0000000, s2;
	s6 =	simm.s32 $0x108;
	_ =	swait.ge @!p0 [sflag:s8], $0x0  }
0x24: {  	s3 =	sadd.s32 $0x88, s3;
	s6 =	simm.s32 @!p1 $0x1082;
	[sflag:s4] =	ssyncset.s32 $0xFFFFF086  }
0x25: {  	[simem:s6], [sflag:s4] =	dma.local [hbm:s3], $0xF7A  }
0x26: {  	[smem:$0x3F9E] =	sst s1;
	(tag) =	ssettag s2;
	_ =	strace s9  }
0x27: {  	s1 =	sld [smem:$0x3FAE]  }
0x28: {  	s2 =	sld [smem:$0x3FAF]  }
0x29: {  	s4 =	sld [smem:$0x3FB1]  }
0x2a: {  	p0 =	seq.s32 s5, $0x0;
	s5 =	sld [smem:$0x3FB2]  }
0x2b: {  	s6 =	sld [smem:$0x3FB3]  }
0x2c: {  	s7 =	sld [smem:$0x3FB4]  }
0x2d: {  	s3 =	simm.s32 $0x108;
	s8 =	sld [smem:$0x3FB5]  }
0x2e: {  	s3 =	simm.s32 @!p0 $0x1082;
	s9 =	sld [smem:$0x3FB6]  }
0x2f: {  	lr =	sadd.s32 s0, s3;
	s0 =	sld [smem:$0x3FAD]  }
0x30: {  	s3 =	sld [smem:$0x3FB0]  }
0x31: {  	[smem:$0x3FB9] =	sst s10  }
0x32: {  	s10 =	sld [smem:$0x3FB7];
	_ =	sdelay $0x3  }
0x33: {  	p0 =	seq.s32 s10, $0x1;
	s10 =	sld [smem:$0x3FB9];
	_ =	sdelay $0x3  }
0x34: {  	[smem:$0x3FB9] =	sst s10  }
0x35: {  	s10 =	sld [smem:$0x3FB8];
	_ =	sdelay $0x3  }
0x36: {  	p1 =	seq.s32 s10, $0x1;
	s10 =	sld [smem:$0x3FB9];
	_ =	sdelay $0x3  }
0x37: {  	[smem:$0x3FB9] =	sst s10  }
0x38: {  	s10 =	sld [smem:$0x3FBA]  }
0x39: {  	_ = 	snop;
	(pc) =	sbr.ind lr, $3  }
0x3a: {  	_ = 	snop  }
0x3b: {  	_ = 	snop  }
0x3c: {  	p2 =	seq.s32 s10, $0x1;
	s10 =	sld [smem:$0x3FB9]  }
0x3d: {  	_ =	shalt  }
0x3e: {  	_ =	shalt  }
0x3f: {  	_ =	shalt  }
0x40: {  	_ =	shalt  }
0x41: {  	_ =	shalt  }
0x42: {  	_ =	shalt  }
0x43: {  	_ =	shalt  }
0x44: {  	_ =	shalt  }
0x45: {  	_ =	shalt  }
0x46: {  	_ =	shalt  }
0x47: {  	_ =	shalt  }
0x48: {  	_ =	shalt  }
0x49: {  	_ =	shalt  }
0x4a: {  	_ =	shalt  }
0x4b: {  	_ =	shalt  }
0x4c: {  	_ =	shalt  }
0x4d: {  	_ =	shalt  }
0x4e: {  	_ =	shalt  }
0x4f: {  	_ =	shalt  }
0x50: {  	_ =	shalt  }
0x51: {  	_ =	shalt  }
0x52: {  	_ =	shalt  }
0x53: {  	_ =	shalt  }
0x54: {  	_ =	shalt  }
0x55: {  	_ =	shalt  }
0x56: {  	_ =	shalt  }
0x57: {  	_ =	shalt  }
0x58: {  	_ =	shalt  }
0x59: {  	_ =	shalt  }
0x5a: {  	_ =	shalt  }
0x5b: {  	_ =	shalt  }
0x5c: {  	_ =	shalt  }
0x5d: {  	_ =	shalt  }
0x5e: {  	_ =	shalt  }
0x5f: {  	_ =	shalt  }
0x60: {  	_ =	shalt  }
0x61: {  	_ =	shalt  }
0x62: {  	_ =	shalt  }
0x63: {  	_ =	shalt  }
0x64: {  	_ =	shalt  }
0x65: {  	_ =	shalt  }
0x66: {  	_ =	shalt  }
0x67: {  	_ =	shalt  }
0x68: {  	_ =	shalt  }
0x69: {  	_ =	shalt  }
0x6a: {  	_ =	shalt  }
0x6b: {  	_ =	shalt  }
0x6c: {  	_ =	shalt  }
0x6d: {  	_ =	shalt  }
0x6e: {  	_ =	shalt  }
0x6f: {  	_ =	shalt  }
0x70: {  	_ =	shalt  }
0x71: {  	_ =	shalt  }
0x72: {  	_ =	shalt  }
0x73: {  	_ =	shalt  }
0x74: {  	_ =	shalt  }
0x75: {  	_ =	shalt  }
0x76: {  	_ =	shalt  }
0x77: {  	_ =	shalt  }
0x78: {  	_ =	shalt  }
0x79: {  	_ =	shalt  }
0x7a: {  	_ =	shalt  }
0x7b: {  	_ =	shalt  }
0x7c: {  	_ =	shalt  }
0x7d: {  	_ =	shalt  }
0x7e: {  	_ =	shalt  }
0x7f: {  	_ =	shalt  }
0x80: {  	_ =	shalt  }
0x81: {  	_ =	shalt  }
0x82: {  	_ =	shalt  }
0x83: {  	_ =	shalt  }
0x84: {  	_ =	shalt  }
0x85: {  	_ =	shalt  }
0x86: {  	_ =	shalt  }
0x87: {  	_ =	shalt  }
.Lfunc_end0:
.L_simem_size_0:
called_computation.4_lowered:
.L_overlay_start_0:
0x88: {  	s2 =	sld [smem:$0x3FD9]  }
0x89: {  	s3 =	sld [smem:$0x3FFE];
	_ =	sdelay $0x1  }
0x8a: {  	s1 =	srdreg.scid  }
0x8b: {  	s0 =	sand.u32 $0x1, s1  }
0x8c: {  	s14 =	sshll.u32 s0, $0xA;
	s2 =	sadd.s32 s3, s2  }
0x8d: {  	s2 =	sadd.s32 s2, s14  }
0x8e: {  	[smem:$0x3FC5] =	sst s2  }
0x8f: {  	_ = 	snop  }
0x90: {  	s2 =	sld [smem:$0x3FD0];
	_ =	sdelay $0x2  }
0x91: {  	s15 =	simm.s32 $0xA;
	s4 =	simm.s32 $0x10  }
0x92: {  	[smem:s4], [sflag:s15] =	dma.local [hbm:s2], $0x1  }
0x93: {  	_ =	swait.eq [sflag:s15], $0x1  }
0x94: {  	[sflag:s15] =	ssyncset.done $0x0  }
0x95: {  	s16 =	sld [smem:$0x10];
	[sflag:s15] =	ssyncadd.s32 $0xFFFFFFFF  }
0x96: {  	s17 =	sld [smem:$0x11];
	(tm) =	ssettm $0x1  }
0x97: {  	s18 =	sld [smem:$0x3FFB];
	_ =	sdelay $0x3  }
0x98: {  	_ =	strace s18  }
0x99: {  	s4 =	sld [smem:$0x3FFC];
	_ =	sdelay $0x3  }
0x9a: {  	_ =	strace s4  }
0x9b: {  	s4 =	sld [smem:$0x3FFD];
	_ =	sdelay $0x3  }
0x9c: {  	_ =	strace s4  }
0x9d: {  	_ =	strace $0x8FFFFFFF  }
0x9e: {  	s19 =	sld [smem:$0x3FDB];
	_ =	sdelay $0x1  }
0x9f: {  	s5 =	simm.s32 $_scs_section_size  }
0xa0: {  	s6 =	simm.s32 $_size__tile_overlayer_lowered;
	s7 =	simm.s32 $_tile_overlayer_lowered  }
0xa1: {  	s22 =	simm.s32 $0x1BFF;
	s21 =	sshll.u32 s7, $0x1;
	s4 =	sadd.s32 s5, s19  }
0xa2: {  	s8 =	simm.s32 $0x0;
	s20 =	sshll.u32 s6, $0x1;
	s6 =	sadd.s32 s21, s4  }
0xa3: {  	[timem:s8], [sflag:s22] =	dma.local [hbm:s6], s20  }
0xa4: {  	_ =	swait.ge [sflag:s22], s20  }
0xa5: {  	s5 =	ssub.s32 $0x0, s20;
	[sflag:s22] =	ssyncset.done $0x0  }
0xa6: {  	[sflag:s22] =	ssyncadd.s32 s5;
	_ =	sdelay $0x1  }
0xa7: {  	s23 =	simm.s32 $0x1B8B  }
0xa8: {  	_ =	swait.ge [sflag:s23], $0x1  }
0xa9: {  	[sflag:s23] =	ssyncset.done $0x0  }
0xaa: {  	s25 =	simm.s32 $0x1B8E;
	s24 =	sld [smem:$0x3FFE];
	[sflag:s23] =	ssyncadd.s32 $0xFFFFFFFF  }
0xab: {  	s26 =	simm.s32 $execute0_lowered;
	[smem:$0x3FD2] =	sst s25  }
0xac: {  	s6 =	sshll.u32 s26, $0x1;
	_ =	strace $0x80000052;
	[dreg:$0x1] =	wrdreg $0xFFFFFFFF  }
0xad: {  	s28 =	simm.s32 $_size_execute0_lowered;
	s4 =	sadd.s32 s4, s6;
	[dreg:$0x0] =	wrdreg $0x0  }
0xae: {  	s6 =	sshll.u32 s28, $0x1;
	[dreg:$0x2] =	wrdreg s4  }
0xaf: {  	[dreg:$0x3] =	wrdreg s6  }
0xb0: {  	[dreg:$0x4] =	wrdreg $0xC0  }
0xb1: {  	_ =	task [dreg:s8], $0x5FFFF  }
0xb2: {  	[dreg:$0x1] =	wrdreg $0xFFFFFFFF  }
0xb3: {  	[dreg:$0x0] =	wrdreg $0x60  }
0xb4: {  	[dreg:$0x2] =	wrdreg s16  }
0xb5: {  	[dreg:$0x3] =	wrdreg s24  }
0xb6: {  	[dreg:$0x4] =	wrdreg s17  }
0xb7: {  	[dreg:$0x5] =	wrdreg $0x0  }
0xb8: {  	[dreg:$0x6] =	wrdreg $0x9  }
0xb9: {  	_ =	task.clear_ibuf [dreg:s8], $0x7FFFF;
	_ =	strace $0x90000052  }
0xba: {  	s29 =	simm.s32 $0x9;
	_ =	strace $0x80000054  }
0xbb: {  	_ =	swait.ge [sflag:s29], $0x1  }
0xbc: {  	[sflag:s29] =	ssyncadd.s32 $0xFFFFFFFF  }
0xbd: {  	_ =	strace $0x90000054  }
0xbe: {  	_ =	sfence  }
0xbf: {  	s30 =	sld [smem:$0x0];
	_ =	sdelay $0x2  }
0xc0: {  	s31 =	sshll.u32 s1, $0xD;
	s1 =	sshrl.u32 s1, $0x2  }
0xc1: {  	s3 =	sand.u32 $0x4000, s31;
	s1 =	sadd.s32 s1, s30  }
0xc2: {  	s0 =	sor.u32 s3, s0;
	s1 =	sshll.u32 s1, $0x11  }
0xc3: {  	s0 =	sor.u32 s1, s0  }
0xc4: {  	s0 =	sadd.s32 $0x8F2B, s0  }
0xc5: {  	[sflag:s0] =	ssyncadd.remote.s32 $0x1  }
0xc6: {  	_ =	sfence.sel $0xFFFF  }
0xc7: {  	[dreg:$0x0] =	wrdreg $0xFFFFFFFF;
	(pc) =	sbr.abs _section_cstart, $3  }
0xc8: {  	[dreg:$0x1] =	wrdreg $0xFFFFFFFF  }
0xc9: {  	_ =	task.clear_ibuf [dreg:s8], $0x2FFFF;
	_ =	strace $0x9FFFFFFF  }
0xca: {  	(tm) =	ssettm $0x7FFFFFFF  }
0xcb: {  	_ =	shalt  }
tec
execute0_lowered:
.L_overlay_start_1:
0x0: {  	(tag) =	ssettag $0x1  }
0x1: {  	s10 =	rddreg [dreg:$0x0]  }
0x2: {  	s6 =	rddreg [dreg:$0x1]  }
0x3: {  	s2 =	rddreg [dreg:$0x2]  }
0x4: {  	s0 =	srdreg.scid;
	s3 =	rddreg [dreg:$0x3];
	s4 =	simm.s32 $0x0  }
0x5: {  	s15 =	simm.s32 $0x1B800;
	s16 =	simm.s32 $0x2;
	s17 =	simm.s32 $0x14000  }
0x6: {  	s18 =	simm.s32 $0x16800;
	s19 =	simm.s32 $0x19000;
	s5 =	sand.u32 $0x1, s0  }
0x7: {  	s20 =	simm.s32 $0x80;
	s0 =	stileid.u32;
	s7 =	smul.u32 $0x140000, s5  }
0x8: {  	s21 =	simm.s32 $0x1;
	s1 =	sshll.u32 s5, $0x4;
	s8 =	smul.u32 $0x14000, s0  }
0x9: {  	s9 =	smul.u32 $0x50000, s0;
	s29 =	ssub.s32 $0x2, s5;
	s1 =	sor.u32 s0, s1  }
0xa: {  	[smem:$0x7FF] =	sst s4;
	s31 =	sshrl.u32 s29, $0x1;
	s11 =	smul.u32 $0x500, s1  }
0xb: {  	s1 =	rddreg [dreg:$0x4];
	_ =	strace $0x80000053;
	s7 =	sadd.s32 s8, s7  }
0xc: {  	s30 =	sshrl.u32 s9, $0x2;
	s14 =	ssub.s32 s29, s31;
	s7 =	sshrl.u32 s7, $0x3  }
0xd: {  	s5 =	sadd.s32 s30, s3;
	s14 =	smax.u32 s14, $0x1;
	s12 =	sadd.s32 s11, s6  }
0xe: {  	s13 =	sadd.s32 s7, s6;
	s6 =	sadd.s32 $0x4000, s5;
	s7 =	sadd.s32 $0x8000, s5  }
0xf: {  	s8 =	sadd.s32 $0xC000, s5;
	s9 =	sadd.s32 $0x10000, s5;
	s10 =	sadd.s32 s10, s11  }
0x10: {  	v0 =	vimm.f32 $0.0e+00;
	s11 =	sadd.s32 $0x2400, s12;
	s12 =	sadd.s32 $0xCA00, s12;
	s13 =	sadd.s32 $0x16A00, s13  }
.LBB2_1:
0x11: {  	s22 =	simm.s32 $0x0;
	s23 =	simm.s32 $0x200  }
.LBB2_2:
0x12: {  	p0 =	sne.s32 s23, $0xFE00;
	[tilespmem:s22+$0x1B870] =	vst v0  }
0x13: {  	[tilespmem:s22+$0x1B800] =	vst v0  }
0x14: {  	[tilespmem:s22+$0x1B810] =	vst v0  }
.Ltmp0:
0x15: {  	[tilespmem:s22+$0x1B820] =	vst v0;
	(pc) =	sbr.rel @p0 .LBB2_2-.Ltmp0, $4  }
0x16: {  	[tilespmem:s22+$0x1B830] =	vst v0  }
0x17: {  	[tilespmem:s22+$0x1B840] =	vst v0  }
0x18: {  	[tilespmem:s22+$0x1B850] =	vst v0  }
0x19: {  	[tilespmem:s22+$0x1B860] =	vst v0;
	s22 =	sshra.s32 s23, $0x2;
	s23 =	sadd.s32 $0x200, s23  }
0x1a: {  	[tilespmem:s22+$0x1B870] =	vst v0  }
0x1b: {  	[tilespmem:s22+$0x1B800] =	vst v0  }
0x1c: {  	[tilespmem:s22+$0x1B810] =	vst v0  }
0x1d: {  	[tilespmem:s22+$0x1B820] =	vst v0  }
0x1e: {  	[tilespmem:s22+$0x1B830] =	vst v0  }
0x1f: {  	[tilespmem:s22+$0x1B840] =	vst v0  }
0x20: {  	[tilespmem:s22+$0x1B850] =	vst v0  }
0x21: {  	[tilespmem:s22+$0x1B860] =	vst v0  }
0x22: {  	[spmem:s5] =	stream.linear.scatter [tilespmem:s15], [sflag:$0x2], $0x4000, $0x38;
	[tilespmem:$0x1F800] =	vst v63  }
0x23: {  	_ =	swait.ge [sflag:s16], $0x4000  }
0x24: {  	[sflag:s16] =	ssyncset.done $0x0  }
0x25: {  	[sflag:s16] =	ssyncadd.s32 $0xFFFFC000  }
0x26: {  	[spmem:s6] =	stream.linear.scatter [tilespmem:s15], [sflag:$0x2], $0x4000, $0x38;
	[tilespmem:$0x1F800] =	vst v63  }
0x27: {  	_ =	swait.ge [sflag:s16], $0x4000  }
0x28: {  	[sflag:s16] =	ssyncset.done $0x0  }
0x29: {  	[sflag:s16] =	ssyncadd.s32 $0xFFFFC000  }
0x2a: {  	[spmem:s7] =	stream.linear.scatter [tilespmem:s15], [sflag:$0x2], $0x4000, $0x38;
	[tilespmem:$0x1F800] =	vst v63  }
0x2b: {  	_ =	swait.ge [sflag:s16], $0x4000  }
0x2c: {  	[sflag:s16] =	ssyncset.done $0x0  }
0x2d: {  	[sflag:s16] =	ssyncadd.s32 $0xFFFFC000  }
0x2e: {  	[spmem:s8] =	stream.linear.scatter [tilespmem:s15], [sflag:$0x2], $0x4000, $0x38;
	[tilespmem:$0x1F800] =	vst v63  }
0x2f: {  	_ =	swait.ge [sflag:s16], $0x4000  }
0x30: {  	[sflag:s16] =	ssyncset.done $0x0  }
0x31: {  	[sflag:s16] =	ssyncadd.s32 $0xFFFFC000  }
0x32: {  	[spmem:s9] =	stream.linear.scatter [tilespmem:s15], [sflag:$0x2], $0x4000, $0x38;
	[tilespmem:$0x1F800] =	vst v63  }
0x33: {  	_ =	swait.ge [sflag:s16], $0x4000  }
0x34: {  	[sflag:s16] =	ssyncset.done $0x0  }
0x35: {  	s22 =	simm.s32 $0x0;
	[sflag:s16] =	ssyncadd.s32 $0xFFFFC000  }
0x36: {  	[tilespmem:s17], [sflag:$0x2] =	stream.linear.gather [hbm4b:s10+s22], $0x2800, $0x38;
	[tilespmem:$0x1F800] =	vst v63  }
0x37: {  	_ =	swait.ge [sflag:s16], $0x2800  }
0x38: {  	[sflag:s16] =	ssyncset.done $0x0  }
0x39: {  	[sflag:s16] =	ssyncadd.s32 $0xFFFFD800  }
0x3a: {  	[tilespmem:s18], [sflag:$0x2] =	stream.linear.gather [hbm4b:s11+s22], $0x2800, $0x38;
	[tilespmem:$0x1F800] =	vst v63  }
0x3b: {  	_ =	swait.ge [sflag:s16], $0x2800  }
0x3c: {  	[sflag:s16] =	ssyncset.done $0x0  }
0x3d: {  	[sflag:s16] =	ssyncadd.s32 $0xFFFFD800  }
0x3e: {  	[tilespmem:s19], [sflag:$0x2] =	stream.linear.gather [hbm4b:s12+s22], $0x2800, $0x38;
	[tilespmem:$0x1F800] =	vst v63  }
0x3f: {  	_ =	swait.ge [sflag:s16], $0x2800  }
0x40: {  	[sflag:s16] =	ssyncset.done $0x0  }
0x41: {  	[sflag:s16] =	ssyncadd.s32 $0xFFFFD800  }
0x42: {  	s23 =	simm.s32 $0x0;
	[bflag:$0x0] =	sbarrier.arrive $0xFFFF  }
.LBB2_4:
0x43: {  	s24 =	sshll.u32 s23, $0x7;
	v2 =	vmov s22  }
0x44: {  	s25 =	sadd.s32 $0x14000, s24;
	v1 =	vmov s24;
	v2 =	vand.u32 $0x7F, v2  }
0x45: {  	[tilespmem:s15], [sflag:$0x1] =	stream.indirect.gather [hbm4b:s2+s20], $0x80, s25, s20, $0xb8;
	v2 =	vadd.s32 v1, v2;
	[tilespmem:$0x1F800] =	vst v63  }
0x46: {  	_ =	swait.ge [sflag:s21], $0x4000;
	v2 =	vbroadcast v2, $0x0  }
0x47: {  	[sflag:s21] =	ssyncset.done $0x0  }
0x48: {  	s25 =	simm.s32 $0x1B840;
	[sflag:s21] =	ssyncadd.s32 $0xFFFFC000  }
0x49: {  	v6 =	vld [tilespmem:s25+$0x30]  }
0x4a: {  	v9 =	vld [tilespmem:s25+$0x10]  }
0x4b: {  	v7 =	vld [tilespmem:s25+$0xFFFFFFC0]  }
0x4c: {  	v3 =	vld.idx.msk [tilespmem:v2+s19+$0x0], $0xffff  }
0x4d: {  	v12 =	vld [tilespmem:s25+$0xFFFFFFE0]  }
0x4e: {  	v4 =	vld [tilespmem:s25+$0x20]  }
0x4f: {  	v5 =	vld [tilespmem:s25+$0xFFFFFFD0]  }
0x50: {  	v2 =	vld [tilespmem:s25+$0xFFFFFFF0]  }
0x51: {  	v10 =	vmul.f32 v6, v3;
	v6 =	vld [tilespmem:s25+$0x0]  }
0x52: {  	s26 =	simm.s32 $0x1;
	v8 =	vmul.f32 v7, v3  }
0x53: {  	s28 =	simm.s32 $0x2;
	v11 =	vmov s26;
	s26 =	simm.s32 $0x1B840;
	v7 =	vmul.f32 v12, v3;
	v9 =	vmul.f32 v9, v3  }
.LBB2_5:
0x54: {  	p0 =	sne.s32 s28, $0x7F  }
0x55: {  	v11 =	vand.u32 $0x7F, v11;
	v5 =	vmul.f32 v5, v3;
	v4 =	vmul.f32 v4, v3;
	[tilespmem:s25+$0x30] =	vst v10;
	s26 =	sadd.s32 $0x80, s26;
	s29 =	smov.u32 s28;
	s28 =	sadd.s32 $0x1, s28  }
0x56: {  	v10 =	vadd.s32 v1, v11;
	[tilespmem:s25+$0xFFFFFFC0] =	vst v8;
	v8 =	vmul.f32 v2, v3;
	v3 =	vmul.f32 v6, v3  }
0x57: {  	v6 =	vbroadcast v10, $0x0;
	[tilespmem:s25+$0x10] =	vst v9  }
0x58: {  	[tilespmem:s25+$0xFFFFFFE0] =	vst v7  }
0x59: {  	v2 =	vld [tilespmem:s26+$0xFFFFFFF0];
	[tilespmem:s25+$0xFFFFFFF0] =	vst v8  }
0x5a: {  	v7 =	vld [tilespmem:s26+$0x30];
	[tilespmem:s25+$0x0] =	vst v3  }
0x5b: {  	v9 =	vld [tilespmem:s26+$0x10];
	[tilespmem:s25+$0x20] =	vst v4  }
0x5c: {  	v8 =	vld [tilespmem:s26+$0xFFFFFFC0];
	[tilespmem:s25+$0xFFFFFFD0] =	vst v5;
	s25 =	smov.u32 s26  }
0x5d: {  	v3 =	vld.idx.msk [tilespmem:v6+s19+$0x0], $0xffff  }
0x5e: {  	v12 =	vld [tilespmem:s26+$0xFFFFFFE0]  }
0x5f: {  	v4 =	vld [tilespmem:s26+$0x20]  }
.Ltmp1:
0x60: {  	v5 =	vld [tilespmem:s26+$0xFFFFFFD0];
	(pc) =	sbr.rel @p0 .LBB2_5-.Ltmp1, $3  }
0x61: {  	v6 =	vld [tilespmem:s26+$0x0];
	_ =	sdelay $0x1  }
0x62: {  	v8 =	vmul.f32 v8, v3;
	v10 =	vmul.f32 v7, v3  }
0x63: {  	v11 =	vmov s29;
	v9 =	vmul.f32 v9, v3;
	v7 =	vmul.f32 v12, v3  }
0x64: {  	[tilespmem:s25+$0x30] =	vst v10;
	v58 =	vand.u32 $0x7F, v11  }
0x65: {  	[tilespmem:s25+$0xFFFFFFC0] =	vst v8;
	v1 =	vadd.s32 v1, v58  }
0x66: {  	v2 =	vmul.f32 v2, v3;
	[tilespmem:s25+$0x10] =	vst v9;
	v1 =	vbroadcast v1, $0x0  }
0x67: {  	s26 =	sadd.s32 $0x80, s26;
	[tilespmem:s25+$0xFFFFFFE0] =	vst v7;
	v6 =	vmul.f32 v6, v3  }
0x68: {  	v4 =	vmul.f32 v4, v3;
	v3 =	vmul.f32 v5, v3;
	v7 =	vld [tilespmem:s26+$0xFFFFFFF0];
	[tilespmem:s25+$0xFFFFFFF0] =	vst v2  }
0x69: {  	v2 =	vld [tilespmem:s26+$0x30];
	[tilespmem:s25+$0x0] =	vst v6  }
0x6a: {  	v60 =	vld [tilespmem:s26+$0xFFFFFFC0];
	[tilespmem:s25+$0xFFFFFFD0] =	vst v3  }
0x6b: {  	v59 =	vld [tilespmem:s26+$0x10];
	[tilespmem:s25+$0x20] =	vst v4  }
0x6c: {  	v1 =	vld.idx.msk [tilespmem:v1+s19+$0x0], $0xffff;
	_ =	sdelay $0x2  }
0x6d: {  	v6 =	vld [tilespmem:s26+$0x0]  }
0x6e: {  	v3 =	vld [tilespmem:s26+$0xFFFFFFE0]  }
0x6f: {  	v2 =	vmul.f32 v2, v1  }
0x70: {  	v61 =	vld [tilespmem:s26+$0x20];
	v4 =	vmul.f32 v60, v1  }
0x71: {  	v62 =	vld [tilespmem:s26+$0xFFFFFFD0];
	v5 =	vmul.f32 v59, v1;
	[tilespmem:s26+$0x30] =	vst v2  }
0x72: {  	v63 =	vmul.f32 v6, v1;
	[tilespmem:s26+$0xFFFFFFC0] =	vst v4  }
0x73: {  	v2 =	vmul.f32 v3, v1;
	[tilespmem:s26+$0x10] =	vst v5  }
0x74: {  	v3 =	vmul.f32 v7, v1;
	[tilespmem:s26+$0x0] =	vst v63  }
0x75: {  	[tilespmem:s26+$0xFFFFFFE0] =	vst v2;
	v2 =	vmul.f32 v61, v1  }
0x76: {  	s23 =	sadd.s32 $0x1, s23;
	[tilespmem:s26+$0xFFFFFFF0] =	vst v3;
	v1 =	vmul.f32 v62, v1  }
0x77: {  	p0 =	sne.s32 s23, $0x50;
	[tilespmem:s26+$0x20] =	vst v2  }
.Ltmp2:
0x78: {  	s24 =	sadd.s32 $0x16800, s24;
	[tilespmem:s26+$0xFFFFFFD0] =	vst v1;
	(pc) =	sbr.rel @p0 .LBB2_4-.Ltmp2, $4  }
0x79: {  	[spmem:s3] =	stream.indirect.scatter.add.f32 [tilespmem:s15], [sflag:$0x2], $0x80, s24, s20, $0xb8;
	[tilespmem:$0x1F800] =	vst v63  }
0x7a: {  	_ =	swait.ge [sflag:s16], $0x4000  }
0x7b: {  	[sflag:s16] =	ssyncset.done $0x0  }
0x7c: {  	[sflag:s16] =	ssyncadd.s32 $0xFFFFC000  }
0x7d: {  	s4 =	sadd.s32 $0x1, s4  }
0x7e: {  	s22 =	sshll.u32 s0, $0x6;
	[bflag:$0x0] =	sbarrier.arrive $0xFFFF;
	p0 =	sne.s32 s4, s14  }
.Ltmp3:
0x7f: {  	s23 =	sshrl.u32 s5, $0x3;
	s22 =	sor.u32 $0x1C02, s22;
	(pc) =	sbr.rel @p0 .LBB2_1-.Ltmp3, $4  }
0x80: {  	[hbm:s13], [sflag:s22] =	dma.local [spmem:s23], $0x2800  }
0x81: {  	_ =	swait.ge [sflag:s16], $0x2800  }
0x82: {  	[sflag:s16] =	ssyncset.done $0x0  }
0x83: {  	[sflag:s16] =	ssyncadd.s32 $0xFFFFD800  }
0x84: {  	_ =	sfence.sel $0x180000  }
0x85: {  	[bflag:$0x0] =	sbarrier.arrive $0xFFFF  }
0x86: {  	p0 =	sne.s32 s0, $0x0;
	_ =	strace $0x90000053  }
0x87: {  	s0 =	sadd.s32 @!p0 $0x100000, s1;
	[bflag:$0x2] =	sbarrier.arrive $0xFFFF  }
0x88: {  	[sflag:s0] =	ssyncadd.tile.s32 @!p0 $0x1;
	_ =	shalt  }
.Lfunc_end2:
_tile_overlayer_lowered:
.L_overlay_start_2:
0x89: {  	(tag) =	ssettag $0x2  }
0x8a: {  	s0 =	rddreg [dreg:$0x0];
	s2 =	stileid.u32  }
0x8b: {  	s1 =	rddreg [dreg:$0x1];
	p0 =	sne.s32 s2, $0x0  }
0x8c: {  	s3 =	rddreg [dreg:$0x2];
	[bflag:$0x3] =	sbarrier.arrive $0xFFFF;
	s2 =	simm.s32 @!p0 $0x1C02  }
0x8d: {  	[timem:s3], [sflag:s2] =	dma.local @!p0 [hbm:s0], s1  }
0x8e: {  	s0 =	simm.s32 @!p0 $0x2  }
0x8f: {  	_ =	swait.ge @!p0 [sflag:s0], s1  }
0x90: {  	s1 =	ssub.s32 @!p0 $0x0, s1;
	[sflag:s0] =	ssyncset.done @!p0 $0x0  }
0x91: {  	[sflag:s0] =	ssyncadd.s32 @!p0 s1  }
0x92: {  	[bflag:$0x3] =	sbarrier.arrive $0xFFFF  }
0x93: {  	_ =	shalt  }

</sc_bundles>
